<compile_context>
chip_gen: v7x
topology: tpu7x:2x2x1
jax: 0.10.2.dev20260603
libtpu: 0.0.44.dev20260713+nightly
codegen_flags: <defaults>
</compile_context>

<pallas_src>
import jax
import jax.numpy as jnp
from jax import lax
from jax.experimental import pallas as pl
from jax.experimental.pallas import tpu as pltpu
from jax.experimental.pallas import tpu_sc as plsc

N_NODES = 10000
NP = 10240
HALF = 128
NC = 2
NS = 16
LANES = 16
CHUNK = 64
CH_PER_TILE = 160
CH_HALF = CH_PER_TILE // 2
EP = NS * CH_PER_TILE * CHUNK
ROWS_PER_TILE = NP // NS
R_BLK = 5120


def _sc_mesh():
    return plsc.VectorSubcoreMesh(
        core_axis_name="c", subcore_axis_name="s",
        num_cores=NC, num_subcores=NS)



def _deg_body(dst_hbm, out_hbm, dstv, degv):
    c = lax.axis_index("c")
    s = lax.axis_index("s")
    wid = c * NS + s
    epw = EP // (NC * NS)
    pltpu.sync_copy(dst_hbm.at[pl.ds(wid * epw, epw)], dstv)

    zero = jnp.zeros((LANES,), jnp.float32)

    def zbody(k, carry):
        degv[pl.ds(k * LANES, LANES)] = zero
        return carry

    lax.fori_loop(0, NP // LANES, zbody, 0)

    one = jnp.ones((LANES,), jnp.float32)

    def abody(k, carry):
        idx = dstv[pl.ds(k * LANES, LANES)]
        plsc.addupdate_scatter(degv, [idx], one)
        return carry

    lax.fori_loop(0, epw // LANES, abody, 0)
    pltpu.sync_copy(degv, out_hbm.at[pl.ds(wid * NP, NP)])


def _deg_partials(dst_flat):
    k = pl.kernel(
        _deg_body,
        out_type=jax.ShapeDtypeStruct((NC * NS * NP,), jnp.float32),
        mesh=_sc_mesh(),
        compiler_params=pltpu.CompilerParams(needs_layout_passes=False),
        scratch_types=[
            pltpu.VMEM((EP // (NC * NS),), jnp.int32),
            pltpu.VMEM((NP,), jnp.float32),
        ])
    return k(dst_flat)



def _prop_body(u_hbm, src_hbm, dst_hbm, out_hbm, srcv, dstv,
               b0, b1, b2, b3, accsh,
               ga, gb, gc, gd, sa, sb, sc, sd):
    c = lax.axis_index("c")
    s = lax.axis_index("s")
    bufs = [b0, b1, b2, b3]
    gs = [ga, gb, gc, gd]
    ss = [sa, sb, sc, sd]
    base = c * NP + s * ROWS_PER_TILE
    pltpu.sync_copy(u_hbm.at[pl.ds(base, ROWS_PER_TILE)],
                    accsh.at[pl.ds(s * ROWS_PER_TILE, ROWS_PER_TILE)])
    plsc.subcore_barrier()

    def src_idx(row, col):
        return srcv.at[row, pl.ds(col * 64, 64)]

    for h in range(2):
        pltpu.sync_copy(
            src_hbm.at[pl.ds(c * (NS * CH_PER_TILE // 2)
                             + s * (CH_PER_TILE // 2) + h * (CH_HALF // 2),
                             CH_HALF // 2)], srcv)
        pltpu.sync_copy(
            dst_hbm.at[pl.ds(s * CH_PER_TILE + h * CH_HALF, CH_HALF)], dstv)

        pltpu.async_copy(u_hbm.at[src_idx(0, 0)], bufs[0], gs[0])
        pltpu.async_copy(u_hbm.at[src_idx(0, 1)], bufs[1], gs[1])

        def body(ii, carry):
            for k in range(4):
                j = 4 * ii + k
                kn = (k + 2) % 4
                pltpu.make_async_copy(
                    u_hbm.at[src_idx(2 * ii + k // 2, k % 2)],
                    bufs[k], gs[k]).wait()
                pltpu.async_copy(bufs[k], accsh.at[dstv.at[j]], ss[k],
                                 add=True)

                def retire(jj=j, kkn=kn):
                    pltpu.make_async_copy(
                        bufs[kkn], accsh.at[dstv.at[jj - 2]],
                        ss[kkn]).wait()

                def prefetch(ii=ii, k=k, kkn=kn):
                    pltpu.async_copy(
                        u_hbm.at[src_idx(2 * ii + (k + 2) // 2, k % 2)],
                        bufs[kkn], gs[kkn])

                if k < 2:
                    pl.when(ii >= 1)(retire)
                    prefetch()
                else:
                    retire()
                    pl.when(ii < CH_HALF // 4 - 1)(prefetch)
            return carry

        lax.fori_loop(0, CH_HALF // 4, body, 0)
        pltpu.make_async_copy(
            bufs[2], accsh.at[dstv.at[CH_HALF - 2]], ss[2]).wait()
        pltpu.make_async_copy(
            bufs[3], accsh.at[dstv.at[CH_HALF - 1]], ss[3]).wait()
    plsc.subcore_barrier()
    pltpu.sync_copy(accsh.at[pl.ds(s * ROWS_PER_TILE, ROWS_PER_TILE)],
                    out_hbm.at[pl.ds(base, ROWS_PER_TILE)])


def _propagate(u_flat, src_b, dst_b):
    k = pl.kernel(
        _prop_body,
        out_type=jax.ShapeDtypeStruct((NC * NP, HALF), jnp.float32),
        mesh=_sc_mesh(),
        scratch_types=(
            [pltpu.VMEM((CH_HALF // 2, 2 * CHUNK), jnp.int32),
             pltpu.VMEM((CH_HALF, CHUNK), jnp.int32)]
            + [pltpu.VMEM((CHUNK, HALF), jnp.float32)] * 4
            + [pltpu.VMEM_SHARED((NP, HALF), jnp.float32)]
            + [pltpu.SemaphoreType.DMA] * 8
        ))
    return k(u_flat, src_b, dst_b)



def _scale_split_body(x_ref, d8_ref, u_ref):
    u_ref[0] = x_ref[...] * d8_ref[:, 0:1]


def _scale_split(xp, dis8):
    return pl.pallas_call(
        _scale_split_body,
        grid=(NC, NP // R_BLK),
        in_specs=[
            pl.BlockSpec((R_BLK, HALF), lambda j, i: (i, j)),
            pl.BlockSpec((R_BLK, 8), lambda j, i: (i, 0)),
        ],
        out_specs=pl.BlockSpec((1, R_BLK, HALF), lambda j, i: (j, i, 0)),
        out_shape=jax.ShapeDtypeStruct((NC, NP, HALF), jnp.float32),
    )(xp, dis8)


def _mlp_body(sl_ref, sr_ref, d8_ref, W1_ref, b1_ref, W2_ref, u2_ref):
    dis = d8_ref[:, 0:1]
    p = jnp.concatenate([sl_ref[0], sr_ref[0]], axis=1) * dis
    h = jnp.dot(p.astype(jnp.bfloat16), W1_ref[...].astype(jnp.bfloat16),
                preferred_element_type=jnp.float32)
    h = jnp.maximum(h + b1_ref[...], 0.0)
    m = jnp.dot(h.astype(jnp.bfloat16), W2_ref[...].astype(jnp.bfloat16),
                preferred_element_type=jnp.float32)
    u2 = m * dis
    u2_ref[0] = u2[:, :HALF]
    u2_ref[1] = u2[:, HALF:]


def _mlp(s1, dis8, W1, b1, W2):
    return pl.pallas_call(
        _mlp_body,
        grid=(NP // R_BLK,),
        in_specs=[
            pl.BlockSpec((1, R_BLK, HALF), lambda i: (0, i, 0)),
            pl.BlockSpec((1, R_BLK, HALF), lambda i: (1, i, 0)),
            pl.BlockSpec((R_BLK, 8), lambda i: (i, 0)),
            pl.BlockSpec(W1.shape, lambda i: (0, 0)),
            pl.BlockSpec((1, b1.shape[1]), lambda i: (0, 0)),
            pl.BlockSpec(W2.shape, lambda i: (0, 0)),
        ],
        out_specs=pl.BlockSpec((NC, R_BLK, HALF), lambda i: (0, i, 0)),
        out_shape=jax.ShapeDtypeStruct((NC, NP, HALF), jnp.float32),
    )(s1, s1, dis8, W1, b1, W2)


def _finish_body(sl_ref, sr_ref, d8_ref, b2_ref, o_ref):
    dis = d8_ref[:, 0:1]
    o_ref[...] = (jnp.concatenate([sl_ref[0], sr_ref[0]], axis=1) * dis
                  + b2_ref[...])


def _finish(s2, dis8, b2):
    return pl.pallas_call(
        _finish_body,
        grid=(NP // R_BLK,),
        in_specs=[
            pl.BlockSpec((1, R_BLK, HALF), lambda i: (0, i, 0)),
            pl.BlockSpec((1, R_BLK, HALF), lambda i: (1, i, 0)),
            pl.BlockSpec((R_BLK, 8), lambda i: (i, 0)),
            pl.BlockSpec((1, b2.shape[1]), lambda i: (0, 0)),
        ],
        out_specs=pl.BlockSpec((R_BLK, 2 * HALF), lambda i: (i, 0)),
        out_shape=jax.ShapeDtypeStruct((N_NODES, 2 * HALF), jnp.float32),
    )(s2, s2, dis8, b2)



def kernel(x, edge_index, W1, b1, W2, b2):
    src = edge_index[0]
    dst = edge_index[1]
    e = src.shape[0]
    padidx = jnp.full((EP - e,), NP - 1, jnp.int32)
    srcp = jnp.concatenate([src, padidx])
    dstp = jnp.concatenate([dst, padidx])

    degp = _deg_partials(dstp).reshape(NC * NS, NP)
    deg = 1.0 + degp.sum(axis=0)
    dis8 = jnp.broadcast_to(lax.rsqrt(deg)[:, None], (NP, 8))

    src2d = srcp.reshape(NS * CH_PER_TILE // 2, 2 * CHUNK)
    src_b = jnp.concatenate([src2d, src2d + NP], axis=0)
    dst_b = dstp.reshape(NS * CH_PER_TILE, CHUNK)

    u1 = _scale_split(x, dis8).reshape(NC * NP, HALF)
    s1 = _propagate(u1, src_b, dst_b).reshape(NC, NP, HALF)
    u2 = _mlp(s1, dis8, W1, b1.reshape(1, -1), W2).reshape(NC * NP, HALF)
    s2 = _propagate(u2, src_b, dst_b).reshape(NC, NP, HALF)
    return _finish(s2, dis8, b2.reshape(1, -1))

# --- scband reference (transcript-rebuilt; emitter-appended) ---
"""Pipeline reference for scband-simple-gcn-5325759447471 (READ-ONLY COPY).

The authoritative reference and input builder live on the scoring server;
editing this copy changes nothing except your own understanding.
"""

import jax, jax.numpy as jnp
import numpy as np

N = 10000
E = 160000
D_IN = 256
D_HID = 512
D_OUT = 256


def setup_inputs(seed: int = 0) -> dict:
    key = jax.random.key(seed)
    k0, k1, k2, k3, k4, k5 = jax.random.split(key, 6)
    x = jax.random.normal(k0, (N, D_IN), dtype=jnp.float32)
    edge_index = jax.random.randint(k1, (2, E), 0, N, dtype=jnp.int32)
    W1 = jax.random.normal(k2, (D_IN, D_HID), dtype=jnp.float32) * (1.0 / np.sqrt(D_IN))
    b1 = jnp.zeros((D_HID,), dtype=jnp.float32)
    W2 = jax.random.normal(k3, (D_HID, D_OUT), dtype=jnp.float32) * (1.0 / np.sqrt(D_HID))
    b2 = jnp.zeros((D_OUT,), dtype=jnp.float32)
    return {"x": x, "edge_index": edge_index, "W1": W1, "b1": b1, "W2": W2, "b2": b2}


def _gcn_conv(x, edge_index, W, b):
    # x' = D^{-1/2} (A + I) D^{-1/2} X W + b   (PyG GCNConv semantics)
    n = x.shape[0]
    h = x @ W
    src = edge_index[0]
    dst = edge_index[1]
    # add self loops
    loop = jnp.arange(n, dtype=src.dtype)
    src = jnp.concatenate([src, loop])
    dst = jnp.concatenate([dst, loop])
    # symmetric normalization based on in-degree (includes self loops)
    deg = jnp.zeros((n,), dtype=h.dtype).at[dst].add(1.0)
    deg_inv_sqrt = jnp.where(deg > 0, 1.0 / jnp.sqrt(deg), 0.0)
    norm = deg_inv_sqrt[src] * deg_inv_sqrt[dst]
    msgs = h[src] * norm[:, None]
    out = jnp.zeros((n, h.shape[1]), dtype=h.dtype).at[dst].add(msgs)
    return out + b


def reference(x, edge_index, W1, b1, W2, b2):
    h = _gcn_conv(x, edge_index, W1, b1)
    h = jax.nn.relu(h)
    out = _gcn_conv(h, edge_index, W2, b2)
    return out

if __name__ == "__main__":
    import jax
    _d = setup_inputs()
    print(jax.jit(kernel)(*tuple(_d.values())))

</pallas_src>

<mosaic_0001>
#map = affine_map<(d0, d1) -> (0, 0)>
module attributes {stable_mosaic.version = 14 : i64} {
  func.func @_prop_body(%arg0: i32, %arg1: i32, %arg2: memref<20480x128xf32, #tpu.memory_space<hbm>>, %arg3: memref<2560x128xi32, #tpu.memory_space<hbm>>, %arg4: memref<2560x64xi32, #tpu.memory_space<hbm>>, %arg5: memref<20480x128xf32, #tpu.memory_space<hbm>>, %arg6: memref<40x128xi32, #tpu.memory_space<vmem>>, %arg7: memref<80x64xi32, #tpu.memory_space<vmem>>, %arg8: memref<64x128xf32, #tpu.memory_space<vmem>>, %arg9: memref<64x128xf32, #tpu.memory_space<vmem>>, %arg10: memref<64x128xf32, #tpu.memory_space<vmem>>, %arg11: memref<64x128xf32, #tpu.memory_space<vmem>>, %arg12: memref<10240x128xf32, #tpu.memory_space<vmem_shared>>, %arg13: memref<!tpu.dma_semaphore, #tpu.memory_space<semaphore_mem>>, %arg14: memref<!tpu.dma_semaphore, #tpu.memory_space<semaphore_mem>>, %arg15: memref<!tpu.dma_semaphore, #tpu.memory_space<semaphore_mem>>, %arg16: memref<!tpu.dma_semaphore, #tpu.memory_space<semaphore_mem>>, %arg17: memref<!tpu.dma_semaphore, #tpu.memory_space<semaphore_mem>>, %arg18: memref<!tpu.dma_semaphore, #tpu.memory_space<semaphore_mem>>, %arg19: memref<!tpu.dma_semaphore, #tpu.memory_space<semaphore_mem>>, %arg20: memref<!tpu.dma_semaphore, #tpu.memory_space<semaphore_mem>>) attributes {dimension_semantics = [#tpu.dimension_semantics<core_parallel>, #tpu.dimension_semantics<subcore_parallel>], iteration_bounds = array<i64: 2, 16>, scalar_prefetch = 0 : i64, scratch_operands = 15 : i64, tpu.core_type = #tpu.core_type<sc_vector_subcore>, window_params = [{transform_indices = #map}, {transform_indices = #map}, {transform_indices = #map}, {transform_indices = #map}]} {
    %mul3A = arith.constant 10240 : i32
    %mul3A_0 = arith.muli %arg0, %mul3A : i32
    %mul3A_1 = arith.constant 640 : i32
    %mul3A_2 = arith.muli %arg1, %mul3A_1 : i32
    %add3A = arith.addi %mul3A_0, %mul3A_2 : i32
    %mul3A_3 = arith.constant 640 : i32
    %mul3A_4 = arith.muli %arg1, %mul3A_3 : i32
    "tpu.region"() ({
      %run_scoped3A = tpu.sem_alloc : memref<!tpu.dma_semaphore, #tpu.memory_space<semaphore_mem>>
      %dma_start3A_95 = arith.constant 0 : i32
      %dma_start3A_96 = tpu.memref_slice %arg12[%mul3A_4, %dma_start3A_95] : memref<10240x128xf32, #tpu.memory_space<vmem_shared>> -> memref<640x128xf32, #tpu.memory_space<vmem_shared>>
      %dma_start3A_97 = arith.constant 0 : i32
      %dma_start3A_98 = tpu.memref_slice %arg2[%add3A, %dma_start3A_97] : memref<20480x128xf32, #tpu.memory_space<hbm>> -> memref<640x128xf32, #tpu.memory_space<hbm>>
      tpu.enqueue_dma source(%dma_start3A_98 : memref<640x128xf32, #tpu.memory_space<hbm>>) target(%dma_start3A_96 : memref<640x128xf32, #tpu.memory_space<vmem_shared>>) target_semaphore(%run_scoped3A : memref<!tpu.dma_semaphore, #tpu.memory_space<semaphore_mem>>)
      %dma_wait3A_99 = arith.constant 0 : i32
      %dma_wait3A_100 = tpu.memref_slice %arg12[%mul3A_4, %dma_wait3A_99] : memref<10240x128xf32, #tpu.memory_space<vmem_shared>> -> memref<640x128xf32, #tpu.memory_space<vmem_shared>>
      %dma_wait3A_101 = arith.constant 0 : i32
      %dma_wait3A_102 = tpu.memref_slice %arg2[%add3A, %dma_wait3A_101] : memref<20480x128xf32, #tpu.memory_space<hbm>> -> memref<640x128xf32, #tpu.memory_space<hbm>>
      tpu.wait_dma2 semaphore(%run_scoped3A : memref<!tpu.dma_semaphore, #tpu.memory_space<semaphore_mem>>) src(%dma_wait3A_102 : memref<640x128xf32, #tpu.memory_space<hbm>>) dst(%dma_wait3A_100 : memref<640x128xf32, #tpu.memory_space<vmem_shared>>)
      tpu.yield
    }) : () -> ()
    %barrier3A = arith.constant 0 : index
    tpu.barrier barrier_id(%barrier3A)
    %mul3A_5 = arith.constant 1280 : i32
    %mul3A_6 = arith.muli %arg0, %mul3A_5 : i32
    %mul3A_7 = arith.constant 80 : i32
    %mul3A_8 = arith.muli %arg1, %mul3A_7 : i32
    %add3A_9 = arith.addi %mul3A_6, %mul3A_8 : i32
    %add3A_10 = arith.constant 0 : i32
    %add3A_11 = arith.addi %add3A_9, %add3A_10 : i32
    "tpu.region"() ({
      %run_scoped3A = tpu.sem_alloc : memref<!tpu.dma_semaphore, #tpu.memory_space<semaphore_mem>>
      %dma_start3A_95 = arith.constant 0 : i32
      %dma_start3A_96 = tpu.memref_slice %arg3[%add3A_11, %dma_start3A_95] : memref<2560x128xi32, #tpu.memory_space<hbm>> -> memref<40x128xi32, #tpu.memory_space<hbm>>
      %dma_start3A_97 = arith.constant 0 : i32
      %dma_start3A_98 = tpu.memref_slice %arg3[%add3A_11, %dma_start3A_97] : memref<2560x128xi32, #tpu.memory_space<hbm>> -> memref<40x128xi32, #tpu.memory_space<hbm>>
      tpu.enqueue_dma source(%dma_start3A_98 : memref<40x128xi32, #tpu.memory_space<hbm>>) target(%arg6 : memref<40x128xi32, #tpu.memory_space<vmem>>) target_semaphore(%run_scoped3A : memref<!tpu.dma_semaphore, #tpu.memory_space<semaphore_mem>>)
      %dma_wait3A_99 = arith.constant 0 : i32
      %dma_wait3A_100 = tpu.memref_slice %arg3[%add3A_11, %dma_wait3A_99] : memref<2560x128xi32, #tpu.memory_space<hbm>> -> memref<40x128xi32, #tpu.memory_space<hbm>>
      %dma_wait3A_101 = arith.constant 0 : i32
      %dma_wait3A_102 = tpu.memref_slice %arg3[%add3A_11, %dma_wait3A_101] : memref<2560x128xi32, #tpu.memory_space<hbm>> -> memref<40x128xi32, #tpu.memory_space<hbm>>
      tpu.wait_dma2 semaphore(%run_scoped3A : memref<!tpu.dma_semaphore, #tpu.memory_space<semaphore_mem>>) src(%dma_wait3A_102 : memref<40x128xi32, #tpu.memory_space<hbm>>) dst(%arg6 : memref<40x128xi32, #tpu.memory_space<vmem>>)
      tpu.yield
    }) : () -> ()
    %mul3A_12 = arith.constant 160 : i32
    %mul3A_13 = arith.muli %arg1, %mul3A_12 : i32
    %add3A_14 = arith.constant 0 : i32
    %add3A_15 = arith.addi %mul3A_13, %add3A_14 : i32
    "tpu.region"() ({
      %run_scoped3A = tpu.sem_alloc : memref<!tpu.dma_semaphore, #tpu.memory_space<semaphore_mem>>
      %dma_start3A_95 = arith.constant 0 : i32
      %dma_start3A_96 = tpu.memref_slice %arg4[%add3A_15, %dma_start3A_95] : memref<2560x64xi32, #tpu.memory_space<hbm>> -> memref<80x64xi32, #tpu.memory_space<hbm>>
      %dma_start3A_97 = arith.constant 0 : i32
      %dma_start3A_98 = tpu.memref_slice %arg4[%add3A_15, %dma_start3A_97] : memref<2560x64xi32, #tpu.memory_space<hbm>> -> memref<80x64xi32, #tpu.memory_space<hbm>>
      tpu.enqueue_dma source(%dma_start3A_98 : memref<80x64xi32, #tpu.memory_space<hbm>>) target(%arg7 : memref<80x64xi32, #tpu.memory_space<vmem>>) target_semaphore(%run_scoped3A : memref<!tpu.dma_semaphore, #tpu.memory_space<semaphore_mem>>)
      %dma_wait3A_99 = arith.constant 0 : i32
      %dma_wait3A_100 = tpu.memref_slice %arg4[%add3A_15, %dma_wait3A_99] : memref<2560x64xi32, #tpu.memory_space<hbm>> -> memref<80x64xi32, #tpu.memory_space<hbm>>
      %dma_wait3A_101 = arith.constant 0 : i32
      %dma_wait3A_102 = tpu.memref_slice %arg4[%add3A_15, %dma_wait3A_101] : memref<2560x64xi32, #tpu.memory_space<hbm>> -> memref<80x64xi32, #tpu.memory_space<hbm>>
      tpu.wait_dma2 semaphore(%run_scoped3A : memref<!tpu.dma_semaphore, #tpu.memory_space<semaphore_mem>>) src(%dma_wait3A_102 : memref<80x64xi32, #tpu.memory_space<hbm>>) dst(%arg7 : memref<80x64xi32, #tpu.memory_space<vmem>>)
      tpu.yield
    }) : () -> ()
    %dma_start3A = arith.constant 0 : i32
    %dma_start3A_16 = arith.constant 0 : i32
    %dma_start3A_17 = tpu.memref_slice %arg6[%dma_start3A, %dma_start3A_16] : memref<40x128xi32, #tpu.memory_space<vmem>> -> memref<1x64xi32, #tpu.memory_space<vmem>>
    %dma_start3A_18 = tpu.memref_squeeze %dma_start3A_17 : memref<1x64xi32, #tpu.memory_space<vmem>> -> memref<64xi32, #tpu.memory_space<vmem>>
    %dma_start3A_19 = arith.constant 0 : i32
    %dma_start3A_20 = arith.constant 0 : i32
    %dma_start3A_21 = tpu.memref_slice %arg2[%dma_start3A_19, %dma_start3A_20] : memref<20480x128xf32, #tpu.memory_space<hbm>> -> memref<20480x128xf32, #tpu.memory_space<hbm>>
    tpu.enqueue_indirect_dma source(%dma_start3A_21 : memref<20480x128xf32, #tpu.memory_space<hbm>>) target(%arg8 : memref<64x128xf32, #tpu.memory_space<vmem>>) offsets(%dma_start3A_18 : memref<64xi32, #tpu.memory_space<vmem>>) semaphore(%arg13 : memref<!tpu.dma_semaphore, #tpu.memory_space<semaphore_mem>>)
    %dma_start3A_22 = arith.constant 0 : i32
    %dma_start3A_23 = arith.constant 64 : i32
    %dma_start3A_24 = tpu.memref_slice %arg6[%dma_start3A_22, %dma_start3A_23] : memref<40x128xi32, #tpu.memory_space<vmem>> -> memref<1x64xi32, #tpu.memory_space<vmem>>
    %dma_start3A_25 = tpu.memref_squeeze %dma_start3A_24 : memref<1x64xi32, #tpu.memory_space<vmem>> -> memref<64xi32, #tpu.memory_space<vmem>>
    %dma_start3A_26 = arith.constant 0 : i32
    %dma_start3A_27 = arith.constant 0 : i32
    %dma_start3A_28 = tpu.memref_slice %arg2[%dma_start3A_26, %dma_start3A_27] : memref<20480x128xf32, #tpu.memory_space<hbm>> -> memref<20480x128xf32, #tpu.memory_space<hbm>>
    tpu.enqueue_indirect_dma source(%dma_start3A_28 : memref<20480x128xf32, #tpu.memory_space<hbm>>) target(%arg9 : memref<64x128xf32, #tpu.memory_space<vmem>>) offsets(%dma_start3A_25 : memref<64xi32, #tpu.memory_space<vmem>>) semaphore(%arg14 : memref<!tpu.dma_semaphore, #tpu.memory_space<semaphore_mem>>)
    %scan3A = arith.constant 0 : i32
    %scan3A_29 = arith.constant 0 : i32
    %scan3A_30 = arith.constant 20 : i32
    %scan3A_31 = arith.addi %scan3A_29, %scan3A_30 : i32
    %scan3A_32 = arith.constant 1 : i32
    scf.for %scan3A_95 = %scan3A_29 to %scan3A_31 step %scan3A_32  : i32 {
      %mul3A_96 = arith.constant 4 : i32
      %mul3A_97 = arith.muli %mul3A_96, %scan3A_95 : i32
      %add3A_98 = arith.constant 0 : i32
      %add3A_99 = arith.addi %mul3A_97, %add3A_98 : i32
      %mul3A_100 = arith.constant 2 : i32
      %mul3A_101 = arith.muli %mul3A_100, %scan3A_95 : i32
      %add3A_102 = arith.constant 0 : i32
      %add3A_103 = arith.addi %mul3A_101, %add3A_102 : i32
      %dma_wait3A_104 = arith.constant 0 : i32
      %dma_wait3A_105 = tpu.memref_slice %arg6[%add3A_103, %dma_wait3A_104] : memref<40x128xi32, #tpu.memory_space<vmem>> -> memref<1x64xi32, #tpu.memory_space<vmem>>
      %dma_wait3A_106 = tpu.memref_squeeze %dma_wait3A_105 : memref<1x64xi32, #tpu.memory_space<vmem>> -> memref<64xi32, #tpu.memory_space<vmem>>
      %dma_wait3A_107 = arith.constant 0 : i32
      %dma_wait3A_108 = arith.constant 0 : i32
      %dma_wait3A_109 = tpu.memref_slice %arg2[%dma_wait3A_107, %dma_wait3A_108] : memref<20480x128xf32, #tpu.memory_space<hbm>> -> memref<20480x128xf32, #tpu.memory_space<hbm>>
      tpu.wait_indirect_dma semaphore(%arg13 : memref<!tpu.dma_semaphore, #tpu.memory_space<semaphore_mem>>) src(%dma_wait3A_109 : memref<20480x128xf32, #tpu.memory_space<hbm>>) dst(%arg8 : memref<64x128xf32, #tpu.memory_space<vmem>>)
      %dma_start3A_110 = arith.constant 0 : i32
      %dma_start3A_111 = tpu.memref_slice %arg7[%add3A_99, %dma_start3A_110] : memref<80x64xi32, #tpu.memory_space<vmem>> -> memref<1x64xi32, #tpu.memory_space<vmem>>
      %dma_start3A_112 = tpu.memref_squeeze %dma_start3A_111 : memref<1x64xi32, #tpu.memory_space<vmem>> -> memref<64xi32, #tpu.memory_space<vmem>>
      %dma_start3A_113 = arith.constant 0 : i32
      %dma_start3A_114 = arith.constant 0 : i32
      %dma_start3A_115 = tpu.memref_slice %arg12[%dma_start3A_113, %dma_start3A_114] : memref<10240x128xf32, #tpu.memory_space<vmem_shared>> -> memref<10240x128xf32, #tpu.memory_space<vmem_shared>>
      tpu.enqueue_indirect_dma source(%arg8 : memref<64x128xf32, #tpu.memory_space<vmem>>) target(%dma_start3A_115 : memref<10240x128xf32, #tpu.memory_space<vmem_shared>>) offsets(%dma_start3A_112 : memref<64xi32, #tpu.memory_space<vmem>>) semaphore(%arg17 : memref<!tpu.dma_semaphore, #tpu.memory_space<semaphore_mem>>) {add = true}
      %ge3A = arith.constant 1 : i32
      %ge3A_116 = arith.cmpi sge, %scan3A_95, %ge3A : i32
      %convert_element_type3A = arith.extui %ge3A_116 : i1 to i32
      %cond3A = arith.constant 0 : i32
      %cond3A_117 = arith.cmpi ne, %convert_element_type3A, %cond3A : i32
      scf.if %cond3A_117 {
        %sub3A_227 = arith.constant 2 : i32
        %sub3A_228 = arith.subi %add3A_99, %sub3A_227 : i32
        %dma_wait3A_229 = arith.constant 0 : i32
        %dma_wait3A_230 = tpu.memref_slice %arg7[%sub3A_228, %dma_wait3A_229] : memref<80x64xi32, #tpu.memory_space<vmem>> -> memref<1x64xi32, #tpu.memory_space<vmem>>
        %dma_wait3A_231 = tpu.memref_squeeze %dma_wait3A_230 : memref<1x64xi32, #tpu.memory_space<vmem>> -> memref<64xi32, #tpu.memory_space<vmem>>
        %dma_wait3A_232 = arith.constant 0 : i32
        %dma_wait3A_233 = arith.constant 0 : i32
        %dma_wait3A_234 = tpu.memref_slice %arg12[%dma_wait3A_232, %dma_wait3A_233] : memref<10240x128xf32, #tpu.memory_space<vmem_shared>> -> memref<10240x128xf32, #tpu.memory_space<vmem_shared>>
        tpu.wait_indirect_dma semaphore(%arg19 : memref<!tpu.dma_semaphore, #tpu.memory_space<semaphore_mem>>) src(%arg10 : memref<64x128xf32, #tpu.memory_space<vmem>>) dst(%dma_wait3A_234 : memref<10240x128xf32, #tpu.memory_space<vmem_shared>>)
      } else {
      }
      %mul3A_118 = arith.constant 2 : i32
      %mul3A_119 = arith.muli %mul3A_118, %scan3A_95 : i32
      %add3A_120 = arith.constant 1 : i32
      %add3A_121 = arith.addi %mul3A_119, %add3A_120 : i32
      %dma_start3A_122 = arith.constant 0 : i32
      %dma_start3A_123 = tpu.memref_slice %arg6[%add3A_121, %dma_start3A_122] : memref<40x128xi32, #tpu.memory_space<vmem>> -> memref<1x64xi32, #tpu.memory_space<vmem>>
      %dma_start3A_124 = tpu.memref_squeeze %dma_start3A_123 : memref<1x64xi32, #tpu.memory_space<vmem>> -> memref<64xi32, #tpu.memory_space<vmem>>
      %dma_start3A_125 = arith.constant 0 : i32
      %dma_start3A_126 = arith.constant 0 : i32
      %dma_start3A_127 = tpu.memref_slice %arg2[%dma_start3A_125, %dma_start3A_126] : memref<20480x128xf32, #tpu.memory_space<hbm>> -> memref<20480x128xf32, #tpu.memory_space<hbm>>
      tpu.enqueue_indirect_dma source(%dma_start3A_127 : memref<20480x128xf32, #tpu.memory_space<hbm>>) target(%arg10 : memref<64x128xf32, #tpu.memory_space<vmem>>) offsets(%dma_start3A_124 : memref<64xi32, #tpu.memory_space<vmem>>) semaphore(%arg15 : memref<!tpu.dma_semaphore, #tpu.memory_space<semaphore_mem>>)
      %mul3A_128 = arith.constant 4 : i32
      %mul3A_129 = arith.muli %mul3A_128, %scan3A_95 : i32
      %add3A_130 = arith.constant 1 : i32
      %add3A_131 = arith.addi %mul3A_129, %add3A_130 : i32
      %mul3A_132 = arith.constant 2 : i32
      %mul3A_133 = arith.muli %mul3A_132, %scan3A_95 : i32
      %add3A_134 = arith.constant 0 : i32
      %add3A_135 = arith.addi %mul3A_133, %add3A_134 : i32
      %dma_wait3A_136 = arith.constant 64 : i32
      %dma_wait3A_137 = tpu.memref_slice %arg6[%add3A_135, %dma_wait3A_136] : memref<40x128xi32, #tpu.memory_space<vmem>> -> memref<1x64xi32, #tpu.memory_space<vmem>>
      %dma_wait3A_138 = tpu.memref_squeeze %dma_wait3A_137 : memref<1x64xi32, #tpu.memory_space<vmem>> -> memref<64xi32, #tpu.memory_space<vmem>>
      %dma_wait3A_139 = arith.constant 0 : i32
      %dma_wait3A_140 = arith.constant 0 : i32
      %dma_wait3A_141 = tpu.memref_slice %arg2[%dma_wait3A_139, %dma_wait3A_140] : memref<20480x128xf32, #tpu.memory_space<hbm>> -> memref<20480x128xf32, #tpu.memory_space<hbm>>
      tpu.wait_indirect_dma semaphore(%arg14 : memref<!tpu.dma_semaphore, #tpu.memory_space<semaphore_mem>>) src(%dma_wait3A_141 : memref<20480x128xf32, #tpu.memory_space<hbm>>) dst(%arg9 : memref<64x128xf32, #tpu.memory_space<vmem>>)
      %dma_start3A_142 = arith.constant 0 : i32
      %dma_start3A_143 = tpu.memref_slice %arg7[%add3A_131, %dma_start3A_142] : memref<80x64xi32, #tpu.memory_space<vmem>> -> memref<1x64xi32, #tpu.memory_space<vmem>>
      %dma_start3A_144 = tpu.memref_squeeze %dma_start3A_143 : memref<1x64xi32, #tpu.memory_space<vmem>> -> memref<64xi32, #tpu.memory_space<vmem>>
      %dma_start3A_145 = arith.constant 0 : i32
      %dma_start3A_146 = arith.constant 0 : i32
      %dma_start3A_147 = tpu.memref_slice %arg12[%dma_start3A_145, %dma_start3A_146] : memref<10240x128xf32, #tpu.memory_space<vmem_shared>> -> memref<10240x128xf32, #tpu.memory_space<vmem_shared>>
      tpu.enqueue_indirect_dma source(%arg9 : memref<64x128xf32, #tpu.memory_space<vmem>>) target(%dma_start3A_147 : memref<10240x128xf32, #tpu.memory_space<vmem_shared>>) offsets(%dma_start3A_144 : memref<64xi32, #tpu.memory_space<vmem>>) semaphore(%arg18 : memref<!tpu.dma_semaphore, #tpu.memory_space<semaphore_mem>>) {add = true}
      %ge3A_148 = arith.constant 1 : i32
      %ge3A_149 = arith.cmpi sge, %scan3A_95, %ge3A_148 : i32
      %convert_element_type3A_150 = arith.extui %ge3A_149 : i1 to i32
      %cond3A_151 = arith.constant 0 : i32
      %cond3A_152 = arith.cmpi ne, %convert_element_type3A_150, %cond3A_151 : i32
      scf.if %cond3A_152 {
        %sub3A_227 = arith.constant 2 : i32
        %sub3A_228 = arith.subi %add3A_131, %sub3A_227 : i32
        %dma_wait3A_229 = arith.constant 0 : i32
        %dma_wait3A_230 = tpu.memref_slice %arg7[%sub3A_228, %dma_wait3A_229] : memref<80x64xi32, #tpu.memory_space<vmem>> -> memref<1x64xi32, #tpu.memory_space<vmem>>
        %dma_wait3A_231 = tpu.memref_squeeze %dma_wait3A_230 : memref<1x64xi32, #tpu.memory_space<vmem>> -> memref<64xi32, #tpu.memory_space<vmem>>
        %dma_wait3A_232 = arith.constant 0 : i32
        %dma_wait3A_233 = arith.constant 0 : i32
        %dma_wait3A_234 = tpu.memref_slice %arg12[%dma_wait3A_232, %dma_wait3A_233] : memref<10240x128xf32, #tpu.memory_space<vmem_shared>> -> memref<10240x128xf32, #tpu.memory_space<vmem_shared>>
        tpu.wait_indirect_dma semaphore(%arg20 : memref<!tpu.dma_semaphore, #tpu.memory_space<semaphore_mem>>) src(%arg11 : memref<64x128xf32, #tpu.memory_space<vmem>>) dst(%dma_wait3A_234 : memref<10240x128xf32, #tpu.memory_space<vmem_shared>>)
      } else {
      }
      %mul3A_153 = arith.constant 2 : i32
      %mul3A_154 = arith.muli %mul3A_153, %scan3A_95 : i32
      %add3A_155 = arith.constant 1 : i32
      %add3A_156 = arith.addi %mul3A_154, %add3A_155 : i32
      %dma_start3A_157 = arith.constant 64 : i32
      %dma_start3A_158 = tpu.memref_slice %arg6[%add3A_156, %dma_start3A_157] : memref<40x128xi32, #tpu.memory_space<vmem>> -> memref<1x64xi32, #tpu.memory_space<vmem>>
      %dma_start3A_159 = tpu.memref_squeeze %dma_start3A_158 : memref<1x64xi32, #tpu.memory_space<vmem>> -> memref<64xi32, #tpu.memory_space<vmem>>
      %dma_start3A_160 = arith.constant 0 : i32
      %dma_start3A_161 = arith.constant 0 : i32
      %dma_start3A_162 = tpu.memref_slice %arg2[%dma_start3A_160, %dma_start3A_161] : memref<20480x128xf32, #tpu.memory_space<hbm>> -> memref<20480x128xf32, #tpu.memory_space<hbm>>
      tpu.enqueue_indirect_dma source(%dma_start3A_162 : memref<20480x128xf32, #tpu.memory_space<hbm>>) target(%arg11 : memref<64x128xf32, #tpu.memory_space<vmem>>) offsets(%dma_start3A_159 : memref<64xi32, #tpu.memory_space<vmem>>) semaphore(%arg16 : memref<!tpu.dma_semaphore, #tpu.memory_space<semaphore_mem>>)
      %mul3A_163 = arith.constant 4 : i32
      %mul3A_164 = arith.muli %mul3A_163, %scan3A_95 : i32
      %add3A_165 = arith.constant 2 : i32
      %add3A_166 = arith.addi %mul3A_164, %add3A_165 : i32
      %mul3A_167 = arith.constant 2 : i32
      %mul3A_168 = arith.muli %mul3A_167, %scan3A_95 : i32
      %add3A_169 = arith.constant 1 : i32
      %add3A_170 = arith.addi %mul3A_168, %add3A_169 : i32
      %dma_wait3A_171 = arith.constant 0 : i32
      %dma_wait3A_172 = tpu.memref_slice %arg6[%add3A_170, %dma_wait3A_171] : memref<40x128xi32, #tpu.memory_space<vmem>> -> memref<1x64xi32, #tpu.memory_space<vmem>>
      %dma_wait3A_173 = tpu.memref_squeeze %dma_wait3A_172 : memref<1x64xi32, #tpu.memory_space<vmem>> -> memref<64xi32, #tpu.memory_space<vmem>>
      %dma_wait3A_174 = arith.constant 0 : i32
      %dma_wait3A_175 = arith.constant 0 : i32
      %dma_wait3A_176 = tpu.memref_slice %arg2[%dma_wait3A_174, %dma_wait3A_175] : memref<20480x128xf32, #tpu.memory_space<hbm>> -> memref<20480x128xf32, #tpu.memory_space<hbm>>
      tpu.wait_indirect_dma semaphore(%arg15 : memref<!tpu.dma_semaphore, #tpu.memory_space<semaphore_mem>>) src(%dma_wait3A_176 : memref<20480x128xf32, #tpu.memory_space<hbm>>) dst(%arg10 : memref<64x128xf32, #tpu.memory_space<vmem>>)
      %dma_start3A_177 = arith.constant 0 : i32
      %dma_start3A_178 = tpu.memref_slice %arg7[%add3A_166, %dma_start3A_177] : memref<80x64xi32, #tpu.memory_space<vmem>> -> memref<1x64xi32, #tpu.memory_space<vmem>>
      %dma_start3A_179 = tpu.memref_squeeze %dma_start3A_178 : memref<1x64xi32, #tpu.memory_space<vmem>> -> memref<64xi32, #tpu.memory_space<vmem>>
      %dma_start3A_180 = arith.constant 0 : i32
      %dma_start3A_181 = arith.constant 0 : i32
      %dma_start3A_182 = tpu.memref_slice %arg12[%dma_start3A_180, %dma_start3A_181] : memref<10240x128xf32, #tpu.memory_space<vmem_shared>> -> memref<10240x128xf32, #tpu.memory_space<vmem_shared>>
      tpu.enqueue_indirect_dma source(%arg10 : memref<64x128xf32, #tpu.memory_space<vmem>>) target(%dma_start3A_182 : memref<10240x128xf32, #tpu.memory_space<vmem_shared>>) offsets(%dma_start3A_179 : memref<64xi32, #tpu.memory_space<vmem>>) semaphore(%arg19 : memref<!tpu.dma_semaphore, #tpu.memory_space<semaphore_mem>>) {add = true}
      %sub3A = arith.constant 2 : i32
      %sub3A_183 = arith.subi %add3A_166, %sub3A : i32
      %dma_wait3A_184 = arith.constant 0 : i32
      %dma_wait3A_185 = tpu.memref_slice %arg7[%sub3A_183, %dma_wait3A_184] : memref<80x64xi32, #tpu.memory_space<vmem>> -> memref<1x64xi32, #tpu.memory_space<vmem>>
      %dma_wait3A_186 = tpu.memref_squeeze %dma_wait3A_185 : memref<1x64xi32, #tpu.memory_space<vmem>> -> memref<64xi32, #tpu.memory_space<vmem>>
      %dma_wait3A_187 = arith.constant 0 : i32
      %dma_wait3A_188 = arith.constant 0 : i32
      %dma_wait3A_189 = tpu.memref_slice %arg12[%dma_wait3A_187, %dma_wait3A_188] : memref<10240x128xf32, #tpu.memory_space<vmem_shared>> -> memref<10240x128xf32, #tpu.memory_space<vmem_shared>>
      tpu.wait_indirect_dma semaphore(%arg17 : memref<!tpu.dma_semaphore, #tpu.memory_space<semaphore_mem>>) src(%arg8 : memref<64x128xf32, #tpu.memory_space<vmem>>) dst(%dma_wait3A_189 : memref<10240x128xf32, #tpu.memory_space<vmem_shared>>)
      %lt3A = arith.constant 19 : i32
      %lt3A_190 = arith.cmpi slt, %scan3A_95, %lt3A : i32
      %convert_element_type3A_191 = arith.extui %lt3A_190 : i1 to i32
      %cond3A_192 = arith.constant 0 : i32
      %cond3A_193 = arith.cmpi ne, %convert_element_type3A_191, %cond3A_192 : i32
      scf.if %cond3A_193 {
        %mul3A_227 = arith.constant 2 : i32
        %mul3A_228 = arith.muli %mul3A_227, %scan3A_95 : i32
        %add3A_229 = arith.constant 2 : i32
        %add3A_230 = arith.addi %mul3A_228, %add3A_229 : i32
        %dma_start3A_231 = arith.constant 0 : i32
        %dma_start3A_232 = tpu.memref_slice %arg6[%add3A_230, %dma_start3A_231] : memref<40x128xi32, #tpu.memory_space<vmem>> -> memref<1x64xi32, #tpu.memory_space<vmem>>
        %dma_start3A_233 = tpu.memref_squeeze %dma_start3A_232 : memref<1x64xi32, #tpu.memory_space<vmem>> -> memref<64xi32, #tpu.memory_space<vmem>>
        %dma_start3A_234 = arith.constant 0 : i32
        %dma_start3A_235 = arith.constant 0 : i32
        %dma_start3A_236 = tpu.memref_slice %arg2[%dma_start3A_234, %dma_start3A_235] : memref<20480x128xf32, #tpu.memory_space<hbm>> -> memref<20480x128xf32, #tpu.memory_space<hbm>>
        tpu.enqueue_indirect_dma source(%dma_start3A_236 : memref<20480x128xf32, #tpu.memory_space<hbm>>) target(%arg8 : memref<64x128xf32, #tpu.memory_space<vmem>>) offsets(%dma_start3A_233 : memref<64xi32, #tpu.memory_space<vmem>>) semaphore(%arg13 : memref<!tpu.dma_semaphore, #tpu.memory_space<semaphore_mem>>)
      } else {
      }
      %mul3A_194 = arith.constant 4 : i32
      %mul3A_195 = arith.muli %mul3A_194, %scan3A_95 : i32
      %add3A_196 = arith.constant 3 : i32
      %add3A_197 = arith.addi %mul3A_195, %add3A_196 : i32
      %mul3A_198 = arith.constant 2 : i32
      %mul3A_199 = arith.muli %mul3A_198, %scan3A_95 : i32
      %add3A_200 = arith.constant 1 : i32
      %add3A_201 = arith.addi %mul3A_199, %add3A_200 : i32
      %dma_wait3A_202 = arith.constant 64 : i32
      %dma_wait3A_203 = tpu.memref_slice %arg6[%add3A_201, %dma_wait3A_202] : memref<40x128xi32, #tpu.memory_space<vmem>> -> memref<1x64xi32, #tpu.memory_space<vmem>>
      %dma_wait3A_204 = tpu.memref_squeeze %dma_wait3A_203 : memref<1x64xi32, #tpu.memory_space<vmem>> -> memref<64xi32, #tpu.memory_space<vmem>>
      %dma_wait3A_205 = arith.constant 0 : i32
      %dma_wait3A_206 = arith.constant 0 : i32
      %dma_wait3A_207 = tpu.memref_slice %arg2[%dma_wait3A_205, %dma_wait3A_206] : memref<20480x128xf32, #tpu.memory_space<hbm>> -> memref<20480x128xf32, #tpu.memory_space<hbm>>
      tpu.wait_indirect_dma semaphore(%arg16 : memref<!tpu.dma_semaphore, #tpu.memory_space<semaphore_mem>>) src(%dma_wait3A_207 : memref<20480x128xf32, #tpu.memory_space<hbm>>) dst(%arg11 : memref<64x128xf32, #tpu.memory_space<vmem>>)
      %dma_start3A_208 = arith.constant 0 : i32
      %dma_start3A_209 = tpu.memref_slice %arg7[%add3A_197, %dma_start3A_208] : memref<80x64xi32, #tpu.memory_space<vmem>> -> memref<1x64xi32, #tpu.memory_space<vmem>>
      %dma_start3A_210 = tpu.memref_squeeze %dma_start3A_209 : memref<1x64xi32, #tpu.memory_space<vmem>> -> memref<64xi32, #tpu.memory_space<vmem>>
      %dma_start3A_211 = arith.constant 0 : i32
      %dma_start3A_212 = arith.constant 0 : i32
      %dma_start3A_213 = tpu.memref_slice %arg12[%dma_start3A_211, %dma_start3A_212] : memref<10240x128xf32, #tpu.memory_space<vmem_shared>> -> memref<10240x128xf32, #tpu.memory_space<vmem_shared>>
      tpu.enqueue_indirect_dma source(%arg11 : memref<64x128xf32, #tpu.memory_space<vmem>>) target(%dma_start3A_213 : memref<10240x128xf32, #tpu.memory_space<vmem_shared>>) offsets(%dma_start3A_210 : memref<64xi32, #tpu.memory_space<vmem>>) semaphore(%arg20 : memref<!tpu.dma_semaphore, #tpu.memory_space<semaphore_mem>>) {add = true}
      %sub3A_214 = arith.constant 2 : i32
      %sub3A_215 = arith.subi %add3A_197, %sub3A_214 : i32
      %dma_wait3A_216 = arith.constant 0 : i32
      %dma_wait3A_217 = tpu.memref_slice %arg7[%sub3A_215, %dma_wait3A_216] : memref<80x64xi32, #tpu.memory_space<vmem>> -> memref<1x64xi32, #tpu.memory_space<vmem>>
      %dma_wait3A_218 = tpu.memref_squeeze %dma_wait3A_217 : memref<1x64xi32, #tpu.memory_space<vmem>> -> memref<64xi32, #tpu.memory_space<vmem>>
      %dma_wait3A_219 = arith.constant 0 : i32
      %dma_wait3A_220 = arith.constant 0 : i32
      %dma_wait3A_221 = tpu.memref_slice %arg12[%dma_wait3A_219, %dma_wait3A_220] : memref<10240x128xf32, #tpu.memory_space<vmem_shared>> -> memref<10240x128xf32, #tpu.memory_space<vmem_shared>>
      tpu.wait_indirect_dma semaphore(%arg18 : memref<!tpu.dma_semaphore, #tpu.memory_space<semaphore_mem>>) src(%arg9 : memref<64x128xf32, #tpu.memory_space<vmem>>) dst(%dma_wait3A_221 : memref<10240x128xf32, #tpu.memory_space<vmem_shared>>)
      %lt3A_222 = arith.constant 19 : i32
      %lt3A_223 = arith.cmpi slt, %scan3A_95, %lt3A_222 : i32
      %convert_element_type3A_224 = arith.extui %lt3A_223 : i1 to i32
      %cond3A_225 = arith.constant 0 : i32
      %cond3A_226 = arith.cmpi ne, %convert_element_type3A_224, %cond3A_225 : i32
      scf.if %cond3A_226 {
        %mul3A_227 = arith.constant 2 : i32
        %mul3A_228 = arith.muli %mul3A_227, %scan3A_95 : i32
        %add3A_229 = arith.constant 2 : i32
        %add3A_230 = arith.addi %mul3A_228, %add3A_229 : i32
        %dma_start3A_231 = arith.constant 64 : i32
        %dma_start3A_232 = tpu.memref_slice %arg6[%add3A_230, %dma_start3A_231] : memref<40x128xi32, #tpu.memory_space<vmem>> -> memref<1x64xi32, #tpu.memory_space<vmem>>
        %dma_start3A_233 = tpu.memref_squeeze %dma_start3A_232 : memref<1x64xi32, #tpu.memory_space<vmem>> -> memref<64xi32, #tpu.memory_space<vmem>>
        %dma_start3A_234 = arith.constant 0 : i32
        %dma_start3A_235 = arith.constant 0 : i32
        %dma_start3A_236 = tpu.memref_slice %arg2[%dma_start3A_234, %dma_start3A_235] : memref<20480x128xf32, #tpu.memory_space<hbm>> -> memref<20480x128xf32, #tpu.memory_space<hbm>>
        tpu.enqueue_indirect_dma source(%dma_start3A_236 : memref<20480x128xf32, #tpu.memory_space<hbm>>) target(%arg9 : memref<64x128xf32, #tpu.memory_space<vmem>>) offsets(%dma_start3A_233 : memref<64xi32, #tpu.memory_space<vmem>>) semaphore(%arg14 : memref<!tpu.dma_semaphore, #tpu.memory_space<semaphore_mem>>)
      } else {
      }
    }
    %scan3A_33 = arith.constant 20 : i32
    %dma_wait3A = arith.constant 78 : i32
    %dma_wait3A_34 = arith.constant 0 : i32
    %dma_wait3A_35 = tpu.memref_slice %arg7[%dma_wait3A, %dma_wait3A_34] : memref<80x64xi32, #tpu.memory_space<vmem>> -> memref<1x64xi32, #tpu.memory_space<vmem>>
    %dma_wait3A_36 = tpu.memref_squeeze %dma_wait3A_35 : memref<1x64xi32, #tpu.memory_space<vmem>> -> memref<64xi32, #tpu.memory_space<vmem>>
    %dma_wait3A_37 = arith.constant 0 : i32
    %dma_wait3A_38 = arith.constant 0 : i32
    %dma_wait3A_39 = tpu.memref_slice %arg12[%dma_wait3A_37, %dma_wait3A_38] : memref<10240x128xf32, #tpu.memory_space<vmem_shared>> -> memref<10240x128xf32, #tpu.memory_space<vmem_shared>>
    tpu.wait_indirect_dma semaphore(%arg19 : memref<!tpu.dma_semaphore, #tpu.memory_space<semaphore_mem>>) src(%arg10 : memref<64x128xf32, #tpu.memory_space<vmem>>) dst(%dma_wait3A_39 : memref<10240x128xf32, #tpu.memory_space<vmem_shared>>)
    %dma_wait3A_40 = arith.constant 79 : i32
    %dma_wait3A_41 = arith.constant 0 : i32
    %dma_wait3A_42 = tpu.memref_slice %arg7[%dma_wait3A_40, %dma_wait3A_41] : memref<80x64xi32, #tpu.memory_space<vmem>> -> memref<1x64xi32, #tpu.memory_space<vmem>>
    %dma_wait3A_43 = tpu.memref_squeeze %dma_wait3A_42 : memref<1x64xi32, #tpu.memory_space<vmem>> -> memref<64xi32, #tpu.memory_space<vmem>>
    %dma_wait3A_44 = arith.constant 0 : i32
    %dma_wait3A_45 = arith.constant 0 : i32
    %dma_wait3A_46 = tpu.memref_slice %arg12[%dma_wait3A_44, %dma_wait3A_45] : memref<10240x128xf32, #tpu.memory_space<vmem_shared>> -> memref<10240x128xf32, #tpu.memory_space<vmem_shared>>
    tpu.wait_indirect_dma semaphore(%arg20 : memref<!tpu.dma_semaphore, #tpu.memory_space<semaphore_mem>>) src(%arg11 : memref<64x128xf32, #tpu.memory_space<vmem>>) dst(%dma_wait3A_46 : memref<10240x128xf32, #tpu.memory_space<vmem_shared>>)
    %mul3A_47 = arith.constant 1280 : i32
    %mul3A_48 = arith.muli %arg0, %mul3A_47 : i32
    %mul3A_49 = arith.constant 80 : i32
    %mul3A_50 = arith.muli %arg1, %mul3A_49 : i32
    %add3A_51 = arith.addi %mul3A_48, %mul3A_50 : i32
    %add3A_52 = arith.constant 40 : i32
    %add3A_53 = arith.addi %add3A_51, %add3A_52 : i32
    "tpu.region"() ({
      %run_scoped3A = tpu.sem_alloc : memref<!tpu.dma_semaphore, #tpu.memory_space<semaphore_mem>>
      %dma_start3A_95 = arith.constant 0 : i32
      %dma_start3A_96 = tpu.memref_slice %arg3[%add3A_53, %dma_start3A_95] : memref<2560x128xi32, #tpu.memory_space<hbm>> -> memref<40x128xi32, #tpu.memory_space<hbm>>
      %dma_start3A_97 = arith.constant 0 : i32
      %dma_start3A_98 = tpu.memref_slice %arg3[%add3A_53, %dma_start3A_97] : memref<2560x128xi32, #tpu.memory_space<hbm>> -> memref<40x128xi32, #tpu.memory_space<hbm>>
      tpu.enqueue_dma source(%dma_start3A_98 : memref<40x128xi32, #tpu.memory_space<hbm>>) target(%arg6 : memref<40x128xi32, #tpu.memory_space<vmem>>) target_semaphore(%run_scoped3A : memref<!tpu.dma_semaphore, #tpu.memory_space<semaphore_mem>>)
      %dma_wait3A_99 = arith.constant 0 : i32
      %dma_wait3A_100 = tpu.memref_slice %arg3[%add3A_53, %dma_wait3A_99] : memref<2560x128xi32, #tpu.memory_space<hbm>> -> memref<40x128xi32, #tpu.memory_space<hbm>>
      %dma_wait3A_101 = arith.constant 0 : i32
      %dma_wait3A_102 = tpu.memref_slice %arg3[%add3A_53, %dma_wait3A_101] : memref<2560x128xi32, #tpu.memory_space<hbm>> -> memref<40x128xi32, #tpu.memory_space<hbm>>
      tpu.wait_dma2 semaphore(%run_scoped3A : memref<!tpu.dma_semaphore, #tpu.memory_space<semaphore_mem>>) src(%dma_wait3A_102 : memref<40x128xi32, #tpu.memory_space<hbm>>) dst(%arg6 : memref<40x128xi32, #tpu.memory_space<vmem>>)
      tpu.yield
    }) : () -> ()
    %mul3A_54 = arith.constant 160 : i32
    %mul3A_55 = arith.muli %arg1, %mul3A_54 : i32
    %add3A_56 = arith.constant 80 : i32
    %add3A_57 = arith.addi %mul3A_55, %add3A_56 : i32
    "tpu.region"() ({
      %run_scoped3A = tpu.sem_alloc : memref<!tpu.dma_semaphore, #tpu.memory_space<semaphore_mem>>
      %dma_start3A_95 = arith.constant 0 : i32
      %dma_start3A_96 = tpu.memref_slice %arg4[%add3A_57, %dma_start3A_95] : memref<2560x64xi32, #tpu.memory_space<hbm>> -> memref<80x64xi32, #tpu.memory_space<hbm>>
      %dma_start3A_97 = arith.constant 0 : i32
      %dma_start3A_98 = tpu.memref_slice %arg4[%add3A_57, %dma_start3A_97] : memref<2560x64xi32, #tpu.memory_space<hbm>> -> memref<80x64xi32, #tpu.memory_space<hbm>>
      tpu.enqueue_dma source(%dma_start3A_98 : memref<80x64xi32, #tpu.memory_space<hbm>>) target(%arg7 : memref<80x64xi32, #tpu.memory_space<vmem>>) target_semaphore(%run_scoped3A : memref<!tpu.dma_semaphore, #tpu.memory_space<semaphore_mem>>)
      %dma_wait3A_99 = arith.constant 0 : i32
      %dma_wait3A_100 = tpu.memref_slice %arg4[%add3A_57, %dma_wait3A_99] : memref<2560x64xi32, #tpu.memory_space<hbm>> -> memref<80x64xi32, #tpu.memory_space<hbm>>
      %dma_wait3A_101 = arith.constant 0 : i32
      %dma_wait3A_102 = tpu.memref_slice %arg4[%add3A_57, %dma_wait3A_101] : memref<2560x64xi32, #tpu.memory_space<hbm>> -> memref<80x64xi32, #tpu.memory_space<hbm>>
      tpu.wait_dma2 semaphore(%run_scoped3A : memref<!tpu.dma_semaphore, #tpu.memory_space<semaphore_mem>>) src(%dma_wait3A_102 : memref<80x64xi32, #tpu.memory_space<hbm>>) dst(%arg7 : memref<80x64xi32, #tpu.memory_space<vmem>>)
      tpu.yield
    }) : () -> ()
    %dma_start3A_58 = arith.constant 0 : i32
    %dma_start3A_59 = arith.constant 0 : i32
    %dma_start3A_60 = tpu.memref_slice %arg6[%dma_start3A_58, %dma_start3A_59] : memref<40x128xi32, #tpu.memory_space<vmem>> -> memref<1x64xi32, #tpu.memory_space<vmem>>
    %dma_start3A_61 = tpu.memref_squeeze %dma_start3A_60 : memref<1x64xi32, #tpu.memory_space<vmem>> -> memref<64xi32, #tpu.memory_space<vmem>>
    %dma_start3A_62 = arith.constant 0 : i32
    %dma_start3A_63 = arith.constant 0 : i32
    %dma_start3A_64 = tpu.memref_slice %arg2[%dma_start3A_62, %dma_start3A_63] : memref<20480x128xf32, #tpu.memory_space<hbm>> -> memref<20480x128xf32, #tpu.memory_space<hbm>>
    tpu.enqueue_indirect_dma source(%dma_start3A_64 : memref<20480x128xf32, #tpu.memory_space<hbm>>) target(%arg8 : memref<64x128xf32, #tpu.memory_space<vmem>>) offsets(%dma_start3A_61 : memref<64xi32, #tpu.memory_space<vmem>>) semaphore(%arg13 : memref<!tpu.dma_semaphore, #tpu.memory_space<semaphore_mem>>)
    %dma_start3A_65 = arith.constant 0 : i32
    %dma_start3A_66 = arith.constant 64 : i32
    %dma_start3A_67 = tpu.memref_slice %arg6[%dma_start3A_65, %dma_start3A_66] : memref<40x128xi32, #tpu.memory_space<vmem>> -> memref<1x64xi32, #tpu.memory_space<vmem>>
    %dma_start3A_68 = tpu.memref_squeeze %dma_start3A_67 : memref<1x64xi32, #tpu.memory_space<vmem>> -> memref<64xi32, #tpu.memory_space<vmem>>
    %dma_start3A_69 = arith.constant 0 : i32
    %dma_start3A_70 = arith.constant 0 : i32
    %dma_start3A_71 = tpu.memref_slice %arg2[%dma_start3A_69, %dma_start3A_70] : memref<20480x128xf32, #tpu.memory_space<hbm>> -> memref<20480x128xf32, #tpu.memory_space<hbm>>
    tpu.enqueue_indirect_dma source(%dma_start3A_71 : memref<20480x128xf32, #tpu.memory_space<hbm>>) target(%arg9 : memref<64x128xf32, #tpu.memory_space<vmem>>) offsets(%dma_start3A_68 : memref<64xi32, #tpu.memory_space<vmem>>) semaphore(%arg14 : memref<!tpu.dma_semaphore, #tpu.memory_space<semaphore_mem>>)
    %scan3A_72 = arith.constant 0 : i32
    %scan3A_73 = arith.constant 0 : i32
    %scan3A_74 = arith.constant 20 : i32
    %scan3A_75 = arith.addi %scan3A_73, %scan3A_74 : i32
    %scan3A_76 = arith.constant 1 : i32
    scf.for %scan3A_95 = %scan3A_73 to %scan3A_75 step %scan3A_76  : i32 {
      %mul3A_96 = arith.constant 4 : i32
      %mul3A_97 = arith.muli %mul3A_96, %scan3A_95 : i32
      %add3A_98 = arith.constant 0 : i32
      %add3A_99 = arith.addi %mul3A_97, %add3A_98 : i32
      %mul3A_100 = arith.constant 2 : i32
      %mul3A_101 = arith.muli %mul3A_100, %scan3A_95 : i32
      %add3A_102 = arith.constant 0 : i32
      %add3A_103 = arith.addi %mul3A_101, %add3A_102 : i32
      %dma_wait3A_104 = arith.constant 0 : i32
      %dma_wait3A_105 = tpu.memref_slice %arg6[%add3A_103, %dma_wait3A_104] : memref<40x128xi32, #tpu.memory_space<vmem>> -> memref<1x64xi32, #tpu.memory_space<vmem>>
      %dma_wait3A_106 = tpu.memref_squeeze %dma_wait3A_105 : memref<1x64xi32, #tpu.memory_space<vmem>> -> memref<64xi32, #tpu.memory_space<vmem>>
      %dma_wait3A_107 = arith.constant 0 : i32
      %dma_wait3A_108 = arith.constant 0 : i32
      %dma_wait3A_109 = tpu.memref_slice %arg2[%dma_wait3A_107, %dma_wait3A_108] : memref<20480x128xf32, #tpu.memory_space<hbm>> -> memref<20480x128xf32, #tpu.memory_space<hbm>>
      tpu.wait_indirect_dma semaphore(%arg13 : memref<!tpu.dma_semaphore, #tpu.memory_space<semaphore_mem>>) src(%dma_wait3A_109 : memref<20480x128xf32, #tpu.memory_space<hbm>>) dst(%arg8 : memref<64x128xf32, #tpu.memory_space<vmem>>)
      %dma_start3A_110 = arith.constant 0 : i32
      %dma_start3A_111 = tpu.memref_slice %arg7[%add3A_99, %dma_start3A_110] : memref<80x64xi32, #tpu.memory_space<vmem>> -> memref<1x64xi32, #tpu.memory_space<vmem>>
      %dma_start3A_112 = tpu.memref_squeeze %dma_start3A_111 : memref<1x64xi32, #tpu.memory_space<vmem>> -> memref<64xi32, #tpu.memory_space<vmem>>
      %dma_start3A_113 = arith.constant 0 : i32
      %dma_start3A_114 = arith.constant 0 : i32
      %dma_start3A_115 = tpu.memref_slice %arg12[%dma_start3A_113, %dma_start3A_114] : memref<10240x128xf32, #tpu.memory_space<vmem_shared>> -> memref<10240x128xf32, #tpu.memory_space<vmem_shared>>
      tpu.enqueue_indirect_dma source(%arg8 : memref<64x128xf32, #tpu.memory_space<vmem>>) target(%dma_start3A_115 : memref<10240x128xf32, #tpu.memory_space<vmem_shared>>) offsets(%dma_start3A_112 : memref<64xi32, #tpu.memory_space<vmem>>) semaphore(%arg17 : memref<!tpu.dma_semaphore, #tpu.memory_space<semaphore_mem>>) {add = true}
      %ge3A = arith.constant 1 : i32
      %ge3A_116 = arith.cmpi sge, %scan3A_95, %ge3A : i32
      %convert_element_type3A = arith.extui %ge3A_116 : i1 to i32
      %cond3A = arith.constant 0 : i32
      %cond3A_117 = arith.cmpi ne, %convert_element_type3A, %cond3A : i32
      scf.if %cond3A_117 {
        %sub3A_227 = arith.constant 2 : i32
        %sub3A_228 = arith.subi %add3A_99, %sub3A_227 : i32
        %dma_wait3A_229 = arith.constant 0 : i32
        %dma_wait3A_230 = tpu.memref_slice %arg7[%sub3A_228, %dma_wait3A_229] : memref<80x64xi32, #tpu.memory_space<vmem>> -> memref<1x64xi32, #tpu.memory_space<vmem>>
        %dma_wait3A_231 = tpu.memref_squeeze %dma_wait3A_230 : memref<1x64xi32, #tpu.memory_space<vmem>> -> memref<64xi32, #tpu.memory_space<vmem>>
        %dma_wait3A_232 = arith.constant 0 : i32
        %dma_wait3A_233 = arith.constant 0 : i32
        %dma_wait3A_234 = tpu.memref_slice %arg12[%dma_wait3A_232, %dma_wait3A_233] : memref<10240x128xf32, #tpu.memory_space<vmem_shared>> -> memref<10240x128xf32, #tpu.memory_space<vmem_shared>>
        tpu.wait_indirect_dma semaphore(%arg19 : memref<!tpu.dma_semaphore, #tpu.memory_space<semaphore_mem>>) src(%arg10 : memref<64x128xf32, #tpu.memory_space<vmem>>) dst(%dma_wait3A_234 : memref<10240x128xf32, #tpu.memory_space<vmem_shared>>)
      } else {
      }
      %mul3A_118 = arith.constant 2 : i32
      %mul3A_119 = arith.muli %mul3A_118, %scan3A_95 : i32
      %add3A_120 = arith.constant 1 : i32
      %add3A_121 = arith.addi %mul3A_119, %add3A_120 : i32
      %dma_start3A_122 = arith.constant 0 : i32
      %dma_start3A_123 = tpu.memref_slice %arg6[%add3A_121, %dma_start3A_122] : memref<40x128xi32, #tpu.memory_space<vmem>> -> memref<1x64xi32, #tpu.memory_space<vmem>>
      %dma_start3A_124 = tpu.memref_squeeze %dma_start3A_123 : memref<1x64xi32, #tpu.memory_space<vmem>> -> memref<64xi32, #tpu.memory_space<vmem>>
      %dma_start3A_125 = arith.constant 0 : i32
      %dma_start3A_126 = arith.constant 0 : i32
      %dma_start3A_127 = tpu.memref_slice %arg2[%dma_start3A_125, %dma_start3A_126] : memref<20480x128xf32, #tpu.memory_space<hbm>> -> memref<20480x128xf32, #tpu.memory_space<hbm>>
      tpu.enqueue_indirect_dma source(%dma_start3A_127 : memref<20480x128xf32, #tpu.memory_space<hbm>>) target(%arg10 : memref<64x128xf32, #tpu.memory_space<vmem>>) offsets(%dma_start3A_124 : memref<64xi32, #tpu.memory_space<vmem>>) semaphore(%arg15 : memref<!tpu.dma_semaphore, #tpu.memory_space<semaphore_mem>>)
      %mul3A_128 = arith.constant 4 : i32
      %mul3A_129 = arith.muli %mul3A_128, %scan3A_95 : i32
      %add3A_130 = arith.constant 1 : i32
      %add3A_131 = arith.addi %mul3A_129, %add3A_130 : i32
      %mul3A_132 = arith.constant 2 : i32
      %mul3A_133 = arith.muli %mul3A_132, %scan3A_95 : i32
      %add3A_134 = arith.constant 0 : i32
      %add3A_135 = arith.addi %mul3A_133, %add3A_134 : i32
      %dma_wait3A_136 = arith.constant 64 : i32
      %dma_wait3A_137 = tpu.memref_slice %arg6[%add3A_135, %dma_wait3A_136] : memref<40x128xi32, #tpu.memory_space<vmem>> -> memref<1x64xi32, #tpu.memory_space<vmem>>
      %dma_wait3A_138 = tpu.memref_squeeze %dma_wait3A_137 : memref<1x64xi32, #tpu.memory_space<vmem>> -> memref<64xi32, #tpu.memory_space<vmem>>
      %dma_wait3A_139 = arith.constant 0 : i32
      %dma_wait3A_140 = arith.constant 0 : i32
      %dma_wait3A_141 = tpu.memref_slice %arg2[%dma_wait3A_139, %dma_wait3A_140] : memref<20480x128xf32, #tpu.memory_space<hbm>> -> memref<20480x128xf32, #tpu.memory_space<hbm>>
      tpu.wait_indirect_dma semaphore(%arg14 : memref<!tpu.dma_semaphore, #tpu.memory_space<semaphore_mem>>) src(%dma_wait3A_141 : memref<20480x128xf32, #tpu.memory_space<hbm>>) dst(%arg9 : memref<64x128xf32, #tpu.memory_space<vmem>>)
      %dma_start3A_142 = arith.constant 0 : i32
      %dma_start3A_143 = tpu.memref_slice %arg7[%add3A_131, %dma_start3A_142] : memref<80x64xi32, #tpu.memory_space<vmem>> -> memref<1x64xi32, #tpu.memory_space<vmem>>
      %dma_start3A_144 = tpu.memref_squeeze %dma_start3A_143 : memref<1x64xi32, #tpu.memory_space<vmem>> -> memref<64xi32, #tpu.memory_space<vmem>>
      %dma_start3A_145 = arith.constant 0 : i32
      %dma_start3A_146 = arith.constant 0 : i32
      %dma_start3A_147 = tpu.memref_slice %arg12[%dma_start3A_145, %dma_start3A_146] : memref<10240x128xf32, #tpu.memory_space<vmem_shared>> -> memref<10240x128xf32, #tpu.memory_space<vmem_shared>>
      tpu.enqueue_indirect_dma source(%arg9 : memref<64x128xf32, #tpu.memory_space<vmem>>) target(%dma_start3A_147 : memref<10240x128xf32, #tpu.memory_space<vmem_shared>>) offsets(%dma_start3A_144 : memref<64xi32, #tpu.memory_space<vmem>>) semaphore(%arg18 : memref<!tpu.dma_semaphore, #tpu.memory_space<semaphore_mem>>) {add = true}
      %ge3A_148 = arith.constant 1 : i32
      %ge3A_149 = arith.cmpi sge, %scan3A_95, %ge3A_148 : i32
      %convert_element_type3A_150 = arith.extui %ge3A_149 : i1 to i32
      %cond3A_151 = arith.constant 0 : i32
      %cond3A_152 = arith.cmpi ne, %convert_element_type3A_150, %cond3A_151 : i32
      scf.if %cond3A_152 {
        %sub3A_227 = arith.constant 2 : i32
        %sub3A_228 = arith.subi %add3A_131, %sub3A_227 : i32
        %dma_wait3A_229 = arith.constant 0 : i32
        %dma_wait3A_230 = tpu.memref_slice %arg7[%sub3A_228, %dma_wait3A_229] : memref<80x64xi32, #tpu.memory_space<vmem>> -> memref<1x64xi32, #tpu.memory_space<vmem>>
        %dma_wait3A_231 = tpu.memref_squeeze %dma_wait3A_230 : memref<1x64xi32, #tpu.memory_space<vmem>> -> memref<64xi32, #tpu.memory_space<vmem>>
        %dma_wait3A_232 = arith.constant 0 : i32
        %dma_wait3A_233 = arith.constant 0 : i32
        %dma_wait3A_234 = tpu.memref_slice %arg12[%dma_wait3A_232, %dma_wait3A_233] : memref<10240x128xf32, #tpu.memory_space<vmem_shared>> -> memref<10240x128xf32, #tpu.memory_space<vmem_shared>>
        tpu.wait_indirect_dma semaphore(%arg20 : memref<!tpu.dma_semaphore, #tpu.memory_space<semaphore_mem>>) src(%arg11 : memref<64x128xf32, #tpu.memory_space<vmem>>) dst(%dma_wait3A_234 : memref<10240x128xf32, #tpu.memory_space<vmem_shared>>)
      } else {
      }
      %mul3A_153 = arith.constant 2 : i32
      %mul3A_154 = arith.muli %mul3A_153, %scan3A_95 : i32
      %add3A_155 = arith.constant 1 : i32
      %add3A_156 = arith.addi %mul3A_154, %add3A_155 : i32
      %dma_start3A_157 = arith.constant 64 : i32
      %dma_start3A_158 = tpu.memref_slice %arg6[%add3A_156, %dma_start3A_157] : memref<40x128xi32, #tpu.memory_space<vmem>> -> memref<1x64xi32, #tpu.memory_space<vmem>>
      %dma_start3A_159 = tpu.memref_squeeze %dma_start3A_158 : memref<1x64xi32, #tpu.memory_space<vmem>> -> memref<64xi32, #tpu.memory_space<vmem>>
      %dma_start3A_160 = arith.constant 0 : i32
      %dma_start3A_161 = arith.constant 0 : i32
      %dma_start3A_162 = tpu.memref_slice %arg2[%dma_start3A_160, %dma_start3A_161] : memref<20480x128xf32, #tpu.memory_space<hbm>> -> memref<20480x128xf32, #tpu.memory_space<hbm>>
      tpu.enqueue_indirect_dma source(%dma_start3A_162 : memref<20480x128xf32, #tpu.memory_space<hbm>>) target(%arg11 : memref<64x128xf32, #tpu.memory_space<vmem>>) offsets(%dma_start3A_159 : memref<64xi32, #tpu.memory_space<vmem>>) semaphore(%arg16 : memref<!tpu.dma_semaphore, #tpu.memory_space<semaphore_mem>>)
      %mul3A_163 = arith.constant 4 : i32
      %mul3A_164 = arith.muli %mul3A_163, %scan3A_95 : i32
      %add3A_165 = arith.constant 2 : i32
      %add3A_166 = arith.addi %mul3A_164, %add3A_165 : i32
      %mul3A_167 = arith.constant 2 : i32
      %mul3A_168 = arith.muli %mul3A_167, %scan3A_95 : i32
      %add3A_169 = arith.constant 1 : i32
      %add3A_170 = arith.addi %mul3A_168, %add3A_169 : i32
      %dma_wait3A_171 = arith.constant 0 : i32
      %dma_wait3A_172 = tpu.memref_slice %arg6[%add3A_170, %dma_wait3A_171] : memref<40x128xi32, #tpu.memory_space<vmem>> -> memref<1x64xi32, #tpu.memory_space<vmem>>
      %dma_wait3A_173 = tpu.memref_squeeze %dma_wait3A_172 : memref<1x64xi32, #tpu.memory_space<vmem>> -> memref<64xi32, #tpu.memory_space<vmem>>
      %dma_wait3A_174 = arith.constant 0 : i32
      %dma_wait3A_175 = arith.constant 0 : i32
      %dma_wait3A_176 = tpu.memref_slice %arg2[%dma_wait3A_174, %dma_wait3A_175] : memref<20480x128xf32, #tpu.memory_space<hbm>> -> memref<20480x128xf32, #tpu.memory_space<hbm>>
      tpu.wait_indirect_dma semaphore(%arg15 : memref<!tpu.dma_semaphore, #tpu.memory_space<semaphore_mem>>) src(%dma_wait3A_176 : memref<20480x128xf32, #tpu.memory_space<hbm>>) dst(%arg10 : memref<64x128xf32, #tpu.memory_space<vmem>>)
      %dma_start3A_177 = arith.constant 0 : i32
      %dma_start3A_178 = tpu.memref_slice %arg7[%add3A_166, %dma_start3A_177] : memref<80x64xi32, #tpu.memory_space<vmem>> -> memref<1x64xi32, #tpu.memory_space<vmem>>
      %dma_start3A_179 = tpu.memref_squeeze %dma_start3A_178 : memref<1x64xi32, #tpu.memory_space<vmem>> -> memref<64xi32, #tpu.memory_space<vmem>>
      %dma_start3A_180 = arith.constant 0 : i32
      %dma_start3A_181 = arith.constant 0 : i32
      %dma_start3A_182 = tpu.memref_slice %arg12[%dma_start3A_180, %dma_start3A_181] : memref<10240x128xf32, #tpu.memory_space<vmem_shared>> -> memref<10240x128xf32, #tpu.memory_space<vmem_shared>>
      tpu.enqueue_indirect_dma source(%arg10 : memref<64x128xf32, #tpu.memory_space<vmem>>) target(%dma_start3A_182 : memref<10240x128xf32, #tpu.memory_space<vmem_shared>>) offsets(%dma_start3A_179 : memref<64xi32, #tpu.memory_space<vmem>>) semaphore(%arg19 : memref<!tpu.dma_semaphore, #tpu.memory_space<semaphore_mem>>) {add = true}
      %sub3A = arith.constant 2 : i32
      %sub3A_183 = arith.subi %add3A_166, %sub3A : i32
      %dma_wait3A_184 = arith.constant 0 : i32
      %dma_wait3A_185 = tpu.memref_slice %arg7[%sub3A_183, %dma_wait3A_184] : memref<80x64xi32, #tpu.memory_space<vmem>> -> memref<1x64xi32, #tpu.memory_space<vmem>>
      %dma_wait3A_186 = tpu.memref_squeeze %dma_wait3A_185 : memref<1x64xi32, #tpu.memory_space<vmem>> -> memref<64xi32, #tpu.memory_space<vmem>>
      %dma_wait3A_187 = arith.constant 0 : i32
      %dma_wait3A_188 = arith.constant 0 : i32
      %dma_wait3A_189 = tpu.memref_slice %arg12[%dma_wait3A_187, %dma_wait3A_188] : memref<10240x128xf32, #tpu.memory_space<vmem_shared>> -> memref<10240x128xf32, #tpu.memory_space<vmem_shared>>
      tpu.wait_indirect_dma semaphore(%arg17 : memref<!tpu.dma_semaphore, #tpu.memory_space<semaphore_mem>>) src(%arg8 : memref<64x128xf32, #tpu.memory_space<vmem>>) dst(%dma_wait3A_189 : memref<10240x128xf32, #tpu.memory_space<vmem_shared>>)
      %lt3A = arith.constant 19 : i32
      %lt3A_190 = arith.cmpi slt, %scan3A_95, %lt3A : i32
      %convert_element_type3A_191 = arith.extui %lt3A_190 : i1 to i32
      %cond3A_192 = arith.constant 0 : i32
      %cond3A_193 = arith.cmpi ne, %convert_element_type3A_191, %cond3A_192 : i32
      scf.if %cond3A_193 {
        %mul3A_227 = arith.constant 2 : i32
        %mul3A_228 = arith.muli %mul3A_227, %scan3A_95 : i32
        %add3A_229 = arith.constant 2 : i32
        %add3A_230 = arith.addi %mul3A_228, %add3A_229 : i32
        %dma_start3A_231 = arith.constant 0 : i32
        %dma_start3A_232 = tpu.memref_slice %arg6[%add3A_230, %dma_start3A_231] : memref<40x128xi32, #tpu.memory_space<vmem>> -> memref<1x64xi32, #tpu.memory_space<vmem>>
        %dma_start3A_233 = tpu.memref_squeeze %dma_start3A_232 : memref<1x64xi32, #tpu.memory_space<vmem>> -> memref<64xi32, #tpu.memory_space<vmem>>
        %dma_start3A_234 = arith.constant 0 : i32
        %dma_start3A_235 = arith.constant 0 : i32
        %dma_start3A_236 = tpu.memref_slice %arg2[%dma_start3A_234, %dma_start3A_235] : memref<20480x128xf32, #tpu.memory_space<hbm>> -> memref<20480x128xf32, #tpu.memory_space<hbm>>
        tpu.enqueue_indirect_dma source(%dma_start3A_236 : memref<20480x128xf32, #tpu.memory_space<hbm>>) target(%arg8 : memref<64x128xf32, #tpu.memory_space<vmem>>) offsets(%dma_start3A_233 : memref<64xi32, #tpu.memory_space<vmem>>) semaphore(%arg13 : memref<!tpu.dma_semaphore, #tpu.memory_space<semaphore_mem>>)
      } else {
      }
      %mul3A_194 = arith.constant 4 : i32
      %mul3A_195 = arith.muli %mul3A_194, %scan3A_95 : i32
      %add3A_196 = arith.constant 3 : i32
      %add3A_197 = arith.addi %mul3A_195, %add3A_196 : i32
      %mul3A_198 = arith.constant 2 : i32
      %mul3A_199 = arith.muli %mul3A_198, %scan3A_95 : i32
      %add3A_200 = arith.constant 1 : i32
      %add3A_201 = arith.addi %mul3A_199, %add3A_200 : i32
      %dma_wait3A_202 = arith.constant 64 : i32
      %dma_wait3A_203 = tpu.memref_slice %arg6[%add3A_201, %dma_wait3A_202] : memref<40x128xi32, #tpu.memory_space<vmem>> -> memref<1x64xi32, #tpu.memory_space<vmem>>
      %dma_wait3A_204 = tpu.memref_squeeze %dma_wait3A_203 : memref<1x64xi32, #tpu.memory_space<vmem>> -> memref<64xi32, #tpu.memory_space<vmem>>
      %dma_wait3A_205 = arith.constant 0 : i32
      %dma_wait3A_206 = arith.constant 0 : i32
      %dma_wait3A_207 = tpu.memref_slice %arg2[%dma_wait3A_205, %dma_wait3A_206] : memref<20480x128xf32, #tpu.memory_space<hbm>> -> memref<20480x128xf32, #tpu.memory_space<hbm>>
      tpu.wait_indirect_dma semaphore(%arg16 : memref<!tpu.dma_semaphore, #tpu.memory_space<semaphore_mem>>) src(%dma_wait3A_207 : memref<20480x128xf32, #tpu.memory_space<hbm>>) dst(%arg11 : memref<64x128xf32, #tpu.memory_space<vmem>>)
      %dma_start3A_208 = arith.constant 0 : i32
      %dma_start3A_209 = tpu.memref_slice %arg7[%add3A_197, %dma_start3A_208] : memref<80x64xi32, #tpu.memory_space<vmem>> -> memref<1x64xi32, #tpu.memory_space<vmem>>
      %dma_start3A_210 = tpu.memref_squeeze %dma_start3A_209 : memref<1x64xi32, #tpu.memory_space<vmem>> -> memref<64xi32, #tpu.memory_space<vmem>>
      %dma_start3A_211 = arith.constant 0 : i32
      %dma_start3A_212 = arith.constant 0 : i32
      %dma_start3A_213 = tpu.memref_slice %arg12[%dma_start3A_211, %dma_start3A_212] : memref<10240x128xf32, #tpu.memory_space<vmem_shared>> -> memref<10240x128xf32, #tpu.memory_space<vmem_shared>>
      tpu.enqueue_indirect_dma source(%arg11 : memref<64x128xf32, #tpu.memory_space<vmem>>) target(%dma_start3A_213 : memref<10240x128xf32, #tpu.memory_space<vmem_shared>>) offsets(%dma_start3A_210 : memref<64xi32, #tpu.memory_space<vmem>>) semaphore(%arg20 : memref<!tpu.dma_semaphore, #tpu.memory_space<semaphore_mem>>) {add = true}
      %sub3A_214 = arith.constant 2 : i32
      %sub3A_215 = arith.subi %add3A_197, %sub3A_214 : i32
      %dma_wait3A_216 = arith.constant 0 : i32
      %dma_wait3A_217 = tpu.memref_slice %arg7[%sub3A_215, %dma_wait3A_216] : memref<80x64xi32, #tpu.memory_space<vmem>> -> memref<1x64xi32, #tpu.memory_space<vmem>>
      %dma_wait3A_218 = tpu.memref_squeeze %dma_wait3A_217 : memref<1x64xi32, #tpu.memory_space<vmem>> -> memref<64xi32, #tpu.memory_space<vmem>>
      %dma_wait3A_219 = arith.constant 0 : i32
      %dma_wait3A_220 = arith.constant 0 : i32
      %dma_wait3A_221 = tpu.memref_slice %arg12[%dma_wait3A_219, %dma_wait3A_220] : memref<10240x128xf32, #tpu.memory_space<vmem_shared>> -> memref<10240x128xf32, #tpu.memory_space<vmem_shared>>
      tpu.wait_indirect_dma semaphore(%arg18 : memref<!tpu.dma_semaphore, #tpu.memory_space<semaphore_mem>>) src(%arg9 : memref<64x128xf32, #tpu.memory_space<vmem>>) dst(%dma_wait3A_221 : memref<10240x128xf32, #tpu.memory_space<vmem_shared>>)
      %lt3A_222 = arith.constant 19 : i32
      %lt3A_223 = arith.cmpi slt, %scan3A_95, %lt3A_222 : i32
      %convert_element_type3A_224 = arith.extui %lt3A_223 : i1 to i32
      %cond3A_225 = arith.constant 0 : i32
      %cond3A_226 = arith.cmpi ne, %convert_element_type3A_224, %cond3A_225 : i32
      scf.if %cond3A_226 {
        %mul3A_227 = arith.constant 2 : i32
        %mul3A_228 = arith.muli %mul3A_227, %scan3A_95 : i32
        %add3A_229 = arith.constant 2 : i32
        %add3A_230 = arith.addi %mul3A_228, %add3A_229 : i32
        %dma_start3A_231 = arith.constant 64 : i32
        %dma_start3A_232 = tpu.memref_slice %arg6[%add3A_230, %dma_start3A_231] : memref<40x128xi32, #tpu.memory_space<vmem>> -> memref<1x64xi32, #tpu.memory_space<vmem>>
        %dma_start3A_233 = tpu.memref_squeeze %dma_start3A_232 : memref<1x64xi32, #tpu.memory_space<vmem>> -> memref<64xi32, #tpu.memory_space<vmem>>
        %dma_start3A_234 = arith.constant 0 : i32
        %dma_start3A_235 = arith.constant 0 : i32
        %dma_start3A_236 = tpu.memref_slice %arg2[%dma_start3A_234, %dma_start3A_235] : memref<20480x128xf32, #tpu.memory_space<hbm>> -> memref<20480x128xf32, #tpu.memory_space<hbm>>
        tpu.enqueue_indirect_dma source(%dma_start3A_236 : memref<20480x128xf32, #tpu.memory_space<hbm>>) target(%arg9 : memref<64x128xf32, #tpu.memory_space<vmem>>) offsets(%dma_start3A_233 : memref<64xi32, #tpu.memory_space<vmem>>) semaphore(%arg14 : memref<!tpu.dma_semaphore, #tpu.memory_space<semaphore_mem>>)
      } else {
      }
    }
    %scan3A_77 = arith.constant 20 : i32
    %dma_wait3A_78 = arith.constant 78 : i32
    %dma_wait3A_79 = arith.constant 0 : i32
    %dma_wait3A_80 = tpu.memref_slice %arg7[%dma_wait3A_78, %dma_wait3A_79] : memref<80x64xi32, #tpu.memory_space<vmem>> -> memref<1x64xi32, #tpu.memory_space<vmem>>
    %dma_wait3A_81 = tpu.memref_squeeze %dma_wait3A_80 : memref<1x64xi32, #tpu.memory_space<vmem>> -> memref<64xi32, #tpu.memory_space<vmem>>
    %dma_wait3A_82 = arith.constant 0 : i32
    %dma_wait3A_83 = arith.constant 0 : i32
    %dma_wait3A_84 = tpu.memref_slice %arg12[%dma_wait3A_82, %dma_wait3A_83] : memref<10240x128xf32, #tpu.memory_space<vmem_shared>> -> memref<10240x128xf32, #tpu.memory_space<vmem_shared>>
    tpu.wait_indirect_dma semaphore(%arg19 : memref<!tpu.dma_semaphore, #tpu.memory_space<semaphore_mem>>) src(%arg10 : memref<64x128xf32, #tpu.memory_space<vmem>>) dst(%dma_wait3A_84 : memref<10240x128xf32, #tpu.memory_space<vmem_shared>>)
    %dma_wait3A_85 = arith.constant 79 : i32
    %dma_wait3A_86 = arith.constant 0 : i32
    %dma_wait3A_87 = tpu.memref_slice %arg7[%dma_wait3A_85, %dma_wait3A_86] : memref<80x64xi32, #tpu.memory_space<vmem>> -> memref<1x64xi32, #tpu.memory_space<vmem>>
    %dma_wait3A_88 = tpu.memref_squeeze %dma_wait3A_87 : memref<1x64xi32, #tpu.memory_space<vmem>> -> memref<64xi32, #tpu.memory_space<vmem>>
    %dma_wait3A_89 = arith.constant 0 : i32
    %dma_wait3A_90 = arith.constant 0 : i32
    %dma_wait3A_91 = tpu.memref_slice %arg12[%dma_wait3A_89, %dma_wait3A_90] : memref<10240x128xf32, #tpu.memory_space<vmem_shared>> -> memref<10240x128xf32, #tpu.memory_space<vmem_shared>>
    tpu.wait_indirect_dma semaphore(%arg20 : memref<!tpu.dma_semaphore, #tpu.memory_space<semaphore_mem>>) src(%arg11 : memref<64x128xf32, #tpu.memory_space<vmem>>) dst(%dma_wait3A_91 : memref<10240x128xf32, #tpu.memory_space<vmem_shared>>)
    %barrier3A_92 = arith.constant 0 : index
    tpu.barrier barrier_id(%barrier3A_92)
    %mul3A_93 = arith.constant 640 : i32
    %mul3A_94 = arith.muli %arg1, %mul3A_93 : i32
    "tpu.region"() ({
      %run_scoped3A = tpu.sem_alloc : memref<!tpu.dma_semaphore, #tpu.memory_space<semaphore_mem>>
      %dma_start3A_95 = arith.constant 0 : i32
      %dma_start3A_96 = tpu.memref_slice %arg5[%add3A, %dma_start3A_95] : memref<20480x128xf32, #tpu.memory_space<hbm>> -> memref<640x128xf32, #tpu.memory_space<hbm>>
      %dma_start3A_97 = arith.constant 0 : i32
      %dma_start3A_98 = tpu.memref_slice %arg12[%mul3A_94, %dma_start3A_97] : memref<10240x128xf32, #tpu.memory_space<vmem_shared>> -> memref<640x128xf32, #tpu.memory_space<vmem_shared>>
      tpu.enqueue_dma source(%dma_start3A_98 : memref<640x128xf32, #tpu.memory_space<vmem_shared>>) target(%dma_start3A_96 : memref<640x128xf32, #tpu.memory_space<hbm>>) target_semaphore(%run_scoped3A : memref<!tpu.dma_semaphore, #tpu.memory_space<semaphore_mem>>)
      %dma_wait3A_99 = arith.constant 0 : i32
      %dma_wait3A_100 = tpu.memref_slice %arg5[%add3A, %dma_wait3A_99] : memref<20480x128xf32, #tpu.memory_space<hbm>> -> memref<640x128xf32, #tpu.memory_space<hbm>>
      %dma_wait3A_101 = arith.constant 0 : i32
      %dma_wait3A_102 = tpu.memref_slice %arg12[%mul3A_94, %dma_wait3A_101] : memref<10240x128xf32, #tpu.memory_space<vmem_shared>> -> memref<640x128xf32, #tpu.memory_space<vmem_shared>>
      tpu.wait_dma2 semaphore(%run_scoped3A : memref<!tpu.dma_semaphore, #tpu.memory_space<semaphore_mem>>) src(%dma_wait3A_102 : memref<640x128xf32, #tpu.memory_space<vmem_shared>>) dst(%dma_wait3A_100 : memref<640x128xf32, #tpu.memory_space<hbm>>)
      tpu.yield
    }) : () -> ()
    return
  }
}

#map = affine_map<(d0, d1) -> (0)>
module attributes {stable_mosaic.version = 14 : i64} {
  func.func @_deg_body(%arg0: i32, %arg1: i32, %arg2: memref<163840xi32, #tpu.memory_space<hbm>>, %arg3: memref<327680xf32, #tpu.memory_space<hbm>>, %arg4: memref<5120xi32, #tpu.memory_space<vmem>>, %arg5: memref<10240xf32, #tpu.memory_space<vmem>>) attributes {dimension_semantics = [#tpu.dimension_semantics<core_parallel>, #tpu.dimension_semantics<subcore_parallel>], iteration_bounds = array<i64: 2, 16>, scalar_prefetch = 0 : i64, scratch_operands = 2 : i64, tpu.core_type = #tpu.core_type<sc_vector_subcore>, window_params = [{transform_indices = #map}, {transform_indices = #map}]} {
    %mul3A = arith.constant 16 : i32
    %mul3A_0 = arith.muli %arg0, %mul3A : i32
    %add3A = arith.addi %mul3A_0, %arg1 : i32
    %mul3A_1 = arith.constant 5120 : i32
    %mul3A_2 = arith.muli %add3A, %mul3A_1 : i32
    "tpu.region"() ({
      %run_scoped3A = tpu.sem_alloc : memref<!tpu.dma_semaphore, #tpu.memory_space<semaphore_mem>>
      %dma_start3A = tpu.memref_slice %arg2[%mul3A_2] : memref<163840xi32, #tpu.memory_space<hbm>> -> memref<5120xi32, #tpu.memory_space<hbm>>
      %dma_start3A_19 = tpu.memref_slice %arg2[%mul3A_2] : memref<163840xi32, #tpu.memory_space<hbm>> -> memref<5120xi32, #tpu.memory_space<hbm>>
      tpu.enqueue_dma source(%dma_start3A_19 : memref<5120xi32, #tpu.memory_space<hbm>>) target(%arg4 : memref<5120xi32, #tpu.memory_space<vmem>>) target_semaphore(%run_scoped3A : memref<!tpu.dma_semaphore, #tpu.memory_space<semaphore_mem>>)
      %dma_wait3A = tpu.memref_slice %arg2[%mul3A_2] : memref<163840xi32, #tpu.memory_space<hbm>> -> memref<5120xi32, #tpu.memory_space<hbm>>
      %dma_wait3A_20 = tpu.memref_slice %arg2[%mul3A_2] : memref<163840xi32, #tpu.memory_space<hbm>> -> memref<5120xi32, #tpu.memory_space<hbm>>
      tpu.wait_dma2 semaphore(%run_scoped3A : memref<!tpu.dma_semaphore, #tpu.memory_space<semaphore_mem>>) src(%dma_wait3A_20 : memref<5120xi32, #tpu.memory_space<hbm>>) dst(%arg4 : memref<5120xi32, #tpu.memory_space<vmem>>)
      tpu.yield
    }) : () -> ()
    %broadcast_in_dim3A = arith.constant 0.000000e+00 : f32
    %broadcast_in_dim3A_3 = vector.broadcast %broadcast_in_dim3A : f32 to vector<16xf32>
    %scan3A = arith.constant 0 : i32
    %scan3A_4 = arith.constant 0 : i32
    %scan3A_5 = arith.constant 640 : i32
    %scan3A_6 = arith.addi %scan3A_4, %scan3A_5 : i32
    %scan3A_7 = arith.constant 1 : i32
    scf.for %scan3A_19 = %scan3A_4 to %scan3A_6 step %scan3A_7  : i32 {
      %mul3A_20 = arith.constant 16 : i32
      %mul3A_21 = arith.muli %scan3A_19, %mul3A_20 : i32
      %swap3A = arith.index_cast %mul3A_21 : i32 to index
      %swap3A_22 = tpu.vector_load %arg5[%swap3A] {strides = array<i32>} : memref<10240xf32, #tpu.memory_space<vmem>>, vector<16xf32>,
      tpu.vector_store %arg5[%swap3A], %broadcast_in_dim3A_3 {strides = array<i32>} : memref<10240xf32, #tpu.memory_space<vmem>>, vector<16xf32>,
    }
    %scan3A_8 = arith.constant 640 : i32
    %broadcast_in_dim3A_9 = arith.constant 1.000000e+00 : f32
    %broadcast_in_dim3A_10 = vector.broadcast %broadcast_in_dim3A_9 : f32 to vector<16xf32>
    %scan3A_11 = arith.constant 0 : i32
    %scan3A_12 = arith.constant 0 : i32
    %scan3A_13 = arith.constant 320 : i32
    %scan3A_14 = arith.addi %scan3A_12, %scan3A_13 : i32
    %scan3A_15 = arith.constant 1 : i32
    scf.for %scan3A_19 = %scan3A_12 to %scan3A_14 step %scan3A_15  : i32 {
      %mul3A_20 = arith.constant 16 : i32
      %mul3A_21 = arith.muli %scan3A_19, %mul3A_20 : i32
      %get3A = arith.index_cast %mul3A_21 : i32 to index
      %get3A_22 = tpu.vector_load %arg4[%get3A] {strides = array<i32>} : memref<5120xi32, #tpu.memory_space<vmem>>, vector<16xi32>,
      tpu.vector_store_idx %arg5[%get3A_22], %broadcast_in_dim3A_10 {add = true} : memref<10240xf32, #tpu.memory_space<vmem>>[vector<16xi32>], vector<16xf32>,
    }
    %scan3A_16 = arith.constant 320 : i32
    %mul3A_17 = arith.constant 10240 : i32
    %mul3A_18 = arith.muli %add3A, %mul3A_17 : i32
    "tpu.region"() ({
      %run_scoped3A = tpu.sem_alloc : memref<!tpu.dma_semaphore, #tpu.memory_space<semaphore_mem>>
      %dma_start3A = tpu.memref_slice %arg3[%mul3A_18] : memref<327680xf32, #tpu.memory_space<hbm>> -> memref<10240xf32, #tpu.memory_space<hbm>>
      %dma_start3A_19 = tpu.memref_slice %arg3[%mul3A_18] : memref<327680xf32, #tpu.memory_space<hbm>> -> memref<10240xf32, #tpu.memory_space<hbm>>
      tpu.enqueue_dma source(%arg5 : memref<10240xf32, #tpu.memory_space<vmem>>) target(%dma_start3A_19 : memref<10240xf32, #tpu.memory_space<hbm>>) target_semaphore(%run_scoped3A : memref<!tpu.dma_semaphore, #tpu.memory_space<semaphore_mem>>)
      %dma_wait3A = tpu.memref_slice %arg3[%mul3A_18] : memref<327680xf32, #tpu.memory_space<hbm>> -> memref<10240xf32, #tpu.memory_space<hbm>>
      %dma_wait3A_20 = tpu.memref_slice %arg3[%mul3A_18] : memref<327680xf32, #tpu.memory_space<hbm>> -> memref<10240xf32, #tpu.memory_space<hbm>>
      tpu.wait_dma2 semaphore(%run_scoped3A : memref<!tpu.dma_semaphore, #tpu.memory_space<semaphore_mem>>) src(%arg5 : memref<10240xf32, #tpu.memory_space<vmem>>) dst(%dma_wait3A_20 : memref<10240xf32, #tpu.memory_space<hbm>>)
      tpu.yield
    }) : () -> ()
    return
  }
}

#map = affine_map<(d0, d1) -> (0, 0)>
module attributes {stable_mosaic.version = 14 : i64} {
  func.func @_prop_body(%arg0: i32, %arg1: i32, %arg2: memref<20480x128xf32, #tpu.memory_space<hbm>>, %arg3: memref<2560x128xi32, #tpu.memory_space<hbm>>, %arg4: memref<2560x64xi32, #tpu.memory_space<hbm>>, %arg5: memref<20480x128xf32, #tpu.memory_space<hbm>>, %arg6: memref<40x128xi32, #tpu.memory_space<vmem>>, %arg7: memref<80x64xi32, #tpu.memory_space<vmem>>, %arg8: memref<64x128xf32, #tpu.memory_space<vmem>>, %arg9: memref<64x128xf32, #tpu.memory_space<vmem>>, %arg10: memref<64x128xf32, #tpu.memory_space<vmem>>, %arg11: memref<64x128xf32, #tpu.memory_space<vmem>>, %arg12: memref<10240x128xf32, #tpu.memory_space<vmem_shared>>, %arg13: memref<!tpu.dma_semaphore, #tpu.memory_space<semaphore_mem>>, %arg14: memref<!tpu.dma_semaphore, #tpu.memory_space<semaphore_mem>>, %arg15: memref<!tpu.dma_semaphore, #tpu.memory_space<semaphore_mem>>, %arg16: memref<!tpu.dma_semaphore, #tpu.memory_space<semaphore_mem>>, %arg17: memref<!tpu.dma_semaphore, #tpu.memory_space<semaphore_mem>>, %arg18: memref<!tpu.dma_semaphore, #tpu.memory_space<semaphore_mem>>, %arg19: memref<!tpu.dma_semaphore, #tpu.memory_space<semaphore_mem>>, %arg20: memref<!tpu.dma_semaphore, #tpu.memory_space<semaphore_mem>>) attributes {dimension_semantics = [#tpu.dimension_semantics<core_parallel>, #tpu.dimension_semantics<subcore_parallel>], iteration_bounds = array<i64: 2, 16>, scalar_prefetch = 0 : i64, scratch_operands = 15 : i64, tpu.core_type = #tpu.core_type<sc_vector_subcore>, window_params = [{transform_indices = #map}, {transform_indices = #map}, {transform_indices = #map}, {transform_indices = #map}]} {
    %mul3A = arith.constant 10240 : i32
    %mul3A_0 = arith.muli %arg0, %mul3A : i32
    %mul3A_1 = arith.constant 640 : i32
    %mul3A_2 = arith.muli %arg1, %mul3A_1 : i32
    %add3A = arith.addi %mul3A_0, %mul3A_2 : i32
    %mul3A_3 = arith.constant 640 : i32
    %mul3A_4 = arith.muli %arg1, %mul3A_3 : i32
    "tpu.region"() ({
      %run_scoped3A = tpu.sem_alloc : memref<!tpu.dma_semaphore, #tpu.memory_space<semaphore_mem>>
      %dma_start3A_95 = arith.constant 0 : i32
      %dma_start3A_96 = tpu.memref_slice %arg12[%mul3A_4, %dma_start3A_95] : memref<10240x128xf32, #tpu.memory_space<vmem_shared>> -> memref<640x128xf32, #tpu.memory_space<vmem_shared>>
      %dma_start3A_97 = arith.constant 0 : i32
      %dma_start3A_98 = tpu.memref_slice %arg2[%add3A, %dma_start3A_97] : memref<20480x128xf32, #tpu.memory_space<hbm>> -> memref<640x128xf32, #tpu.memory_space<hbm>>
      tpu.enqueue_dma source(%dma_start3A_98 : memref<640x128xf32, #tpu.memory_space<hbm>>) target(%dma_start3A_96 : memref<640x128xf32, #tpu.memory_space<vmem_shared>>) target_semaphore(%run_scoped3A : memref<!tpu.dma_semaphore, #tpu.memory_space<semaphore_mem>>)
      %dma_wait3A_99 = arith.constant 0 : i32
      %dma_wait3A_100 = tpu.memref_slice %arg12[%mul3A_4, %dma_wait3A_99] : memref<10240x128xf32, #tpu.memory_space<vmem_shared>> -> memref<640x128xf32, #tpu.memory_space<vmem_shared>>
      %dma_wait3A_101 = arith.constant 0 : i32
      %dma_wait3A_102 = tpu.memref_slice %arg2[%add3A, %dma_wait3A_101] : memref<20480x128xf32, #tpu.memory_space<hbm>> -> memref<640x128xf32, #tpu.memory_space<hbm>>
      tpu.wait_dma2 semaphore(%run_scoped3A : memref<!tpu.dma_semaphore, #tpu.memory_space<semaphore_mem>>) src(%dma_wait3A_102 : memref<640x128xf32, #tpu.memory_space<hbm>>) dst(%dma_wait3A_100 : memref<640x128xf32, #tpu.memory_space<vmem_shared>>)
      tpu.yield
    }) : () -> ()
    %barrier3A = arith.constant 0 : index
    tpu.barrier barrier_id(%barrier3A)
    %mul3A_5 = arith.constant 1280 : i32
    %mul3A_6 = arith.muli %arg0, %mul3A_5 : i32
    %mul3A_7 = arith.constant 80 : i32
    %mul3A_8 = arith.muli %arg1, %mul3A_7 : i32
    %add3A_9 = arith.addi %mul3A_6, %mul3A_8 : i32
    %add3A_10 = arith.constant 0 : i32
    %add3A_11 = arith.addi %add3A_9, %add3A_10 : i32
    "tpu.region"() ({
      %run_scoped3A = tpu.sem_alloc : memref<!tpu.dma_semaphore, #tpu.memory_space<semaphore_mem>>
      %dma_start3A_95 = arith.constant 0 : i32
      %dma_start3A_96 = tpu.memref_slice %arg3[%add3A_11, %dma_start3A_95] : memref<2560x128xi32, #tpu.memory_space<hbm>> -> memref<40x128xi32, #tpu.memory_space<hbm>>
      %dma_start3A_97 = arith.constant 0 : i32
      %dma_start3A_98 = tpu.memref_slice %arg3[%add3A_11, %dma_start3A_97] : memref<2560x128xi32, #tpu.memory_space<hbm>> -> memref<40x128xi32, #tpu.memory_space<hbm>>
      tpu.enqueue_dma source(%dma_start3A_98 : memref<40x128xi32, #tpu.memory_space<hbm>>) target(%arg6 : memref<40x128xi32, #tpu.memory_space<vmem>>) target_semaphore(%run_scoped3A : memref<!tpu.dma_semaphore, #tpu.memory_space<semaphore_mem>>)
      %dma_wait3A_99 = arith.constant 0 : i32
      %dma_wait3A_100 = tpu.memref_slice %arg3[%add3A_11, %dma_wait3A_99] : memref<2560x128xi32, #tpu.memory_space<hbm>> -> memref<40x128xi32, #tpu.memory_space<hbm>>
      %dma_wait3A_101 = arith.constant 0 : i32
      %dma_wait3A_102 = tpu.memref_slice %arg3[%add3A_11, %dma_wait3A_101] : memref<2560x128xi32, #tpu.memory_space<hbm>> -> memref<40x128xi32, #tpu.memory_space<hbm>>
      tpu.wait_dma2 semaphore(%run_scoped3A : memref<!tpu.dma_semaphore, #tpu.memory_space<semaphore_mem>>) src(%dma_wait3A_102 : memref<40x128xi32, #tpu.memory_space<hbm>>) dst(%arg6 : memref<40x128xi32, #tpu.memory_space<vmem>>)
      tpu.yield
    }) : () -> ()
    %mul3A_12 = arith.constant 160 : i32
    %mul3A_13 = arith.muli %arg1, %mul3A_12 : i32
    %add3A_14 = arith.constant 0 : i32
    %add3A_15 = arith.addi %mul3A_13, %add3A_14 : i32
    "tpu.region"() ({
      %run_scoped3A = tpu.sem_alloc : memref<!tpu.dma_semaphore, #tpu.memory_space<semaphore_mem>>
      %dma_start3A_95 = arith.constant 0 : i32
      %dma_start3A_96 = tpu.memref_slice %arg4[%add3A_15, %dma_start3A_95] : memref<2560x64xi32, #tpu.memory_space<hbm>> -> memref<80x64xi32, #tpu.memory_space<hbm>>
      %dma_start3A_97 = arith.constant 0 : i32
      %dma_start3A_98 = tpu.memref_slice %arg4[%add3A_15, %dma_start3A_97] : memref<2560x64xi32, #tpu.memory_space<hbm>> -> memref<80x64xi32, #tpu.memory_space<hbm>>
      tpu.enqueue_dma source(%dma_start3A_98 : memref<80x64xi32, #tpu.memory_space<hbm>>) target(%arg7 : memref<80x64xi32, #tpu.memory_space<vmem>>) target_semaphore(%run_scoped3A : memref<!tpu.dma_semaphore, #tpu.memory_space<semaphore_mem>>)
      %dma_wait3A_99 = arith.constant 0 : i32
      %dma_wait3A_100 = tpu.memref_slice %arg4[%add3A_15, %dma_wait3A_99] : memref<2560x64xi32, #tpu.memory_space<hbm>> -> memref<80x64xi32, #tpu.memory_space<hbm>>
      %dma_wait3A_101 = arith.constant 0 : i32
      %dma_wait3A_102 = tpu.memref_slice %arg4[%add3A_15, %dma_wait3A_101] : memref<2560x64xi32, #tpu.memory_space<hbm>> -> memref<80x64xi32, #tpu.memory_space<hbm>>
      tpu.wait_dma2 semaphore(%run_scoped3A : memref<!tpu.dma_semaphore, #tpu.memory_space<semaphore_mem>>) src(%dma_wait3A_102 : memref<80x64xi32, #tpu.memory_space<hbm>>) dst(%arg7 : memref<80x64xi32, #tpu.memory_space<vmem>>)
      tpu.yield
    }) : () -> ()
    %dma_start3A = arith.constant 0 : i32
    %dma_start3A_16 = arith.constant 0 : i32
    %dma_start3A_17 = tpu.memref_slice %arg6[%dma_start3A, %dma_start3A_16] : memref<40x128xi32, #tpu.memory_space<vmem>> -> memref<1x64xi32, #tpu.memory_space<vmem>>
    %dma_start3A_18 = tpu.memref_squeeze %dma_start3A_17 : memref<1x64xi32, #tpu.memory_space<vmem>> -> memref<64xi32, #tpu.memory_space<vmem>>
    %dma_start3A_19 = arith.constant 0 : i32
    %dma_start3A_20 = arith.constant 0 : i32
    %dma_start3A_21 = tpu.memref_slice %arg2[%dma_start3A_19, %dma_start3A_20] : memref<20480x128xf32, #tpu.memory_space<hbm>> -> memref<20480x128xf32, #tpu.memory_space<hbm>>
    tpu.enqueue_indirect_dma source(%dma_start3A_21 : memref<20480x128xf32, #tpu.memory_space<hbm>>) target(%arg8 : memref<64x128xf32, #tpu.memory_space<vmem>>) offsets(%dma_start3A_18 : memref<64xi32, #tpu.memory_space<vmem>>) semaphore(%arg13 : memref<!tpu.dma_semaphore, #tpu.memory_space<semaphore_mem>>)
    %dma_start3A_22 = arith.constant 0 : i32
    %dma_start3A_23 = arith.constant 64 : i32
    %dma_start3A_24 = tpu.memref_slice %arg6[%dma_start3A_22, %dma_start3A_23] : memref<40x128xi32, #tpu.memory_space<vmem>> -> memref<1x64xi32, #tpu.memory_space<vmem>>
    %dma_start3A_25 = tpu.memref_squeeze %dma_start3A_24 : memref<1x64xi32, #tpu.memory_space<vmem>> -> memref<64xi32, #tpu.memory_space<vmem>>
    %dma_start3A_26 = arith.constant 0 : i32
    %dma_start3A_27 = arith.constant 0 : i32
    %dma_start3A_28 = tpu.memref_slice %arg2[%dma_start3A_26, %dma_start3A_27] : memref<20480x128xf32, #tpu.memory_space<hbm>> -> memref<20480x128xf32, #tpu.memory_space<hbm>>
    tpu.enqueue_indirect_dma source(%dma_start3A_28 : memref<20480x128xf32, #tpu.memory_space<hbm>>) target(%arg9 : memref<64x128xf32, #tpu.memory_space<vmem>>) offsets(%dma_start3A_25 : memref<64xi32, #tpu.memory_space<vmem>>) semaphore(%arg14 : memref<!tpu.dma_semaphore, #tpu.memory_space<semaphore_mem>>)
    %scan3A = arith.constant 0 : i32
    %scan3A_29 = arith.constant 0 : i32
    %scan3A_30 = arith.constant 20 : i32
    %scan3A_31 = arith.addi %scan3A_29, %scan3A_30 : i32
    %scan3A_32 = arith.constant 1 : i32
    scf.for %scan3A_95 = %scan3A_29 to %scan3A_31 step %scan3A_32  : i32 {
      %mul3A_96 = arith.constant 4 : i32
      %mul3A_97 = arith.muli %mul3A_96, %scan3A_95 : i32
      %add3A_98 = arith.constant 0 : i32
      %add3A_99 = arith.addi %mul3A_97, %add3A_98 : i32
      %mul3A_100 = arith.constant 2 : i32
      %mul3A_101 = arith.muli %mul3A_100, %scan3A_95 : i32
      %add3A_102 = arith.constant 0 : i32
      %add3A_103 = arith.addi %mul3A_101, %add3A_102 : i32
      %dma_wait3A_104 = arith.constant 0 : i32
      %dma_wait3A_105 = tpu.memref_slice %arg6[%add3A_103, %dma_wait3A_104] : memref<40x128xi32, #tpu.memory_space<vmem>> -> memref<1x64xi32, #tpu.memory_space<vmem>>
      %dma_wait3A_106 = tpu.memref_squeeze %dma_wait3A_105 : memref<1x64xi32, #tpu.memory_space<vmem>> -> memref<64xi32, #tpu.memory_space<vmem>>
      %dma_wait3A_107 = arith.constant 0 : i32
      %dma_wait3A_108 = arith.constant 0 : i32
      %dma_wait3A_109 = tpu.memref_slice %arg2[%dma_wait3A_107, %dma_wait3A_108] : memref<20480x128xf32, #tpu.memory_space<hbm>> -> memref<20480x128xf32, #tpu.memory_space<hbm>>
      tpu.wait_indirect_dma semaphore(%arg13 : memref<!tpu.dma_semaphore, #tpu.memory_space<semaphore_mem>>) src(%dma_wait3A_109 : memref<20480x128xf32, #tpu.memory_space<hbm>>) dst(%arg8 : memref<64x128xf32, #tpu.memory_space<vmem>>)
      %dma_start3A_110 = arith.constant 0 : i32
      %dma_start3A_111 = tpu.memref_slice %arg7[%add3A_99, %dma_start3A_110] : memref<80x64xi32, #tpu.memory_space<vmem>> -> memref<1x64xi32, #tpu.memory_space<vmem>>
      %dma_start3A_112 = tpu.memref_squeeze %dma_start3A_111 : memref<1x64xi32, #tpu.memory_space<vmem>> -> memref<64xi32, #tpu.memory_space<vmem>>
      %dma_start3A_113 = arith.constant 0 : i32
      %dma_start3A_114 = arith.constant 0 : i32
      %dma_start3A_115 = tpu.memref_slice %arg12[%dma_start3A_113, %dma_start3A_114] : memref<10240x128xf32, #tpu.memory_space<vmem_shared>> -> memref<10240x128xf32, #tpu.memory_space<vmem_shared>>
      tpu.enqueue_indirect_dma source(%arg8 : memref<64x128xf32, #tpu.memory_space<vmem>>) target(%dma_start3A_115 : memref<10240x128xf32, #tpu.memory_space<vmem_shared>>) offsets(%dma_start3A_112 : memref<64xi32, #tpu.memory_space<vmem>>) semaphore(%arg17 : memref<!tpu.dma_semaphore, #tpu.memory_space<semaphore_mem>>) {add = true}
      %ge3A = arith.constant 1 : i32
      %ge3A_116 = arith.cmpi sge, %scan3A_95, %ge3A : i32
      %convert_element_type3A = arith.extui %ge3A_116 : i1 to i32
      %cond3A = arith.constant 0 : i32
      %cond3A_117 = arith.cmpi ne, %convert_element_type3A, %cond3A : i32
      scf.if %cond3A_117 {
        %sub3A_227 = arith.constant 2 : i32
        %sub3A_228 = arith.subi %add3A_99, %sub3A_227 : i32
        %dma_wait3A_229 = arith.constant 0 : i32
        %dma_wait3A_230 = tpu.memref_slice %arg7[%sub3A_228, %dma_wait3A_229] : memref<80x64xi32, #tpu.memory_space<vmem>> -> memref<1x64xi32, #tpu.memory_space<vmem>>
        %dma_wait3A_231 = tpu.memref_squeeze %dma_wait3A_230 : memref<1x64xi32, #tpu.memory_space<vmem>> -> memref<64xi32, #tpu.memory_space<vmem>>
        %dma_wait3A_232 = arith.constant 0 : i32
        %dma_wait3A_233 = arith.constant 0 : i32
        %dma_wait3A_234 = tpu.memref_slice %arg12[%dma_wait3A_232, %dma_wait3A_233] : memref<10240x128xf32, #tpu.memory_space<vmem_shared>> -> memref<10240x128xf32, #tpu.memory_space<vmem_shared>>
        tpu.wait_indirect_dma semaphore(%arg19 : memref<!tpu.dma_semaphore, #tpu.memory_space<semaphore_mem>>) src(%arg10 : memref<64x128xf32, #tpu.memory_space<vmem>>) dst(%dma_wait3A_234 : memref<10240x128xf32, #tpu.memory_space<vmem_shared>>)
      } else {
      }
      %mul3A_118 = arith.constant 2 : i32
      %mul3A_119 = arith.muli %mul3A_118, %scan3A_95 : i32
      %add3A_120 = arith.constant 1 : i32
      %add3A_121 = arith.addi %mul3A_119, %add3A_120 : i32
      %dma_start3A_122 = arith.constant 0 : i32
      %dma_start3A_123 = tpu.memref_slice %arg6[%add3A_121, %dma_start3A_122] : memref<40x128xi32, #tpu.memory_space<vmem>> -> memref<1x64xi32, #tpu.memory_space<vmem>>
      %dma_start3A_124 = tpu.memref_squeeze %dma_start3A_123 : memref<1x64xi32, #tpu.memory_space<vmem>> -> memref<64xi32, #tpu.memory_space<vmem>>
      %dma_start3A_125 = arith.constant 0 : i32
      %dma_start3A_126 = arith.constant 0 : i32
      %dma_start3A_127 = tpu.memref_slice %arg2[%dma_start3A_125, %dma_start3A_126] : memref<20480x128xf32, #tpu.memory_space<hbm>> -> memref<20480x128xf32, #tpu.memory_space<hbm>>
      tpu.enqueue_indirect_dma source(%dma_start3A_127 : memref<20480x128xf32, #tpu.memory_space<hbm>>) target(%arg10 : memref<64x128xf32, #tpu.memory_space<vmem>>) offsets(%dma_start3A_124 : memref<64xi32, #tpu.memory_space<vmem>>) semaphore(%arg15 : memref<!tpu.dma_semaphore, #tpu.memory_space<semaphore_mem>>)
      %mul3A_128 = arith.constant 4 : i32
      %mul3A_129 = arith.muli %mul3A_128, %scan3A_95 : i32
      %add3A_130 = arith.constant 1 : i32
      %add3A_131 = arith.addi %mul3A_129, %add3A_130 : i32
      %mul3A_132 = arith.constant 2 : i32
      %mul3A_133 = arith.muli %mul3A_132, %scan3A_95 : i32
      %add3A_134 = arith.constant 0 : i32
      %add3A_135 = arith.addi %mul3A_133, %add3A_134 : i32
      %dma_wait3A_136 = arith.constant 64 : i32
      %dma_wait3A_137 = tpu.memref_slice %arg6[%add3A_135, %dma_wait3A_136] : memref<40x128xi32, #tpu.memory_space<vmem>> -> memref<1x64xi32, #tpu.memory_space<vmem>>
      %dma_wait3A_138 = tpu.memref_squeeze %dma_wait3A_137 : memref<1x64xi32, #tpu.memory_space<vmem>> -> memref<64xi32, #tpu.memory_space<vmem>>
      %dma_wait3A_139 = arith.constant 0 : i32
      %dma_wait3A_140 = arith.constant 0 : i32
      %dma_wait3A_141 = tpu.memref_slice %arg2[%dma_wait3A_139, %dma_wait3A_140] : memref<20480x128xf32, #tpu.memory_space<hbm>> -> memref<20480x128xf32, #tpu.memory_space<hbm>>
      tpu.wait_indirect_dma semaphore(%arg14 : memref<!tpu.dma_semaphore, #tpu.memory_space<semaphore_mem>>) src(%dma_wait3A_141 : memref<20480x128xf32, #tpu.memory_space<hbm>>) dst(%arg9 : memref<64x128xf32, #tpu.memory_space<vmem>>)
      %dma_start3A_142 = arith.constant 0 : i32
      %dma_start3A_143 = tpu.memref_slice %arg7[%add3A_131, %dma_start3A_142] : memref<80x64xi32, #tpu.memory_space<vmem>> -> memref<1x64xi32, #tpu.memory_space<vmem>>
      %dma_start3A_144 = tpu.memref_squeeze %dma_start3A_143 : memref<1x64xi32, #tpu.memory_space<vmem>> -> memref<64xi32, #tpu.memory_space<vmem>>
      %dma_start3A_145 = arith.constant 0 : i32
      %dma_start3A_146 = arith.constant 0 : i32
      %dma_start3A_147 = tpu.memref_slice %arg12[%dma_start3A_145, %dma_start3A_146] : memref<10240x128xf32, #tpu.memory_space<vmem_shared>> -> memref<10240x128xf32, #tpu.memory_space<vmem_shared>>
      tpu.enqueue_indirect_dma source(%arg9 : memref<64x128xf32, #tpu.memory_space<vmem>>) target(%dma_start3A_147 : memref<10240x128xf32, #tpu.memory_space<vmem_shared>>) offsets(%dma_start3A_144 : memref<64xi32, #tpu.memory_space<vmem>>) semaphore(%arg18 : memref<!tpu.dma_semaphore, #tpu.memory_space<semaphore_mem>>) {add = true}
      %ge3A_148 = arith.constant 1 : i32
      %ge3A_149 = arith.cmpi sge, %scan3A_95, %ge3A_148 : i32
      %convert_element_type3A_150 = arith.extui %ge3A_149 : i1 to i32
      %cond3A_151 = arith.constant 0 : i32
      %cond3A_152 = arith.cmpi ne, %convert_element_type3A_150, %cond3A_151 : i32
      scf.if %cond3A_152 {
        %sub3A_227 = arith.constant 2 : i32
        %sub3A_228 = arith.subi %add3A_131, %sub3A_227 : i32
        %dma_wait3A_229 = arith.constant 0 : i32
        %dma_wait3A_230 = tpu.memref_slice %arg7[%sub3A_228, %dma_wait3A_229] : memref<80x64xi32, #tpu.memory_space<vmem>> -> memref<1x64xi32, #tpu.memory_space<vmem>>
        %dma_wait3A_231 = tpu.memref_squeeze %dma_wait3A_230 : memref<1x64xi32, #tpu.memory_space<vmem>> -> memref<64xi32, #tpu.memory_space<vmem>>
        %dma_wait3A_232 = arith.constant 0 : i32
        %dma_wait3A_233 = arith.constant 0 : i32
        %dma_wait3A_234 = tpu.memref_slice %arg12[%dma_wait3A_232, %dma_wait3A_233] : memref<10240x128xf32, #tpu.memory_space<vmem_shared>> -> memref<10240x128xf32, #tpu.memory_space<vmem_shared>>
        tpu.wait_indirect_dma semaphore(%arg20 : memref<!tpu.dma_semaphore, #tpu.memory_space<semaphore_mem>>) src(%arg11 : memref<64x128xf32, #tpu.memory_space<vmem>>) dst(%dma_wait3A_234 : memref<10240x128xf32, #tpu.memory_space<vmem_shared>>)
      } else {
      }
      %mul3A_153 = arith.constant 2 : i32
      %mul3A_154 = arith.muli %mul3A_153, %scan3A_95 : i32
      %add3A_155 = arith.constant 1 : i32
      %add3A_156 = arith.addi %mul3A_154, %add3A_155 : i32
      %dma_start3A_157 = arith.constant 64 : i32
      %dma_start3A_158 = tpu.memref_slice %arg6[%add3A_156, %dma_start3A_157] : memref<40x128xi32, #tpu.memory_space<vmem>> -> memref<1x64xi32, #tpu.memory_space<vmem>>
      %dma_start3A_159 = tpu.memref_squeeze %dma_start3A_158 : memref<1x64xi32, #tpu.memory_space<vmem>> -> memref<64xi32, #tpu.memory_space<vmem>>
      %dma_start3A_160 = arith.constant 0 : i32
      %dma_start3A_161 = arith.constant 0 : i32
      %dma_start3A_162 = tpu.memref_slice %arg2[%dma_start3A_160, %dma_start3A_161] : memref<20480x128xf32, #tpu.memory_space<hbm>> -> memref<20480x128xf32, #tpu.memory_space<hbm>>
      tpu.enqueue_indirect_dma source(%dma_start3A_162 : memref<20480x128xf32, #tpu.memory_space<hbm>>) target(%arg11 : memref<64x128xf32, #tpu.memory_space<vmem>>) offsets(%dma_start3A_159 : memref<64xi32, #tpu.memory_space<vmem>>) semaphore(%arg16 : memref<!tpu.dma_semaphore, #tpu.memory_space<semaphore_mem>>)
      %mul3A_163 = arith.constant 4 : i32
      %mul3A_164 = arith.muli %mul3A_163, %scan3A_95 : i32
      %add3A_165 = arith.constant 2 : i32
      %add3A_166 = arith.addi %mul3A_164, %add3A_165 : i32
      %mul3A_167 = arith.constant 2 : i32
      %mul3A_168 = arith.muli %mul3A_167, %scan3A_95 : i32
      %add3A_169 = arith.constant 1 : i32
      %add3A_170 = arith.addi %mul3A_168, %add3A_169 : i32
      %dma_wait3A_171 = arith.constant 0 : i32
      %dma_wait3A_172 = tpu.memref_slice %arg6[%add3A_170, %dma_wait3A_171] : memref<40x128xi32, #tpu.memory_space<vmem>> -> memref<1x64xi32, #tpu.memory_space<vmem>>
      %dma_wait3A_173 = tpu.memref_squeeze %dma_wait3A_172 : memref<1x64xi32, #tpu.memory_space<vmem>> -> memref<64xi32, #tpu.memory_space<vmem>>
      %dma_wait3A_174 = arith.constant 0 : i32
      %dma_wait3A_175 = arith.constant 0 : i32
      %dma_wait3A_176 = tpu.memref_slice %arg2[%dma_wait3A_174, %dma_wait3A_175] : memref<20480x128xf32, #tpu.memory_space<hbm>> -> memref<20480x128xf32, #tpu.memory_space<hbm>>
      tpu.wait_indirect_dma semaphore(%arg15 : memref<!tpu.dma_semaphore, #tpu.memory_space<semaphore_mem>>) src(%dma_wait3A_176 : memref<20480x128xf32, #tpu.memory_space<hbm>>) dst(%arg10 : memref<64x128xf32, #tpu.memory_space<vmem>>)
      %dma_start3A_177 = arith.constant 0 : i32
      %dma_start3A_178 = tpu.memref_slice %arg7[%add3A_166, %dma_start3A_177] : memref<80x64xi32, #tpu.memory_space<vmem>> -> memref<1x64xi32, #tpu.memory_space<vmem>>
      %dma_start3A_179 = tpu.memref_squeeze %dma_start3A_178 : memref<1x64xi32, #tpu.memory_space<vmem>> -> memref<64xi32, #tpu.memory_space<vmem>>
      %dma_start3A_180 = arith.constant 0 : i32
      %dma_start3A_181 = arith.constant 0 : i32
      %dma_start3A_182 = tpu.memref_slice %arg12[%dma_start3A_180, %dma_start3A_181] : memref<10240x128xf32, #tpu.memory_space<vmem_shared>> -> memref<10240x128xf32, #tpu.memory_space<vmem_shared>>
      tpu.enqueue_indirect_dma source(%arg10 : memref<64x128xf32, #tpu.memory_space<vmem>>) target(%dma_start3A_182 : memref<10240x128xf32, #tpu.memory_space<vmem_shared>>) offsets(%dma_start3A_179 : memref<64xi32, #tpu.memory_space<vmem>>) semaphore(%arg19 : memref<!tpu.dma_semaphore, #tpu.memory_space<semaphore_mem>>) {add = true}
      %sub3A = arith.constant 2 : i32
      %sub3A_183 = arith.subi %add3A_166, %sub3A : i32
      %dma_wait3A_184 = arith.constant 0 : i32
      %dma_wait3A_185 = tpu.memref_slice %arg7[%sub3A_183, %dma_wait3A_184] : memref<80x64xi32, #tpu.memory_space<vmem>> -> memref<1x64xi32, #tpu.memory_space<vmem>>
      %dma_wait3A_186 = tpu.memref_squeeze %dma_wait3A_185 : memref<1x64xi32, #tpu.memory_space<vmem>> -> memref<64xi32, #tpu.memory_space<vmem>>
      %dma_wait3A_187 = arith.constant 0 : i32
      %dma_wait3A_188 = arith.constant 0 : i32
      %dma_wait3A_189 = tpu.memref_slice %arg12[%dma_wait3A_187, %dma_wait3A_188] : memref<10240x128xf32, #tpu.memory_space<vmem_shared>> -> memref<10240x128xf32, #tpu.memory_space<vmem_shared>>
      tpu.wait_indirect_dma semaphore(%arg17 : memref<!tpu.dma_semaphore, #tpu.memory_space<semaphore_mem>>) src(%arg8 : memref<64x128xf32, #tpu.memory_space<vmem>>) dst(%dma_wait3A_189 : memref<10240x128xf32, #tpu.memory_space<vmem_shared>>)
      %lt3A = arith.constant 19 : i32
      %lt3A_190 = arith.cmpi slt, %scan3A_95, %lt3A : i32
      %convert_element_type3A_191 = arith.extui %lt3A_190 : i1 to i32
      %cond3A_192 = arith.constant 0 : i32
      %cond3A_193 = arith.cmpi ne, %convert_element_type3A_191, %cond3A_192 : i32
      scf.if %cond3A_193 {
        %mul3A_227 = arith.constant 2 : i32
        %mul3A_228 = arith.muli %mul3A_227, %scan3A_95 : i32
        %add3A_229 = arith.constant 2 : i32
        %add3A_230 = arith.addi %mul3A_228, %add3A_229 : i32
        %dma_start3A_231 = arith.constant 0 : i32
        %dma_start3A_232 = tpu.memref_slice %arg6[%add3A_230, %dma_start3A_231] : memref<40x128xi32, #tpu.memory_space<vmem>> -> memref<1x64xi32, #tpu.memory_space<vmem>>
        %dma_start3A_233 = tpu.memref_squeeze %dma_start3A_232 : memref<1x64xi32, #tpu.memory_space<vmem>> -> memref<64xi32, #tpu.memory_space<vmem>>
        %dma_start3A_234 = arith.constant 0 : i32
        %dma_start3A_235 = arith.constant 0 : i32
        %dma_start3A_236 = tpu.memref_slice %arg2[%dma_start3A_234, %dma_start3A_235] : memref<20480x128xf32, #tpu.memory_space<hbm>> -> memref<20480x128xf32, #tpu.memory_space<hbm>>
        tpu.enqueue_indirect_dma source(%dma_start3A_236 : memref<20480x128xf32, #tpu.memory_space<hbm>>) target(%arg8 : memref<64x128xf32, #tpu.memory_space<vmem>>) offsets(%dma_start3A_233 : memref<64xi32, #tpu.memory_space<vmem>>) semaphore(%arg13 : memref<!tpu.dma_semaphore, #tpu.memory_space<semaphore_mem>>)
      } else {
      }
      %mul3A_194 = arith.constant 4 : i32
      %mul3A_195 = arith.muli %mul3A_194, %scan3A_95 : i32
      %add3A_196 = arith.constant 3 : i32
      %add3A_197 = arith.addi %mul3A_195, %add3A_196 : i32
      %mul3A_198 = arith.constant 2 : i32
      %mul3A_199 = arith.muli %mul3A_198, %scan3A_95 : i32
      %add3A_200 = arith.constant 1 : i32
      %add3A_201 = arith.addi %mul3A_199, %add3A_200 : i32
      %dma_wait3A_202 = arith.constant 64 : i32
      %dma_wait3A_203 = tpu.memref_slice %arg6[%add3A_201, %dma_wait3A_202] : memref<40x128xi32, #tpu.memory_space<vmem>> -> memref<1x64xi32, #tpu.memory_space<vmem>>
      %dma_wait3A_204 = tpu.memref_squeeze %dma_wait3A_203 : memref<1x64xi32, #tpu.memory_space<vmem>> -> memref<64xi32, #tpu.memory_space<vmem>>
      %dma_wait3A_205 = arith.constant 0 : i32
      %dma_wait3A_206 = arith.constant 0 : i32
      %dma_wait3A_207 = tpu.memref_slice %arg2[%dma_wait3A_205, %dma_wait3A_206] : memref<20480x128xf32, #tpu.memory_space<hbm>> -> memref<20480x128xf32, #tpu.memory_space<hbm>>
      tpu.wait_indirect_dma semaphore(%arg16 : memref<!tpu.dma_semaphore, #tpu.memory_space<semaphore_mem>>) src(%dma_wait3A_207 : memref<20480x128xf32, #tpu.memory_space<hbm>>) dst(%arg11 : memref<64x128xf32, #tpu.memory_space<vmem>>)
      %dma_start3A_208 = arith.constant 0 : i32
      %dma_start3A_209 = tpu.memref_slice %arg7[%add3A_197, %dma_start3A_208] : memref<80x64xi32, #tpu.memory_space<vmem>> -> memref<1x64xi32, #tpu.memory_space<vmem>>
      %dma_start3A_210 = tpu.memref_squeeze %dma_start3A_209 : memref<1x64xi32, #tpu.memory_space<vmem>> -> memref<64xi32, #tpu.memory_space<vmem>>
      %dma_start3A_211 = arith.constant 0 : i32
      %dma_start3A_212 = arith.constant 0 : i32
      %dma_start3A_213 = tpu.memref_slice %arg12[%dma_start3A_211, %dma_start3A_212] : memref<10240x128xf32, #tpu.memory_space<vmem_shared>> -> memref<10240x128xf32, #tpu.memory_space<vmem_shared>>
      tpu.enqueue_indirect_dma source(%arg11 : memref<64x128xf32, #tpu.memory_space<vmem>>) target(%dma_start3A_213 : memref<10240x128xf32, #tpu.memory_space<vmem_shared>>) offsets(%dma_start3A_210 : memref<64xi32, #tpu.memory_space<vmem>>) semaphore(%arg20 : memref<!tpu.dma_semaphore, #tpu.memory_space<semaphore_mem>>) {add = true}
      %sub3A_214 = arith.constant 2 : i32
      %sub3A_215 = arith.subi %add3A_197, %sub3A_214 : i32
      %dma_wait3A_216 = arith.constant 0 : i32
      %dma_wait3A_217 = tpu.memref_slice %arg7[%sub3A_215, %dma_wait3A_216] : memref<80x64xi32, #tpu.memory_space<vmem>> -> memref<1x64xi32, #tpu.memory_space<vmem>>
      %dma_wait3A_218 = tpu.memref_squeeze %dma_wait3A_217 : memref<1x64xi32, #tpu.memory_space<vmem>> -> memref<64xi32, #tpu.memory_space<vmem>>
      %dma_wait3A_219 = arith.constant 0 : i32
      %dma_wait3A_220 = arith.constant 0 : i32
      %dma_wait3A_221 = tpu.memref_slice %arg12[%dma_wait3A_219, %dma_wait3A_220] : memref<10240x128xf32, #tpu.memory_space<vmem_shared>> -> memref<10240x128xf32, #tpu.memory_space<vmem_shared>>
      tpu.wait_indirect_dma semaphore(%arg18 : memref<!tpu.dma_semaphore, #tpu.memory_space<semaphore_mem>>) src(%arg9 : memref<64x128xf32, #tpu.memory_space<vmem>>) dst(%dma_wait3A_221 : memref<10240x128xf32, #tpu.memory_space<vmem_shared>>)
      %lt3A_222 = arith.constant 19 : i32
      %lt3A_223 = arith.cmpi slt, %scan3A_95, %lt3A_222 : i32
      %convert_element_type3A_224 = arith.extui %lt3A_223 : i1 to i32
      %cond3A_225 = arith.constant 0 : i32
      %cond3A_226 = arith.cmpi ne, %convert_element_type3A_224, %cond3A_225 : i32
      scf.if %cond3A_226 {
        %mul3A_227 = arith.constant 2 : i32
        %mul3A_228 = arith.muli %mul3A_227, %scan3A_95 : i32
        %add3A_229 = arith.constant 2 : i32
        %add3A_230 = arith.addi %mul3A_228, %add3A_229 : i32
        %dma_start3A_231 = arith.constant 64 : i32
        %dma_start3A_232 = tpu.memref_slice %arg6[%add3A_230, %dma_start3A_231] : memref<40x128xi32, #tpu.memory_space<vmem>> -> memref<1x64xi32, #tpu.memory_space<vmem>>
        %dma_start3A_233 = tpu.memref_squeeze %dma_start3A_232 : memref<1x64xi32, #tpu.memory_space<vmem>> -> memref<64xi32, #tpu.memory_space<vmem>>
        %dma_start3A_234 = arith.constant 0 : i32
        %dma_start3A_235 = arith.constant 0 : i32
        %dma_start3A_236 = tpu.memref_slice %arg2[%dma_start3A_234, %dma_start3A_235] : memref<20480x128xf32, #tpu.memory_space<hbm>> -> memref<20480x128xf32, #tpu.memory_space<hbm>>
        tpu.enqueue_indirect_dma source(%dma_start3A_236 : memref<20480x128xf32, #tpu.memory_space<hbm>>) target(%arg9 : memref<64x128xf32, #tpu.memory_space<vmem>>) offsets(%dma_start3A_233 : memref<64xi32, #tpu.memory_space<vmem>>) semaphore(%arg14 : memref<!tpu.dma_semaphore, #tpu.memory_space<semaphore_mem>>)
      } else {
      }
    }
    %scan3A_33 = arith.constant 20 : i32
    %dma_wait3A = arith.constant 78 : i32
    %dma_wait3A_34 = arith.constant 0 : i32
    %dma_wait3A_35 = tpu.memref_slice %arg7[%dma_wait3A, %dma_wait3A_34] : memref<80x64xi32, #tpu.memory_space<vmem>> -> memref<1x64xi32, #tpu.memory_space<vmem>>
    %dma_wait3A_36 = tpu.memref_squeeze %dma_wait3A_35 : memref<1x64xi32, #tpu.memory_space<vmem>> -> memref<64xi32, #tpu.memory_space<vmem>>
    %dma_wait3A_37 = arith.constant 0 : i32
    %dma_wait3A_38 = arith.constant 0 : i32
    %dma_wait3A_39 = tpu.memref_slice %arg12[%dma_wait3A_37, %dma_wait3A_38] : memref<10240x128xf32, #tpu.memory_space<vmem_shared>> -> memref<10240x128xf32, #tpu.memory_space<vmem_shared>>
    tpu.wait_indirect_dma semaphore(%arg19 : memref<!tpu.dma_semaphore, #tpu.memory_space<semaphore_mem>>) src(%arg10 : memref<64x128xf32, #tpu.memory_space<vmem>>) dst(%dma_wait3A_39 : memref<10240x128xf32, #tpu.memory_space<vmem_shared>>)
    %dma_wait3A_40 = arith.constant 79 : i32
    %dma_wait3A_41 = arith.constant 0 : i32
    %dma_wait3A_42 = tpu.memref_slice %arg7[%dma_wait3A_40, %dma_wait3A_41] : memref<80x64xi32, #tpu.memory_space<vmem>> -> memref<1x64xi32, #tpu.memory_space<vmem>>
    %dma_wait3A_43 = tpu.memref_squeeze %dma_wait3A_42 : memref<1x64xi32, #tpu.memory_space<vmem>> -> memref<64xi32, #tpu.memory_space<vmem>>
    %dma_wait3A_44 = arith.constant 0 : i32
    %dma_wait3A_45 = arith.constant 0 : i32
    %dma_wait3A_46 = tpu.memref_slice %arg12[%dma_wait3A_44, %dma_wait3A_45] : memref<10240x128xf32, #tpu.memory_space<vmem_shared>> -> memref<10240x128xf32, #tpu.memory_space<vmem_shared>>
    tpu.wait_indirect_dma semaphore(%arg20 : memref<!tpu.dma_semaphore, #tpu.memory_space<semaphore_mem>>) src(%arg11 : memref<64x128xf32, #tpu.memory_space<vmem>>) dst(%dma_wait3A_46 : memref<10240x128xf32, #tpu.memory_space<vmem_shared>>)
    %mul3A_47 = arith.constant 1280 : i32
    %mul3A_48 = arith.muli %arg0, %mul3A_47 : i32
    %mul3A_49 = arith.constant 80 : i32
    %mul3A_50 = arith.muli %arg1, %mul3A_49 : i32
    %add3A_51 = arith.addi %mul3A_48, %mul3A_50 : i32
    %add3A_52 = arith.constant 40 : i32
    %add3A_53 = arith.addi %add3A_51, %add3A_52 : i32
    "tpu.region"() ({
      %run_scoped3A = tpu.sem_alloc : memref<!tpu.dma_semaphore, #tpu.memory_space<semaphore_mem>>
      %dma_start3A_95 = arith.constant 0 : i32
      %dma_start3A_96 = tpu.memref_slice %arg3[%add3A_53, %dma_start3A_95] : memref<2560x128xi32, #tpu.memory_space<hbm>> -> memref<40x128xi32, #tpu.memory_space<hbm>>
      %dma_start3A_97 = arith.constant 0 : i32
      %dma_start3A_98 = tpu.memref_slice %arg3[%add3A_53, %dma_start3A_97] : memref<2560x128xi32, #tpu.memory_space<hbm>> -> memref<40x128xi32, #tpu.memory_space<hbm>>
      tpu.enqueue_dma source(%dma_start3A_98 : memref<40x128xi32, #tpu.memory_space<hbm>>) target(%arg6 : memref<40x128xi32, #tpu.memory_space<vmem>>) target_semaphore(%run_scoped3A : memref<!tpu.dma_semaphore, #tpu.memory_space<semaphore_mem>>)
      %dma_wait3A_99 = arith.constant 0 : i32
      %dma_wait3A_100 = tpu.memref_slice %arg3[%add3A_53, %dma_wait3A_99] : memref<2560x128xi32, #tpu.memory_space<hbm>> -> memref<40x128xi32, #tpu.memory_space<hbm>>
      %dma_wait3A_101 = arith.constant 0 : i32
      %dma_wait3A_102 = tpu.memref_slice %arg3[%add3A_53, %dma_wait3A_101] : memref<2560x128xi32, #tpu.memory_space<hbm>> -> memref<40x128xi32, #tpu.memory_space<hbm>>
      tpu.wait_dma2 semaphore(%run_scoped3A : memref<!tpu.dma_semaphore, #tpu.memory_space<semaphore_mem>>) src(%dma_wait3A_102 : memref<40x128xi32, #tpu.memory_space<hbm>>) dst(%arg6 : memref<40x128xi32, #tpu.memory_space<vmem>>)
      tpu.yield
    }) : () -> ()
    %mul3A_54 = arith.constant 160 : i32
    %mul3A_55 = arith.muli %arg1, %mul3A_54 : i32
    %add3A_56 = arith.constant 80 : i32
    %add3A_57 = arith.addi %mul3A_55, %add3A_56 : i32
    "tpu.region"() ({
      %run_scoped3A = tpu.sem_alloc : memref<!tpu.dma_semaphore, #tpu.memory_space<semaphore_mem>>
      %dma_start3A_95 = arith.constant 0 : i32
      %dma_start3A_96 = tpu.memref_slice %arg4[%add3A_57, %dma_start3A_95] : memref<2560x64xi32, #tpu.memory_space<hbm>> -> memref<80x64xi32, #tpu.memory_space<hbm>>
      %dma_start3A_97 = arith.constant 0 : i32
      %dma_start3A_98 = tpu.memref_slice %arg4[%add3A_57, %dma_start3A_97] : memref<2560x64xi32, #tpu.memory_space<hbm>> -> memref<80x64xi32, #tpu.memory_space<hbm>>
      tpu.enqueue_dma source(%dma_start3A_98 : memref<80x64xi32, #tpu.memory_space<hbm>>) target(%arg7 : memref<80x64xi32, #tpu.memory_space<vmem>>) target_semaphore(%run_scoped3A : memref<!tpu.dma_semaphore, #tpu.memory_space<semaphore_mem>>)
      %dma_wait3A_99 = arith.constant 0 : i32
      %dma_wait3A_100 = tpu.memref_slice %arg4[%add3A_57, %dma_wait3A_99] : memref<2560x64xi32, #tpu.memory_space<hbm>> -> memref<80x64xi32, #tpu.memory_space<hbm>>
      %dma_wait3A_101 = arith.constant 0 : i32
      %dma_wait3A_102 = tpu.memref_slice %arg4[%add3A_57, %dma_wait3A_101] : memref<2560x64xi32, #tpu.memory_space<hbm>> -> memref<80x64xi32, #tpu.memory_space<hbm>>
      tpu.wait_dma2 semaphore(%run_scoped3A : memref<!tpu.dma_semaphore, #tpu.memory_space<semaphore_mem>>) src(%dma_wait3A_102 : memref<80x64xi32, #tpu.memory_space<hbm>>) dst(%arg7 : memref<80x64xi32, #tpu.memory_space<vmem>>)
      tpu.yield
    }) : () -> ()
    %dma_start3A_58 = arith.constant 0 : i32
    %dma_start3A_59 = arith.constant 0 : i32
    %dma_start3A_60 = tpu.memref_slice %arg6[%dma_start3A_58, %dma_start3A_59] : memref<40x128xi32, #tpu.memory_space<vmem>> -> memref<1x64xi32, #tpu.memory_space<vmem>>
    %dma_start3A_61 = tpu.memref_squeeze %dma_start3A_60 : memref<1x64xi32, #tpu.memory_space<vmem>> -> memref<64xi32, #tpu.memory_space<vmem>>
    %dma_start3A_62 = arith.constant 0 : i32
    %dma_start3A_63 = arith.constant 0 : i32
    %dma_start3A_64 = tpu.memref_slice %arg2[%dma_start3A_62, %dma_start3A_63] : memref<20480x128xf32, #tpu.memory_space<hbm>> -> memref<20480x128xf32, #tpu.memory_space<hbm>>
    tpu.enqueue_indirect_dma source(%dma_start3A_64 : memref<20480x128xf32, #tpu.memory_space<hbm>>) target(%arg8 : memref<64x128xf32, #tpu.memory_space<vmem>>) offsets(%dma_start3A_61 : memref<64xi32, #tpu.memory_space<vmem>>) semaphore(%arg13 : memref<!tpu.dma_semaphore, #tpu.memory_space<semaphore_mem>>)
    %dma_start3A_65 = arith.constant 0 : i32
    %dma_start3A_66 = arith.constant 64 : i32
    %dma_start3A_67 = tpu.memref_slice %arg6[%dma_start3A_65, %dma_start3A_66] : memref<40x128xi32, #tpu.memory_space<vmem>> -> memref<1x64xi32, #tpu.memory_space<vmem>>
    %dma_start3A_68 = tpu.memref_squeeze %dma_start3A_67 : memref<1x64xi32, #tpu.memory_space<vmem>> -> memref<64xi32, #tpu.memory_space<vmem>>
    %dma_start3A_69 = arith.constant 0 : i32
    %dma_start3A_70 = arith.constant 0 : i32
    %dma_start3A_71 = tpu.memref_slice %arg2[%dma_start3A_69, %dma_start3A_70] : memref<20480x128xf32, #tpu.memory_space<hbm>> -> memref<20480x128xf32, #tpu.memory_space<hbm>>
    tpu.enqueue_indirect_dma source(%dma_start3A_71 : memref<20480x128xf32, #tpu.memory_space<hbm>>) target(%arg9 : memref<64x128xf32, #tpu.memory_space<vmem>>) offsets(%dma_start3A_68 : memref<64xi32, #tpu.memory_space<vmem>>) semaphore(%arg14 : memref<!tpu.dma_semaphore, #tpu.memory_space<semaphore_mem>>)
    %scan3A_72 = arith.constant 0 : i32
    %scan3A_73 = arith.constant 0 : i32
    %scan3A_74 = arith.constant 20 : i32
    %scan3A_75 = arith.addi %scan3A_73, %scan3A_74 : i32
    %scan3A_76 = arith.constant 1 : i32
    scf.for %scan3A_95 = %scan3A_73 to %scan3A_75 step %scan3A_76  : i32 {
      %mul3A_96 = arith.constant 4 : i32
      %mul3A_97 = arith.muli %mul3A_96, %scan3A_95 : i32
      %add3A_98 = arith.constant 0 : i32
      %add3A_99 = arith.addi %mul3A_97, %add3A_98 : i32
      %mul3A_100 = arith.constant 2 : i32
      %mul3A_101 = arith.muli %mul3A_100, %scan3A_95 : i32
      %add3A_102 = arith.constant 0 : i32
      %add3A_103 = arith.addi %mul3A_101, %add3A_102 : i32
      %dma_wait3A_104 = arith.constant 0 : i32
      %dma_wait3A_105 = tpu.memref_slice %arg6[%add3A_103, %dma_wait3A_104] : memref<40x128xi32, #tpu.memory_space<vmem>> -> memref<1x64xi32, #tpu.memory_space<vmem>>
      %dma_wait3A_106 = tpu.memref_squeeze %dma_wait3A_105 : memref<1x64xi32, #tpu.memory_space<vmem>> -> memref<64xi32, #tpu.memory_space<vmem>>
      %dma_wait3A_107 = arith.constant 0 : i32
      %dma_wait3A_108 = arith.constant 0 : i32
      %dma_wait3A_109 = tpu.memref_slice %arg2[%dma_wait3A_107, %dma_wait3A_108] : memref<20480x128xf32, #tpu.memory_space<hbm>> -> memref<20480x128xf32, #tpu.memory_space<hbm>>
      tpu.wait_indirect_dma semaphore(%arg13 : memref<!tpu.dma_semaphore, #tpu.memory_space<semaphore_mem>>) src(%dma_wait3A_109 : memref<20480x128xf32, #tpu.memory_space<hbm>>) dst(%arg8 : memref<64x128xf32, #tpu.memory_space<vmem>>)
      %dma_start3A_110 = arith.constant 0 : i32
      %dma_start3A_111 = tpu.memref_slice %arg7[%add3A_99, %dma_start3A_110] : memref<80x64xi32, #tpu.memory_space<vmem>> -> memref<1x64xi32, #tpu.memory_space<vmem>>
      %dma_start3A_112 = tpu.memref_squeeze %dma_start3A_111 : memref<1x64xi32, #tpu.memory_space<vmem>> -> memref<64xi32, #tpu.memory_space<vmem>>
      %dma_start3A_113 = arith.constant 0 : i32
      %dma_start3A_114 = arith.constant 0 : i32
      %dma_start3A_115 = tpu.memref_slice %arg12[%dma_start3A_113, %dma_start3A_114] : memref<10240x128xf32, #tpu.memory_space<vmem_shared>> -> memref<10240x128xf32, #tpu.memory_space<vmem_shared>>
      tpu.enqueue_indirect_dma source(%arg8 : memref<64x128xf32, #tpu.memory_space<vmem>>) target(%dma_start3A_115 : memref<10240x128xf32, #tpu.memory_space<vmem_shared>>) offsets(%dma_start3A_112 : memref<64xi32, #tpu.memory_space<vmem>>) semaphore(%arg17 : memref<!tpu.dma_semaphore, #tpu.memory_space<semaphore_mem>>) {add = true}
      %ge3A = arith.constant 1 : i32
      %ge3A_116 = arith.cmpi sge, %scan3A_95, %ge3A : i32
      %convert_element_type3A = arith.extui %ge3A_116 : i1 to i32
      %cond3A = arith.constant 0 : i32
      %cond3A_117 = arith.cmpi ne, %convert_element_type3A, %cond3A : i32
      scf.if %cond3A_117 {
        %sub3A_227 = arith.constant 2 : i32
        %sub3A_228 = arith.subi %add3A_99, %sub3A_227 : i32
        %dma_wait3A_229 = arith.constant 0 : i32
        %dma_wait3A_230 = tpu.memref_slice %arg7[%sub3A_228, %dma_wait3A_229] : memref<80x64xi32, #tpu.memory_space<vmem>> -> memref<1x64xi32, #tpu.memory_space<vmem>>
        %dma_wait3A_231 = tpu.memref_squeeze %dma_wait3A_230 : memref<1x64xi32, #tpu.memory_space<vmem>> -> memref<64xi32, #tpu.memory_space<vmem>>
        %dma_wait3A_232 = arith.constant 0 : i32
        %dma_wait3A_233 = arith.constant 0 : i32
        %dma_wait3A_234 = tpu.memref_slice %arg12[%dma_wait3A_232, %dma_wait3A_233] : memref<10240x128xf32, #tpu.memory_space<vmem_shared>> -> memref<10240x128xf32, #tpu.memory_space<vmem_shared>>
        tpu.wait_indirect_dma semaphore(%arg19 : memref<!tpu.dma_semaphore, #tpu.memory_space<semaphore_mem>>) src(%arg10 : memref<64x128xf32, #tpu.memory_space<vmem>>) dst(%dma_wait3A_234 : memref<10240x128xf32, #tpu.memory_space<vmem_shared>>)
      } else {
      }
      %mul3A_118 = arith.constant 2 : i32
      %mul3A_119 = arith.muli %mul3A_118, %scan3A_95 : i32
      %add3A_120 = arith.constant 1 : i32
      %add3A_121 = arith.addi %mul3A_119, %add3A_120 : i32
      %dma_start3A_122 = arith.constant 0 : i32
      %dma_start3A_123 = tpu.memref_slice %arg6[%add3A_121, %dma_start3A_122] : memref<40x128xi32, #tpu.memory_space<vmem>> -> memref<1x64xi32, #tpu.memory_space<vmem>>
      %dma_start3A_124 = tpu.memref_squeeze %dma_start3A_123 : memref<1x64xi32, #tpu.memory_space<vmem>> -> memref<64xi32, #tpu.memory_space<vmem>>
      %dma_start3A_125 = arith.constant 0 : i32
      %dma_start3A_126 = arith.constant 0 : i32
      %dma_start3A_127 = tpu.memref_slice %arg2[%dma_start3A_125, %dma_start3A_126] : memref<20480x128xf32, #tpu.memory_space<hbm>> -> memref<20480x128xf32, #tpu.memory_space<hbm>>
      tpu.enqueue_indirect_dma source(%dma_start3A_127 : memref<20480x128xf32, #tpu.memory_space<hbm>>) target(%arg10 : memref<64x128xf32, #tpu.memory_space<vmem>>) offsets(%dma_start3A_124 : memref<64xi32, #tpu.memory_space<vmem>>) semaphore(%arg15 : memref<!tpu.dma_semaphore, #tpu.memory_space<semaphore_mem>>)
      %mul3A_128 = arith.constant 4 : i32
      %mul3A_129 = arith.muli %mul3A_128, %scan3A_95 : i32
      %add3A_130 = arith.constant 1 : i32
      %add3A_131 = arith.addi %mul3A_129, %add3A_130 : i32
      %mul3A_132 = arith.constant 2 : i32
      %mul3A_133 = arith.muli %mul3A_132, %scan3A_95 : i32
      %add3A_134 = arith.constant 0 : i32
      %add3A_135 = arith.addi %mul3A_133, %add3A_134 : i32
      %dma_wait3A_136 = arith.constant 64 : i32
      %dma_wait3A_137 = tpu.memref_slice %arg6[%add3A_135, %dma_wait3A_136] : memref<40x128xi32, #tpu.memory_space<vmem>> -> memref<1x64xi32, #tpu.memory_space<vmem>>
      %dma_wait3A_138 = tpu.memref_squeeze %dma_wait3A_137 : memref<1x64xi32, #tpu.memory_space<vmem>> -> memref<64xi32, #tpu.memory_space<vmem>>
      %dma_wait3A_139 = arith.constant 0 : i32
      %dma_wait3A_140 = arith.constant 0 : i32
      %dma_wait3A_141 = tpu.memref_slice %arg2[%dma_wait3A_139, %dma_wait3A_140] : memref<20480x128xf32, #tpu.memory_space<hbm>> -> memref<20480x128xf32, #tpu.memory_space<hbm>>
      tpu.wait_indirect_dma semaphore(%arg14 : memref<!tpu.dma_semaphore, #tpu.memory_space<semaphore_mem>>) src(%dma_wait3A_141 : memref<20480x128xf32, #tpu.memory_space<hbm>>) dst(%arg9 : memref<64x128xf32, #tpu.memory_space<vmem>>)
      %dma_start3A_142 = arith.constant 0 : i32
      %dma_start3A_143 = tpu.memref_slice %arg7[%add3A_131, %dma_start3A_142] : memref<80x64xi32, #tpu.memory_space<vmem>> -> memref<1x64xi32, #tpu.memory_space<vmem>>
      %dma_start3A_144 = tpu.memref_squeeze %dma_start3A_143 : memref<1x64xi32, #tpu.memory_space<vmem>> -> memref<64xi32, #tpu.memory_space<vmem>>
      %dma_start3A_145 = arith.constant 0 : i32
      %dma_start3A_146 = arith.constant 0 : i32
      %dma_start3A_147 = tpu.memref_slice %arg12[%dma_start3A_145, %dma_start3A_146] : memref<10240x128xf32, #tpu.memory_space<vmem_shared>> -> memref<10240x128xf32, #tpu.memory_space<vmem_shared>>
      tpu.enqueue_indirect_dma source(%arg9 : memref<64x128xf32, #tpu.memory_space<vmem>>) target(%dma_start3A_147 : memref<10240x128xf32, #tpu.memory_space<vmem_shared>>) offsets(%dma_start3A_144 : memref<64xi32, #tpu.memory_space<vmem>>) semaphore(%arg18 : memref<!tpu.dma_semaphore, #tpu.memory_space<semaphore_mem>>) {add = true}
      %ge3A_148 = arith.constant 1 : i32
      %ge3A_149 = arith.cmpi sge, %scan3A_95, %ge3A_148 : i32
      %convert_element_type3A_150 = arith.extui %ge3A_149 : i1 to i32
      %cond3A_151 = arith.constant 0 : i32
      %cond3A_152 = arith.cmpi ne, %convert_element_type3A_150, %cond3A_151 : i32
      scf.if %cond3A_152 {
        %sub3A_227 = arith.constant 2 : i32
        %sub3A_228 = arith.subi %add3A_131, %sub3A_227 : i32
        %dma_wait3A_229 = arith.constant 0 : i32
        %dma_wait3A_230 = tpu.memref_slice %arg7[%sub3A_228, %dma_wait3A_229] : memref<80x64xi32, #tpu.memory_space<vmem>> -> memref<1x64xi32, #tpu.memory_space<vmem>>
        %dma_wait3A_231 = tpu.memref_squeeze %dma_wait3A_230 : memref<1x64xi32, #tpu.memory_space<vmem>> -> memref<64xi32, #tpu.memory_space<vmem>>
        %dma_wait3A_232 = arith.constant 0 : i32
        %dma_wait3A_233 = arith.constant 0 : i32
        %dma_wait3A_234 = tpu.memref_slice %arg12[%dma_wait3A_232, %dma_wait3A_233] : memref<10240x128xf32, #tpu.memory_space<vmem_shared>> -> memref<10240x128xf32, #tpu.memory_space<vmem_shared>>
        tpu.wait_indirect_dma semaphore(%arg20 : memref<!tpu.dma_semaphore, #tpu.memory_space<semaphore_mem>>) src(%arg11 : memref<64x128xf32, #tpu.memory_space<vmem>>) dst(%dma_wait3A_234 : memref<10240x128xf32, #tpu.memory_space<vmem_shared>>)
      } else {
      }
      %mul3A_153 = arith.constant 2 : i32
      %mul3A_154 = arith.muli %mul3A_153, %scan3A_95 : i32
      %add3A_155 = arith.constant 1 : i32
      %add3A_156 = arith.addi %mul3A_154, %add3A_155 : i32
      %dma_start3A_157 = arith.constant 64 : i32
      %dma_start3A_158 = tpu.memref_slice %arg6[%add3A_156, %dma_start3A_157] : memref<40x128xi32, #tpu.memory_space<vmem>> -> memref<1x64xi32, #tpu.memory_space<vmem>>
      %dma_start3A_159 = tpu.memref_squeeze %dma_start3A_158 : memref<1x64xi32, #tpu.memory_space<vmem>> -> memref<64xi32, #tpu.memory_space<vmem>>
      %dma_start3A_160 = arith.constant 0 : i32
      %dma_start3A_161 = arith.constant 0 : i32
      %dma_start3A_162 = tpu.memref_slice %arg2[%dma_start3A_160, %dma_start3A_161] : memref<20480x128xf32, #tpu.memory_space<hbm>> -> memref<20480x128xf32, #tpu.memory_space<hbm>>
      tpu.enqueue_indirect_dma source(%dma_start3A_162 : memref<20480x128xf32, #tpu.memory_space<hbm>>) target(%arg11 : memref<64x128xf32, #tpu.memory_space<vmem>>) offsets(%dma_start3A_159 : memref<64xi32, #tpu.memory_space<vmem>>) semaphore(%arg16 : memref<!tpu.dma_semaphore, #tpu.memory_space<semaphore_mem>>)
      %mul3A_163 = arith.constant 4 : i32
      %mul3A_164 = arith.muli %mul3A_163, %scan3A_95 : i32
      %add3A_165 = arith.constant 2 : i32
      %add3A_166 = arith.addi %mul3A_164, %add3A_165 : i32
      %mul3A_167 = arith.constant 2 : i32
      %mul3A_168 = arith.muli %mul3A_167, %scan3A_95 : i32
      %add3A_169 = arith.constant 1 : i32
      %add3A_170 = arith.addi %mul3A_168, %add3A_169 : i32
      %dma_wait3A_171 = arith.constant 0 : i32
      %dma_wait3A_172 = tpu.memref_slice %arg6[%add3A_170, %dma_wait3A_171] : memref<40x128xi32, #tpu.memory_space<vmem>> -> memref<1x64xi32, #tpu.memory_space<vmem>>
      %dma_wait3A_173 = tpu.memref_squeeze %dma_wait3A_172 : memref<1x64xi32, #tpu.memory_space<vmem>> -> memref<64xi32, #tpu.memory_space<vmem>>
      %dma_wait3A_174 = arith.constant 0 : i32
      %dma_wait3A_175 = arith.constant 0 : i32
      %dma_wait3A_176 = tpu.memref_slice %arg2[%dma_wait3A_174, %dma_wait3A_175] : memref<20480x128xf32, #tpu.memory_space<hbm>> -> memref<20480x128xf32, #tpu.memory_space<hbm>>
      tpu.wait_indirect_dma semaphore(%arg15 : memref<!tpu.dma_semaphore, #tpu.memory_space<semaphore_mem>>) src(%dma_wait3A_176 : memref<20480x128xf32, #tpu.memory_space<hbm>>) dst(%arg10 : memref<64x128xf32, #tpu.memory_space<vmem>>)
      %dma_start3A_177 = arith.constant 0 : i32
      %dma_start3A_178 = tpu.memref_slice %arg7[%add3A_166, %dma_start3A_177] : memref<80x64xi32, #tpu.memory_space<vmem>> -> memref<1x64xi32, #tpu.memory_space<vmem>>
      %dma_start3A_179 = tpu.memref_squeeze %dma_start3A_178 : memref<1x64xi32, #tpu.memory_space<vmem>> -> memref<64xi32, #tpu.memory_space<vmem>>
      %dma_start3A_180 = arith.constant 0 : i32
      %dma_start3A_181 = arith.constant 0 : i32
      %dma_start3A_182 = tpu.memref_slice %arg12[%dma_start3A_180, %dma_start3A_181] : memref<10240x128xf32, #tpu.memory_space<vmem_shared>> -> memref<10240x128xf32, #tpu.memory_space<vmem_shared>>
      tpu.enqueue_indirect_dma source(%arg10 : memref<64x128xf32, #tpu.memory_space<vmem>>) target(%dma_start3A_182 : memref<10240x128xf32, #tpu.memory_space<vmem_shared>>) offsets(%dma_start3A_179 : memref<64xi32, #tpu.memory_space<vmem>>) semaphore(%arg19 : memref<!tpu.dma_semaphore, #tpu.memory_space<semaphore_mem>>) {add = true}
      %sub3A = arith.constant 2 : i32
      %sub3A_183 = arith.subi %add3A_166, %sub3A : i32
      %dma_wait3A_184 = arith.constant 0 : i32
      %dma_wait3A_185 = tpu.memref_slice %arg7[%sub3A_183, %dma_wait3A_184] : memref<80x64xi32, #tpu.memory_space<vmem>> -> memref<1x64xi32, #tpu.memory_space<vmem>>
      %dma_wait3A_186 = tpu.memref_squeeze %dma_wait3A_185 : memref<1x64xi32, #tpu.memory_space<vmem>> -> memref<64xi32, #tpu.memory_space<vmem>>
      %dma_wait3A_187 = arith.constant 0 : i32
      %dma_wait3A_188 = arith.constant 0 : i32
      %dma_wait3A_189 = tpu.memref_slice %arg12[%dma_wait3A_187, %dma_wait3A_188] : memref<10240x128xf32, #tpu.memory_space<vmem_shared>> -> memref<10240x128xf32, #tpu.memory_space<vmem_shared>>
      tpu.wait_indirect_dma semaphore(%arg17 : memref<!tpu.dma_semaphore, #tpu.memory_space<semaphore_mem>>) src(%arg8 : memref<64x128xf32, #tpu.memory_space<vmem>>) dst(%dma_wait3A_189 : memref<10240x128xf32, #tpu.memory_space<vmem_shared>>)
      %lt3A = arith.constant 19 : i32
      %lt3A_190 = arith.cmpi slt, %scan3A_95, %lt3A : i32
      %convert_element_type3A_191 = arith.extui %lt3A_190 : i1 to i32
      %cond3A_192 = arith.constant 0 : i32
      %cond3A_193 = arith.cmpi ne, %convert_element_type3A_191, %cond3A_192 : i32
      scf.if %cond3A_193 {
        %mul3A_227 = arith.constant 2 : i32
        %mul3A_228 = arith.muli %mul3A_227, %scan3A_95 : i32
        %add3A_229 = arith.constant 2 : i32
        %add3A_230 = arith.addi %mul3A_228, %add3A_229 : i32
        %dma_start3A_231 = arith.constant 0 : i32
        %dma_start3A_232 = tpu.memref_slice %arg6[%add3A_230, %dma_start3A_231] : memref<40x128xi32, #tpu.memory_space<vmem>> -> memref<1x64xi32, #tpu.memory_space<vmem>>
        %dma_start3A_233 = tpu.memref_squeeze %dma_start3A_232 : memref<1x64xi32, #tpu.memory_space<vmem>> -> memref<64xi32, #tpu.memory_space<vmem>>
        %dma_start3A_234 = arith.constant 0 : i32
        %dma_start3A_235 = arith.constant 0 : i32
        %dma_start3A_236 = tpu.memref_slice %arg2[%dma_start3A_234, %dma_start3A_235] : memref<20480x128xf32, #tpu.memory_space<hbm>> -> memref<20480x128xf32, #tpu.memory_space<hbm>>
        tpu.enqueue_indirect_dma source(%dma_start3A_236 : memref<20480x128xf32, #tpu.memory_space<hbm>>) target(%arg8 : memref<64x128xf32, #tpu.memory_space<vmem>>) offsets(%dma_start3A_233 : memref<64xi32, #tpu.memory_space<vmem>>) semaphore(%arg13 : memref<!tpu.dma_semaphore, #tpu.memory_space<semaphore_mem>>)
      } else {
      }
      %mul3A_194 = arith.constant 4 : i32
      %mul3A_195 = arith.muli %mul3A_194, %scan3A_95 : i32
      %add3A_196 = arith.constant 3 : i32
      %add3A_197 = arith.addi %mul3A_195, %add3A_196 : i32
      %mul3A_198 = arith.constant 2 : i32
      %mul3A_199 = arith.muli %mul3A_198, %scan3A_95 : i32
      %add3A_200 = arith.constant 1 : i32
      %add3A_201 = arith.addi %mul3A_199, %add3A_200 : i32
      %dma_wait3A_202 = arith.constant 64 : i32
      %dma_wait3A_203 = tpu.memref_slice %arg6[%add3A_201, %dma_wait3A_202] : memref<40x128xi32, #tpu.memory_space<vmem>> -> memref<1x64xi32, #tpu.memory_space<vmem>>
      %dma_wait3A_204 = tpu.memref_squeeze %dma_wait3A_203 : memref<1x64xi32, #tpu.memory_space<vmem>> -> memref<64xi32, #tpu.memory_space<vmem>>
      %dma_wait3A_205 = arith.constant 0 : i32
      %dma_wait3A_206 = arith.constant 0 : i32
      %dma_wait3A_207 = tpu.memref_slice %arg2[%dma_wait3A_205, %dma_wait3A_206] : memref<20480x128xf32, #tpu.memory_space<hbm>> -> memref<20480x128xf32, #tpu.memory_space<hbm>>
      tpu.wait_indirect_dma semaphore(%arg16 : memref<!tpu.dma_semaphore, #tpu.memory_space<semaphore_mem>>) src(%dma_wait3A_207 : memref<20480x128xf32, #tpu.memory_space<hbm>>) dst(%arg11 : memref<64x128xf32, #tpu.memory_space<vmem>>)
      %dma_start3A_208 = arith.constant 0 : i32
      %dma_start3A_209 = tpu.memref_slice %arg7[%add3A_197, %dma_start3A_208] : memref<80x64xi32, #tpu.memory_space<vmem>> -> memref<1x64xi32, #tpu.memory_space<vmem>>
      %dma_start3A_210 = tpu.memref_squeeze %dma_start3A_209 : memref<1x64xi32, #tpu.memory_space<vmem>> -> memref<64xi32, #tpu.memory_space<vmem>>
      %dma_start3A_211 = arith.constant 0 : i32
      %dma_start3A_212 = arith.constant 0 : i32
      %dma_start3A_213 = tpu.memref_slice %arg12[%dma_start3A_211, %dma_start3A_212] : memref<10240x128xf32, #tpu.memory_space<vmem_shared>> -> memref<10240x128xf32, #tpu.memory_space<vmem_shared>>
      tpu.enqueue_indirect_dma source(%arg11 : memref<64x128xf32, #tpu.memory_space<vmem>>) target(%dma_start3A_213 : memref<10240x128xf32, #tpu.memory_space<vmem_shared>>) offsets(%dma_start3A_210 : memref<64xi32, #tpu.memory_space<vmem>>) semaphore(%arg20 : memref<!tpu.dma_semaphore, #tpu.memory_space<semaphore_mem>>) {add = true}
      %sub3A_214 = arith.constant 2 : i32
      %sub3A_215 = arith.subi %add3A_197, %sub3A_214 : i32
      %dma_wait3A_216 = arith.constant 0 : i32
      %dma_wait3A_217 = tpu.memref_slice %arg7[%sub3A_215, %dma_wait3A_216] : memref<80x64xi32, #tpu.memory_space<vmem>> -> memref<1x64xi32, #tpu.memory_space<vmem>>
      %dma_wait3A_218 = tpu.memref_squeeze %dma_wait3A_217 : memref<1x64xi32, #tpu.memory_space<vmem>> -> memref<64xi32, #tpu.memory_space<vmem>>
      %dma_wait3A_219 = arith.constant 0 : i32
      %dma_wait3A_220 = arith.constant 0 : i32
      %dma_wait3A_221 = tpu.memref_slice %arg12[%dma_wait3A_219, %dma_wait3A_220] : memref<10240x128xf32, #tpu.memory_space<vmem_shared>> -> memref<10240x128xf32, #tpu.memory_space<vmem_shared>>
      tpu.wait_indirect_dma semaphore(%arg18 : memref<!tpu.dma_semaphore, #tpu.memory_space<semaphore_mem>>) src(%arg9 : memref<64x128xf32, #tpu.memory_space<vmem>>) dst(%dma_wait3A_221 : memref<10240x128xf32, #tpu.memory_space<vmem_shared>>)
      %lt3A_222 = arith.constant 19 : i32
      %lt3A_223 = arith.cmpi slt, %scan3A_95, %lt3A_222 : i32
      %convert_element_type3A_224 = arith.extui %lt3A_223 : i1 to i32
      %cond3A_225 = arith.constant 0 : i32
      %cond3A_226 = arith.cmpi ne, %convert_element_type3A_224, %cond3A_225 : i32
      scf.if %cond3A_226 {
        %mul3A_227 = arith.constant 2 : i32
        %mul3A_228 = arith.muli %mul3A_227, %scan3A_95 : i32
        %add3A_229 = arith.constant 2 : i32
        %add3A_230 = arith.addi %mul3A_228, %add3A_229 : i32
        %dma_start3A_231 = arith.constant 64 : i32
        %dma_start3A_232 = tpu.memref_slice %arg6[%add3A_230, %dma_start3A_231] : memref<40x128xi32, #tpu.memory_space<vmem>> -> memref<1x64xi32, #tpu.memory_space<vmem>>
        %dma_start3A_233 = tpu.memref_squeeze %dma_start3A_232 : memref<1x64xi32, #tpu.memory_space<vmem>> -> memref<64xi32, #tpu.memory_space<vmem>>
        %dma_start3A_234 = arith.constant 0 : i32
        %dma_start3A_235 = arith.constant 0 : i32
        %dma_start3A_236 = tpu.memref_slice %arg2[%dma_start3A_234, %dma_start3A_235] : memref<20480x128xf32, #tpu.memory_space<hbm>> -> memref<20480x128xf32, #tpu.memory_space<hbm>>
        tpu.enqueue_indirect_dma source(%dma_start3A_236 : memref<20480x128xf32, #tpu.memory_space<hbm>>) target(%arg9 : memref<64x128xf32, #tpu.memory_space<vmem>>) offsets(%dma_start3A_233 : memref<64xi32, #tpu.memory_space<vmem>>) semaphore(%arg14 : memref<!tpu.dma_semaphore, #tpu.memory_space<semaphore_mem>>)
      } else {
      }
    }
    %scan3A_77 = arith.constant 20 : i32
    %dma_wait3A_78 = arith.constant 78 : i32
    %dma_wait3A_79 = arith.constant 0 : i32
    %dma_wait3A_80 = tpu.memref_slice %arg7[%dma_wait3A_78, %dma_wait3A_79] : memref<80x64xi32, #tpu.memory_space<vmem>> -> memref<1x64xi32, #tpu.memory_space<vmem>>
    %dma_wait3A_81 = tpu.memref_squeeze %dma_wait3A_80 : memref<1x64xi32, #tpu.memory_space<vmem>> -> memref<64xi32, #tpu.memory_space<vmem>>
    %dma_wait3A_82 = arith.constant 0 : i32
    %dma_wait3A_83 = arith.constant 0 : i32
    %dma_wait3A_84 = tpu.memref_slice %arg12[%dma_wait3A_82, %dma_wait3A_83] : memref<10240x128xf32, #tpu.memory_space<vmem_shared>> -> memref<10240x128xf32, #tpu.memory_space<vmem_shared>>
    tpu.wait_indirect_dma semaphore(%arg19 : memref<!tpu.dma_semaphore, #tpu.memory_space<semaphore_mem>>) src(%arg10 : memref<64x128xf32, #tpu.memory_space<vmem>>) dst(%dma_wait3A_84 : memref<10240x128xf32, #tpu.memory_space<vmem_shared>>)
    %dma_wait3A_85 = arith.constant 79 : i32
    %dma_wait3A_86 = arith.constant 0 : i32
    %dma_wait3A_87 = tpu.memref_slice %arg7[%dma_wait3A_85, %dma_wait3A_86] : memref<80x64xi32, #tpu.memory_space<vmem>> -> memref<1x64xi32, #tpu.memory_space<vmem>>
    %dma_wait3A_88 = tpu.memref_squeeze %dma_wait3A_87 : memref<1x64xi32, #tpu.memory_space<vmem>> -> memref<64xi32, #tpu.memory_space<vmem>>
    %dma_wait3A_89 = arith.constant 0 : i32
    %dma_wait3A_90 = arith.constant 0 : i32
    %dma_wait3A_91 = tpu.memref_slice %arg12[%dma_wait3A_89, %dma_wait3A_90] : memref<10240x128xf32, #tpu.memory_space<vmem_shared>> -> memref<10240x128xf32, #tpu.memory_space<vmem_shared>>
    tpu.wait_indirect_dma semaphore(%arg20 : memref<!tpu.dma_semaphore, #tpu.memory_space<semaphore_mem>>) src(%arg11 : memref<64x128xf32, #tpu.memory_space<vmem>>) dst(%dma_wait3A_91 : memref<10240x128xf32, #tpu.memory_space<vmem_shared>>)
    %barrier3A_92 = arith.constant 0 : index
    tpu.barrier barrier_id(%barrier3A_92)
    %mul3A_93 = arith.constant 640 : i32
    %mul3A_94 = arith.muli %arg1, %mul3A_93 : i32
    "tpu.region"() ({
      %run_scoped3A = tpu.sem_alloc : memref<!tpu.dma_semaphore, #tpu.memory_space<semaphore_mem>>
      %dma_start3A_95 = arith.constant 0 : i32
      %dma_start3A_96 = tpu.memref_slice %arg5[%add3A, %dma_start3A_95] : memref<20480x128xf32, #tpu.memory_space<hbm>> -> memref<640x128xf32, #tpu.memory_space<hbm>>
      %dma_start3A_97 = arith.constant 0 : i32
      %dma_start3A_98 = tpu.memref_slice %arg12[%mul3A_94, %dma_start3A_97] : memref<10240x128xf32, #tpu.memory_space<vmem_shared>> -> memref<640x128xf32, #tpu.memory_space<vmem_shared>>
      tpu.enqueue_dma source(%dma_start3A_98 : memref<640x128xf32, #tpu.memory_space<vmem_shared>>) target(%dma_start3A_96 : memref<640x128xf32, #tpu.memory_space<hbm>>) target_semaphore(%run_scoped3A : memref<!tpu.dma_semaphore, #tpu.memory_space<semaphore_mem>>)
      %dma_wait3A_99 = arith.constant 0 : i32
      %dma_wait3A_100 = tpu.memref_slice %arg5[%add3A, %dma_wait3A_99] : memref<20480x128xf32, #tpu.memory_space<hbm>> -> memref<640x128xf32, #tpu.memory_space<hbm>>
      %dma_wait3A_101 = arith.constant 0 : i32
      %dma_wait3A_102 = tpu.memref_slice %arg12[%mul3A_94, %dma_wait3A_101] : memref<10240x128xf32, #tpu.memory_space<vmem_shared>> -> memref<640x128xf32, #tpu.memory_space<vmem_shared>>
      tpu.wait_dma2 semaphore(%run_scoped3A : memref<!tpu.dma_semaphore, #tpu.memory_space<semaphore_mem>>) src(%dma_wait3A_102 : memref<640x128xf32, #tpu.memory_space<vmem_shared>>) dst(%dma_wait3A_100 : memref<640x128xf32, #tpu.memory_space<hbm>>)
      tpu.yield
    }) : () -> ()
    return
  }
}

module attributes {stable_mosaic.version = 14 : i64} {
  func.func @_scale_split_body(%arg0: i32, %arg1: i32, %arg2: memref<5120x128xf32, #tpu.memory_space<vmem>>, %arg3: memref<5120x8xf32, #tpu.memory_space<vmem>>, %arg4: memref<1x5120x128xf32, #tpu.memory_space<vmem>>) attributes {dimension_semantics = [#tpu.dimension_semantics<arbitrary>, #tpu.dimension_semantics<arbitrary>], iteration_bounds = array<i64: 2, 2>, scalar_prefetch = 0 : i64, scratch_operands = 0 : i64, tpu.core_type = #tpu.core_type<tc>, window_params = [{transform_indices = @transform_0, window_bounds = array<i64: 5120, 128>}, {transform_indices = @transform_1, window_bounds = array<i64: 5120, 8>}, {transform_indices = @transform_2, window_bounds = array<i64: 1, 5120, 128>}]} {
    %get3A = arith.constant 0 : index
    %get3A_0 = arith.constant 0 : index
    %get3A_1 = vector.load %arg2[%get3A, %get3A_0] : memref<5120x128xf32, #tpu.memory_space<vmem>>, vector<5120x128xf32>
    %get3A_2 = arith.constant 0 : index
    %get3A_3 = arith.constant 0 : index
    %get3A_4 = vector.load %arg3[%get3A_2, %get3A_3] : memref<5120x8xf32, #tpu.memory_space<vmem>>, vector<5120x1xf32>
    %mul3A = vector.broadcast %get3A_4 : vector<5120x1xf32> to vector<5120x128xf32>
    %mul3A_5 = arith.mulf %get3A_1, %mul3A : vector<5120x128xf32>
    %swap3A = arith.constant 0 : index
    %swap3A_6 = arith.constant 0 : index
    %swap3A_7 = arith.constant 0 : index
    %swap3A_8 = vector.load %arg4[%swap3A, %swap3A_6, %swap3A_7] : memref<1x5120x128xf32, #tpu.memory_space<vmem>>, vector<1x5120x128xf32>
    %swap3A_9 = vector.shape_cast %swap3A_8 : vector<1x5120x128xf32> to vector<5120x128xf32>
    %swap3A_10 = vector.shape_cast %mul3A_5 : vector<5120x128xf32> to vector<1x5120x128xf32>
    tpu.vector_store %arg4[%swap3A, %swap3A_6, %swap3A_7], %swap3A_10 {strides = array<i32>} : memref<1x5120x128xf32, #tpu.memory_space<vmem>>, vector<1x5120x128xf32>,
    return
  }
  func.func @transform_0(%arg0: i32, %arg1: i32) -> (i32, i32) {
    %c0_i32 = arith.constant 0 : i32
    return %arg1, %arg0 : i32, i32
  }
  func.func @transform_1(%arg0: i32, %arg1: i32) -> (i32, i32) {
    %c0_i32 = arith.constant 0 : i32
    %c0_i32_0 = arith.constant 0 : i32
    return %arg1, %c0_i32 : i32, i32
  }
  func.func @transform_2(%arg0: i32, %arg1: i32) -> (i32, i32, i32) {
    %c0_i32 = arith.constant 0 : i32
    %c0_i32_0 = arith.constant 0 : i32
    return %arg0, %arg1, %c0_i32 : i32, i32, i32
  }
}

module attributes {stable_mosaic.version = 14 : i64} {
  func.func @_mlp_body(%arg0: i32, %arg1: memref<1x5120x128xf32, #tpu.memory_space<vmem>>, %arg2: memref<1x5120x128xf32, #tpu.memory_space<vmem>>, %arg3: memref<5120x8xf32, #tpu.memory_space<vmem>>, %arg4: memref<256x512xf32, #tpu.memory_space<vmem>>, %arg5: memref<1x512xf32, #tpu.memory_space<vmem>>, %arg6: memref<512x256xf32, #tpu.memory_space<vmem>>, %arg7: memref<2x5120x128xf32, #tpu.memory_space<vmem>>) attributes {dimension_semantics = [#tpu.dimension_semantics<arbitrary>], iteration_bounds = array<i64: 2>, scalar_prefetch = 0 : i64, scratch_operands = 0 : i64, tpu.core_type = #tpu.core_type<tc>, window_params = [{transform_indices = @transform_0, window_bounds = array<i64: 1, 5120, 128>}, {transform_indices = @transform_1, window_bounds = array<i64: 1, 5120, 128>}, {transform_indices = @transform_2, window_bounds = array<i64: 5120, 8>}, {pipeline_mode = #tpu.pipeline_mode<synchronous>, transform_indices = @transform_3, window_bounds = array<i64: 256, 512>}, {pipeline_mode = #tpu.pipeline_mode<synchronous>, transform_indices = @transform_4, window_bounds = array<i64: 1, 512>}, {pipeline_mode = #tpu.pipeline_mode<synchronous>, transform_indices = @transform_5, window_bounds = array<i64: 512, 256>}, {transform_indices = @transform_6, window_bounds = array<i64: 2, 5120, 128>}]} {
    %get3A = arith.constant 0 : index
    %get3A_0 = arith.constant 0 : index
    %get3A_1 = vector.load %arg3[%get3A, %get3A_0] : memref<5120x8xf32, #tpu.memory_space<vmem>>, vector<5120x1xf32>
    %get3A_2 = arith.constant 0 : index
    %get3A_3 = arith.constant 0 : index
    %get3A_4 = arith.constant 0 : index
    %get3A_5 = vector.load %arg1[%get3A_2, %get3A_3, %get3A_4] : memref<1x5120x128xf32, #tpu.memory_space<vmem>>, vector<1x5120x128xf32>
    %get3A_6 = vector.shape_cast %get3A_5 : vector<1x5120x128xf32> to vector<5120x128xf32>
    %get3A_7 = arith.constant 0 : index
    %get3A_8 = arith.constant 0 : index
    %get3A_9 = arith.constant 0 : index
    %get3A_10 = vector.load %arg2[%get3A_7, %get3A_8, %get3A_9] : memref<1x5120x128xf32, #tpu.memory_space<vmem>>, vector<1x5120x128xf32>
    %get3A_11 = vector.shape_cast %get3A_10 : vector<1x5120x128xf32> to vector<5120x128xf32>
    %concatenate3A = tpu.concatenate %get3A_6, %get3A_11 in 1 : vector<5120x128xf32>, vector<5120x128xf32> -> vector<5120x256xf32>
    %mul3A = vector.broadcast %get3A_1 : vector<5120x1xf32> to vector<5120x256xf32>
    %mul3A_12 = arith.mulf %concatenate3A, %mul3A : vector<5120x256xf32>
    %convert_element_type3A = arith.truncf %mul3A_12 : vector<5120x256xf32> to vector<5120x256xbf16>
    %get3A_13 = arith.constant 0 : index
    %get3A_14 = arith.constant 0 : index
    %get3A_15 = vector.load %arg4[%get3A_13, %get3A_14] : memref<256x512xf32, #tpu.memory_space<vmem>>, vector<256x512xf32>
    %convert_element_type3A_16 = arith.truncf %get3A_15 : vector<256x512xf32> to vector<256x512xbf16>
    %dot_general3A = arith.constant dense<0.000000e+00> : vector<5120x512xf32>
    %dot_general3A_17 = tpu.matmul %convert_element_type3A, %convert_element_type3A_16, %dot_general3A {dimension_numbers = #tpu.dot_dimension_numbers<[1], [0], [0], [1], [0, 0, 1, 1], [], []>, transpose_lhs_hint = false} : vector<5120x256xbf16>, vector<256x512xbf16>, vector<5120x512xf32> -> vector<5120x512xf32>
    %get3A_18 = arith.constant 0 : index
    %get3A_19 = arith.constant 0 : index
    %get3A_20 = vector.load %arg5[%get3A_18, %get3A_19] : memref<1x512xf32, #tpu.memory_space<vmem>>, vector<1x512xf32>
    %add3A = vector.broadcast %get3A_20 : vector<1x512xf32> to vector<5120x512xf32>
    %add3A_21 = arith.addf %dot_general3A_17, %add3A : vector<5120x512xf32>
    %max3A = arith.constant 0.000000e+00 : f32
    %max3A_22 = vector.broadcast %max3A : f32 to vector<5120x512xf32>
    %max3A_23 = arith.maximumf %add3A_21, %max3A_22 : vector<5120x512xf32>
    %convert_element_type3A_24 = arith.truncf %max3A_23 : vector<5120x512xf32> to vector<5120x512xbf16>
    %get3A_25 = arith.constant 0 : index
    %get3A_26 = arith.constant 0 : index
    %get3A_27 = vector.load %arg6[%get3A_25, %get3A_26] : memref<512x256xf32, #tpu.memory_space<vmem>>, vector<512x256xf32>
    %convert_element_type3A_28 = arith.truncf %get3A_27 : vector<512x256xf32> to vector<512x256xbf16>
    %dot_general3A_29 = arith.constant dense<0.000000e+00> : vector<5120x256xf32>
    %dot_general3A_30 = tpu.matmul %convert_element_type3A_24, %convert_element_type3A_28, %dot_general3A_29 {dimension_numbers = #tpu.dot_dimension_numbers<[1], [0], [0], [1], [0, 0, 1, 1], [], []>, transpose_lhs_hint = false} : vector<5120x512xbf16>, vector<512x256xbf16>, vector<5120x256xf32> -> vector<5120x256xf32>
    %mul3A_31 = vector.broadcast %get3A_1 : vector<5120x1xf32> to vector<5120x256xf32>
    %mul3A_32 = arith.mulf %dot_general3A_30, %mul3A_31 : vector<5120x256xf32>
    %slice3A = vector.extract_strided_slice %mul3A_32 {offsets = [0, 0], sizes = [5120, 128], strides = [1, 1]} : vector<5120x256xf32> to vector<5120x128xf32>
    %swap3A = arith.constant 0 : index
    %swap3A_33 = arith.constant 0 : index
    %swap3A_34 = arith.constant 0 : index
    %swap3A_35 = vector.load %arg7[%swap3A, %swap3A_33, %swap3A_34] : memref<2x5120x128xf32, #tpu.memory_space<vmem>>, vector<1x5120x128xf32>
    %swap3A_36 = vector.shape_cast %swap3A_35 : vector<1x5120x128xf32> to vector<5120x128xf32>
    %swap3A_37 = vector.shape_cast %slice3A : vector<5120x128xf32> to vector<1x5120x128xf32>
    tpu.vector_store %arg7[%swap3A, %swap3A_33, %swap3A_34], %swap3A_37 {strides = array<i32>} : memref<2x5120x128xf32, #tpu.memory_space<vmem>>, vector<1x5120x128xf32>,
    %slice3A_38 = vector.extract_strided_slice %mul3A_32 {offsets = [0, 128], sizes = [5120, 128], strides = [1, 1]} : vector<5120x256xf32> to vector<5120x128xf32>
    %swap3A_39 = arith.constant 1 : index
    %swap3A_40 = arith.constant 0 : index
    %swap3A_41 = arith.constant 0 : index
    %swap3A_42 = vector.load %arg7[%swap3A_39, %swap3A_40, %swap3A_41] : memref<2x5120x128xf32, #tpu.memory_space<vmem>>, vector<1x5120x128xf32>
    %swap3A_43 = vector.shape_cast %swap3A_42 : vector<1x5120x128xf32> to vector<5120x128xf32>
    %swap3A_44 = vector.shape_cast %slice3A_38 : vector<5120x128xf32> to vector<1x5120x128xf32>
    tpu.vector_store %arg7[%swap3A_39, %swap3A_40, %swap3A_41], %swap3A_44 {strides = array<i32>} : memref<2x5120x128xf32, #tpu.memory_space<vmem>>, vector<1x5120x128xf32>,
    return
  }
  func.func @transform_0(%arg0: i32) -> (i32, i32, i32) {
    %c0_i32 = arith.constant 0 : i32
    %c0_i32_0 = arith.constant 0 : i32
    %c0_i32_1 = arith.constant 0 : i32
    return %c0_i32, %arg0, %c0_i32_0 : i32, i32, i32
  }
  func.func @transform_1(%arg0: i32) -> (i32, i32, i32) {
    %c1_i32 = arith.constant 1 : i32
    %c0_i32 = arith.constant 0 : i32
    %c0_i32_0 = arith.constant 0 : i32
    return %c1_i32, %arg0, %c0_i32 : i32, i32, i32
  }
  func.func @transform_2(%arg0: i32) -> (i32, i32) {
    %c0_i32 = arith.constant 0 : i32
    %c0_i32_0 = arith.constant 0 : i32
    return %arg0, %c0_i32 : i32, i32
  }
  func.func @transform_3(%arg0: i32) -> (i32, i32) {
    %c0_i32 = arith.constant 0 : i32
    %c0_i32_0 = arith.constant 0 : i32
    %c0_i32_1 = arith.constant 0 : i32
    return %c0_i32, %c0_i32_0 : i32, i32
  }
  func.func @transform_4(%arg0: i32) -> (i32, i32) {
    %c0_i32 = arith.constant 0 : i32
    %c0_i32_0 = arith.constant 0 : i32
    %c0_i32_1 = arith.constant 0 : i32
    return %c0_i32, %c0_i32_0 : i32, i32
  }
  func.func @transform_5(%arg0: i32) -> (i32, i32) {
    %c0_i32 = arith.constant 0 : i32
    %c0_i32_0 = arith.constant 0 : i32
    %c0_i32_1 = arith.constant 0 : i32
    return %c0_i32, %c0_i32_0 : i32, i32
  }
  func.func @transform_6(%arg0: i32) -> (i32, i32, i32) {
    %c0_i32 = arith.constant 0 : i32
    %c0_i32_0 = arith.constant 0 : i32
    %c0_i32_1 = arith.constant 0 : i32
    return %c0_i32, %arg0, %c0_i32_0 : i32, i32, i32
  }
}

module attributes {stable_mosaic.version = 14 : i64} {
  func.func @_finish_body(%arg0: i32, %arg1: memref<1x5120x128xf32, #tpu.memory_space<vmem>>, %arg2: memref<1x5120x128xf32, #tpu.memory_space<vmem>>, %arg3: memref<5120x8xf32, #tpu.memory_space<vmem>>, %arg4: memref<1x256xf32, #tpu.memory_space<vmem>>, %arg5: memref<5120x256xf32, #tpu.memory_space<vmem>>) attributes {dimension_semantics = [#tpu.dimension_semantics<arbitrary>], iteration_bounds = array<i64: 2>, scalar_prefetch = 0 : i64, scratch_operands = 0 : i64, tpu.core_type = #tpu.core_type<tc>, window_params = [{transform_indices = @transform_0, window_bounds = array<i64: 1, 5120, 128>}, {transform_indices = @transform_1, window_bounds = array<i64: 1, 5120, 128>}, {transform_indices = @transform_2, window_bounds = array<i64: 5120, 8>}, {pipeline_mode = #tpu.pipeline_mode<synchronous>, transform_indices = @transform_3, window_bounds = array<i64: 1, 256>}, {transform_indices = @transform_4, window_bounds = array<i64: 5120, 256>}]} {
    %get3A = arith.constant 0 : index
    %get3A_0 = arith.constant 0 : index
    %get3A_1 = vector.load %arg3[%get3A, %get3A_0] : memref<5120x8xf32, #tpu.memory_space<vmem>>, vector<5120x1xf32>
    %get3A_2 = arith.constant 0 : index
    %get3A_3 = arith.constant 0 : index
    %get3A_4 = arith.constant 0 : index
    %get3A_5 = vector.load %arg1[%get3A_2, %get3A_3, %get3A_4] : memref<1x5120x128xf32, #tpu.memory_space<vmem>>, vector<1x5120x128xf32>
    %get3A_6 = vector.shape_cast %get3A_5 : vector<1x5120x128xf32> to vector<5120x128xf32>
    %get3A_7 = arith.constant 0 : index
    %get3A_8 = arith.constant 0 : index
    %get3A_9 = arith.constant 0 : index
    %get3A_10 = vector.load %arg2[%get3A_7, %get3A_8, %get3A_9] : memref<1x5120x128xf32, #tpu.memory_space<vmem>>, vector<1x5120x128xf32>
    %get3A_11 = vector.shape_cast %get3A_10 : vector<1x5120x128xf32> to vector<5120x128xf32>
    %concatenate3A = tpu.concatenate %get3A_6, %get3A_11 in 1 : vector<5120x128xf32>, vector<5120x128xf32> -> vector<5120x256xf32>
    %mul3A = vector.broadcast %get3A_1 : vector<5120x1xf32> to vector<5120x256xf32>
    %mul3A_12 = arith.mulf %concatenate3A, %mul3A : vector<5120x256xf32>
    %get3A_13 = arith.constant 0 : index
    %get3A_14 = arith.constant 0 : index
    %get3A_15 = vector.load %arg4[%get3A_13, %get3A_14] : memref<1x256xf32, #tpu.memory_space<vmem>>, vector<1x256xf32>
    %add3A = vector.broadcast %get3A_15 : vector<1x256xf32> to vector<5120x256xf32>
    %add3A_16 = arith.addf %mul3A_12, %add3A : vector<5120x256xf32>
    %swap3A = arith.constant 0 : index
    %swap3A_17 = arith.constant 0 : index
    %swap3A_18 = vector.load %arg5[%swap3A, %swap3A_17] : memref<5120x256xf32, #tpu.memory_space<vmem>>, vector<5120x256xf32>
    tpu.vector_store %arg5[%swap3A, %swap3A_17], %add3A_16 {strides = array<i32>} : memref<5120x256xf32, #tpu.memory_space<vmem>>, vector<5120x256xf32>,
    return
  }
  func.func @transform_0(%arg0: i32) -> (i32, i32, i32) {
    %c0_i32 = arith.constant 0 : i32
    %c0_i32_0 = arith.constant 0 : i32
    %c0_i32_1 = arith.constant 0 : i32
    return %c0_i32, %arg0, %c0_i32_0 : i32, i32, i32
  }
  func.func @transform_1(%arg0: i32) -> (i32, i32, i32) {
    %c1_i32 = arith.constant 1 : i32
    %c0_i32 = arith.constant 0 : i32
    %c0_i32_0 = arith.constant 0 : i32
    return %c1_i32, %arg0, %c0_i32 : i32, i32, i32
  }
  func.func @transform_2(%arg0: i32) -> (i32, i32) {
    %c0_i32 = arith.constant 0 : i32
    %c0_i32_0 = arith.constant 0 : i32
    return %arg0, %c0_i32 : i32, i32
  }
  func.func @transform_3(%arg0: i32) -> (i32, i32) {
    %c0_i32 = arith.constant 0 : i32
    %c0_i32_0 = arith.constant 0 : i32
    %c0_i32_1 = arith.constant 0 : i32
    return %c0_i32, %c0_i32_0 : i32, i32
  }
  func.func @transform_4(%arg0: i32) -> (i32, i32) {
    %c0_i32 = arith.constant 0 : i32
    %c0_i32_0 = arith.constant 0 : i32
    return %arg0, %c0_i32 : i32, i32
  }
}

</mosaic_0001>

<sc_bundles>
// kernel: kernel.11.cloned.1.call-start
scs
__scs_entry_jumppad:
0x0: {  	(pc) =	sbr.rel $0x88, $3  }
0x1: {  	(tag) =	ssettag $0x0;
	lr =	simm.s32 $0x1  }
0x2: {  	[smem:$0x3F9B] =	sst lr;
	_ =	strace $0xD0000000  }
0x3: {  	_ = 	snop  }
0x4: {  	_ = 	snop  }
0x5: {  	_ = 	snop  }
0x6: {  	_ = 	snop  }
0x7: {  	_ = 	snop  }
__scs_overlays_trampoline_lowered:
0x8: {  	[smem:$0x3FAA] =	sst s0  }
0x9: {  	[smem:$0x3FAB] =	sst s1  }
0xa: {  	[smem:$0x3FAC] =	sst s2  }
0xb: {  	[smem:$0x3FAD] =	sst s3  }
0xc: {  	[smem:$0x3FAE] =	sst s4  }
0xd: {  	[smem:$0x3FAF] =	sst s5  }
0xe: {  	[smem:$0x3FB0] =	sst s6  }
0xf: {  	[smem:$0x3FB1] =	sst s7  }
0x10: {  	[smem:$0x3FB2] =	sst s8  }
0x11: {  	[smem:$0x3FB3] =	sst s9;
	s0 =	simm.s32 @!p0 $0x0  }
0x12: {  	s1 =	sld [smem:$0x3F99];
	s0 =	simm.s32 @p0 $0x1  }
0x13: {  	[smem:$0x3FB4] =	sst s0;
	s0 =	simm.s32 @!p1 $0x0  }
0x14: {  	s2 =	sld [smem:$0x3F98];
	s0 =	simm.s32 @p1 $0x1  }
0x15: {  	[smem:$0x3FB5] =	sst s0;
	s0 =	simm.s32 @!p2 $0x0  }
0x16: {  	s3 =	sld [smem:$0x3FDB];
	s0 =	simm.s32 @p2 $0x1  }
0x17: {  	s4 =	simm.s32 $0x1BF5;
	[smem:$0x3FB7] =	sst s0  }
0x18: {  	s0 =	sld [smem:$0x3F9A];
	_ =	swait.ge [sflag:s4], $0x0  }
0x19: {  	s7 =	sld [smem:$0x3F9B]  }
0x1a: {  	s8 =	sadd.s32 $0xFFFFE003, lr  }
0x1b: {  	s9 =	sadd.s32 $0xFFFFFEF7, lr;
	s5 =	simm.s32 $0xFFFFFFFF;
	p2 =	slt.u32 s8, $0xFFFFF086  }
0x1c: {  	p1 =	slt.u32 s9, $0xF7A;
	s5 =	simm.s32 @!p2 $0x0  }
0x1d: {  	s5 =	simm.s32 @p1 $0x1;
	p0 =	seq.s32 s7, s2  }
0x1e: {  	s7 =	smul.u32 @!p0 $0xF7A, s2;
	p2 =	seq.s32 @!p0 s5, $0x0  }
0x1f: {  	s9 =	smul.u32 $0xF7A, s1;
	s8 =	simm.s32 @!p0 $0x1BF5;
	p2 =	por !p2, p0  }
0x20: {  	[sflag:s8] =	ssyncset.s32 @!p0 $0xFFFFF086;
	s6 =	sadd.s32 @!p0 s3, s7;
	s7 =	simm.s32 @!p0 $0x108  }
0x21: {  	s3 =	sadd.s32 s3, s9;
	s6 =	sadd.s32 @!p0 $0x88, s6;
	s7 =	simm.s32 @p2 $0x1082  }
0x22: {  	[simem:s7], [sflag:s8] =	dma.local @!p0 [hbm:s6], $0xF7A  }
0x23: {  	s9 =	sor.u32 $0xD0000000, s2;
	s6 =	simm.s32 $0x108;
	_ =	swait.ge @!p0 [sflag:s8], $0x0  }
0x24: {  	s3 =	sadd.s32 $0x88, s3;
	s6 =	simm.s32 @!p1 $0x1082;
	[sflag:s4] =	ssyncset.s32 $0xFFFFF086  }
0x25: {  	[simem:s6], [sflag:s4] =	dma.local [hbm:s3], $0xF7A  }
0x26: {  	[smem:$0x3F9B] =	sst s1;
	(tag) =	ssettag s2;
	_ =	strace s9  }
0x27: {  	s1 =	sld [smem:$0x3FAB]  }
0x28: {  	s2 =	sld [smem:$0x3FAC]  }
0x29: {  	s4 =	sld [smem:$0x3FAE]  }
0x2a: {  	p0 =	seq.s32 s5, $0x0;
	s5 =	sld [smem:$0x3FAF]  }
0x2b: {  	s6 =	sld [smem:$0x3FB0]  }
0x2c: {  	s7 =	sld [smem:$0x3FB1]  }
0x2d: {  	s3 =	simm.s32 $0x108;
	s8 =	sld [smem:$0x3FB2]  }
0x2e: {  	s3 =	simm.s32 @!p0 $0x1082;
	s9 =	sld [smem:$0x3FB3]  }
0x2f: {  	lr =	sadd.s32 s0, s3;
	s0 =	sld [smem:$0x3FAA]  }
0x30: {  	s3 =	sld [smem:$0x3FAD]  }
0x31: {  	[smem:$0x3FB6] =	sst s10  }
0x32: {  	s10 =	sld [smem:$0x3FB4];
	_ =	sdelay $0x3  }
0x33: {  	p0 =	seq.s32 s10, $0x1;
	s10 =	sld [smem:$0x3FB6];
	_ =	sdelay $0x3  }
0x34: {  	[smem:$0x3FB6] =	sst s10  }
0x35: {  	s10 =	sld [smem:$0x3FB5];
	_ =	sdelay $0x3  }
0x36: {  	p1 =	seq.s32 s10, $0x1;
	s10 =	sld [smem:$0x3FB6];
	_ =	sdelay $0x3  }
0x37: {  	[smem:$0x3FB6] =	sst s10  }
0x38: {  	s10 =	sld [smem:$0x3FB7]  }
0x39: {  	_ = 	snop;
	(pc) =	sbr.ind lr, $3  }
0x3a: {  	_ = 	snop  }
0x3b: {  	_ = 	snop  }
0x3c: {  	p2 =	seq.s32 s10, $0x1;
	s10 =	sld [smem:$0x3FB6]  }
0x3d: {  	_ =	shalt  }
0x3e: {  	_ =	shalt  }
0x3f: {  	_ =	shalt  }
0x40: {  	_ =	shalt  }
0x41: {  	_ =	shalt  }
0x42: {  	_ =	shalt  }
0x43: {  	_ =	shalt  }
0x44: {  	_ =	shalt  }
0x45: {  	_ =	shalt  }
0x46: {  	_ =	shalt  }
0x47: {  	_ =	shalt  }
0x48: {  	_ =	shalt  }
0x49: {  	_ =	shalt  }
0x4a: {  	_ =	shalt  }
0x4b: {  	_ =	shalt  }
0x4c: {  	_ =	shalt  }
0x4d: {  	_ =	shalt  }
0x4e: {  	_ =	shalt  }
0x4f: {  	_ =	shalt  }
0x50: {  	_ =	shalt  }
0x51: {  	_ =	shalt  }
0x52: {  	_ =	shalt  }
0x53: {  	_ =	shalt  }
0x54: {  	_ =	shalt  }
0x55: {  	_ =	shalt  }
0x56: {  	_ =	shalt  }
0x57: {  	_ =	shalt  }
0x58: {  	_ =	shalt  }
0x59: {  	_ =	shalt  }
0x5a: {  	_ =	shalt  }
0x5b: {  	_ =	shalt  }
0x5c: {  	_ =	shalt  }
0x5d: {  	_ =	shalt  }
0x5e: {  	_ =	shalt  }
0x5f: {  	_ =	shalt  }
0x60: {  	_ =	shalt  }
0x61: {  	_ =	shalt  }
0x62: {  	_ =	shalt  }
0x63: {  	_ =	shalt  }
0x64: {  	_ =	shalt  }
0x65: {  	_ =	shalt  }
0x66: {  	_ =	shalt  }
0x67: {  	_ =	shalt  }
0x68: {  	_ =	shalt  }
0x69: {  	_ =	shalt  }
0x6a: {  	_ =	shalt  }
0x6b: {  	_ =	shalt  }
0x6c: {  	_ =	shalt  }
0x6d: {  	_ =	shalt  }
0x6e: {  	_ =	shalt  }
0x6f: {  	_ =	shalt  }
0x70: {  	_ =	shalt  }
0x71: {  	_ =	shalt  }
0x72: {  	_ =	shalt  }
0x73: {  	_ =	shalt  }
0x74: {  	_ =	shalt  }
0x75: {  	_ =	shalt  }
0x76: {  	_ =	shalt  }
0x77: {  	_ =	shalt  }
0x78: {  	_ =	shalt  }
0x79: {  	_ =	shalt  }
0x7a: {  	_ =	shalt  }
0x7b: {  	_ =	shalt  }
0x7c: {  	_ =	shalt  }
0x7d: {  	_ =	shalt  }
0x7e: {  	_ =	shalt  }
0x7f: {  	_ =	shalt  }
0x80: {  	_ =	shalt  }
0x81: {  	_ =	shalt  }
0x82: {  	_ =	shalt  }
0x83: {  	_ =	shalt  }
0x84: {  	_ =	shalt  }
0x85: {  	_ =	shalt  }
0x86: {  	_ =	shalt  }
0x87: {  	_ =	shalt  }
.Lfunc_end0:
.L_simem_size_0:
called_computation.1_lowered:
.L_overlay_start_0:
0x88: {  	s2 =	sld [smem:$0x3FD9]  }
0x89: {  	s3 =	sld [smem:$0x3FFE];
	_ =	sdelay $0x1  }
0x8a: {  	s1 =	srdreg.scid  }
0x8b: {  	s0 =	sand.u32 $0x1, s1  }
0x8c: {  	s17 =	sshll.u32 s0, $0xA;
	s2 =	sadd.s32 s3, s2  }
0x8d: {  	s2 =	sadd.s32 s2, s17  }
0x8e: {  	[smem:$0x3FC2] =	sst s2  }
0x8f: {  	_ = 	snop  }
0x90: {  	s2 =	sld [smem:$0x3FD0];
	(tm) =	ssettm $0x1  }
0x91: {  	s18 =	sld [smem:$0x3FFB];
	_ =	sdelay $0x3  }
0x92: {  	_ =	strace s18  }
0x93: {  	s3 =	sld [smem:$0x3FFC];
	_ =	sdelay $0x3  }
0x94: {  	_ =	strace s3  }
0x95: {  	s3 =	sld [smem:$0x3FFD];
	_ =	sdelay $0x3  }
0x96: {  	_ =	strace s3  }
0x97: {  	_ =	strace $0x8FFFFFFF  }
0x98: {  	s19 =	sld [smem:$0x3FDB];
	_ =	sdelay $0x1  }
0x99: {  	s4 =	simm.s32 $_scs_section_size  }
0x9a: {  	s5 =	simm.s32 $_size__tile_overlayer_lowered;
	s6 =	simm.s32 $_tile_overlayer_lowered  }
0x9b: {  	s22 =	simm.s32 $0x1BFF;
	s21 =	sshll.u32 s6, $0x1;
	s3 =	sadd.s32 s4, s19  }
0x9c: {  	s7 =	simm.s32 $0x0;
	s20 =	sshll.u32 s5, $0x1;
	s5 =	sadd.s32 s21, s3  }
0x9d: {  	[timem:s7], [sflag:s22] =	dma.local [hbm:s5], s20  }
0x9e: {  	_ =	swait.ge [sflag:s22], s20  }
0x9f: {  	s4 =	ssub.s32 $0x0, s20;
	[sflag:s22] =	ssyncset.done $0x0  }
0xa0: {  	[sflag:s22] =	ssyncadd.s32 s4;
	_ =	sdelay $0x1  }
0xa1: {  	s23 =	simm.s32 $0x1B8B  }
0xa2: {  	_ =	swait.ge [sflag:s23], $0x1  }
0xa3: {  	[sflag:s23] =	ssyncset.done $0x0  }
0xa4: {  	s25 =	simm.s32 $0x1B8E;
	s24 =	sld [smem:$0x3FFE];
	[sflag:s23] =	ssyncadd.s32 $0xFFFFFFFF  }
0xa5: {  	s26 =	simm.s32 $execute0_lowered;
	[smem:$0x3FD2] =	sst s25  }
0xa6: {  	s5 =	sshll.u32 s26, $0x1;
	_ =	strace $0x80000049;
	[dreg:$0x1] =	wrdreg $0xFFFFFFFF  }
0xa7: {  	s28 =	simm.s32 $_size_execute0_lowered;
	s3 =	sadd.s32 s3, s5;
	[dreg:$0x0] =	wrdreg $0x0  }
0xa8: {  	s5 =	sshll.u32 s28, $0x1;
	[dreg:$0x2] =	wrdreg s3  }
0xa9: {  	[dreg:$0x3] =	wrdreg s5  }
0xaa: {  	[dreg:$0x4] =	wrdreg $0xC0  }
0xab: {  	_ =	task [dreg:s7], $0x5FFFF  }
0xac: {  	[dreg:$0x1] =	wrdreg $0xFFFFFFFF  }
0xad: {  	[dreg:$0x0] =	wrdreg $0x60  }
0xae: {  	[dreg:$0x2] =	wrdreg s24  }
0xaf: {  	[dreg:$0x3] =	wrdreg s2  }
0xb0: {  	[dreg:$0x4] =	wrdreg $0xBC000  }
0xb1: {  	[dreg:$0x5] =	wrdreg $0x9  }
0xb2: {  	_ =	task.clear_ibuf [dreg:s7], $0x6FFFF;
	_ =	strace $0x90000049  }
0xb3: {  	s29 =	simm.s32 $0x9;
	_ =	strace $0x8000004B  }
0xb4: {  	_ =	swait.ge [sflag:s29], $0x1  }
0xb5: {  	[sflag:s29] =	ssyncadd.s32 $0xFFFFFFFF  }
0xb6: {  	_ =	strace $0x9000004B  }
0xb7: {  	_ =	sfence  }
0xb8: {  	s30 =	sld [smem:$0x0];
	_ =	sdelay $0x2  }
0xb9: {  	s31 =	sshll.u32 s1, $0xD;
	s1 =	sshrl.u32 s1, $0x2  }
0xba: {  	s3 =	sand.u32 $0x4000, s31;
	s1 =	sadd.s32 s1, s30  }
0xbb: {  	s0 =	sor.u32 s3, s0;
	s1 =	sshll.u32 s1, $0x11  }
0xbc: {  	s0 =	sor.u32 s1, s0  }
0xbd: {  	s0 =	sadd.s32 $0x8F2B, s0  }
0xbe: {  	[sflag:s0] =	ssyncadd.remote.s32 $0x1  }
0xbf: {  	_ =	sfence.sel $0xFFFF  }
0xc0: {  	[dreg:$0x0] =	wrdreg $0xFFFFFFFF;
	(pc) =	sbr.abs _section_cstart, $3  }
0xc1: {  	[dreg:$0x1] =	wrdreg $0xFFFFFFFF  }
0xc2: {  	_ =	task.clear_ibuf [dreg:s7], $0x2FFFF;
	_ =	strace $0x9FFFFFFF  }
0xc3: {  	(tm) =	ssettm $0x7FFFFFFF  }
tec
execute0_lowered:
.L_overlay_start_1:
0x0: {  	(tag) =	ssettag $0x1  }
0x1: {  	s0 =	rddreg [dreg:$0x0]  }
0x2: {  	s2 =	rddreg [dreg:$0x1]  }
0x3: {  	s1 =	rddreg [dreg:$0x2];
	s3 =	srdreg.scid  }
0x4: {  	s12 =	stileid.u32;
	s14 =	simm.s32 $0x9;
	s15 =	simm.s32 $0x1400  }
0x5: {  	s16 =	simm.s32 $0x40;
	s17 =	simm.s32 $0x3C00;
	s18 =	simm.s32 $0x5C00  }
0x6: {  	s19 =	simm.s32 $0x1;
	s28 =	simm.s32 $0x1500;
	s7 =	smul.u32 $0x280, s12  }
0x7: {  	s29 =	simm.s32 $0x5;
	s30 =	simm.s32 $0x100;
	s20 =	smul.u32 $0x50000, s12  }
0x8: {  	s31 =	simm.s32 $0x4;
	s5 =	sand.u32 $0x1, s3;
	s11 =	smul.u32 $0x50, s12  }
0x9: {  	s3 =	simm.s32 $0x0;
	s4 =	sadd.s32 $0x1A800, s0;
	s21 =	smul.u32 $0x5000, s12  }
0xa: {  	s8 =	sadd.s32 $0x10800, s0;
	s22 =	sshll.u32 s12, $0x6;
	s23 =	smul.u32 $0xA00, s12  }
0xb: {  	s6 =	smul.u32 $0x2800, s5;
	[smem:$0x7FF] =	sst s3;
	s9 =	ssub.s32 $0x2, s5  }
0xc: {  	s5 =	smul.u32 $0x500, s5;
	_ =	strace $0x8000004A;
	s10 =	sshrl.u32 s9, $0x1  }
0xd: {  	s24 =	sshrl.u32 s21, $0x3;
	s25 =	sadd.s32 s8, s23;
	s21 =	simm.s32 $0x7C00  }
0xe: {  	s23 =	simm.s32 $0x1480;
	s6 =	sadd.s32 s7, s6;
	s7 =	sshrl.u32 s20, $0x2  }
0xf: {  	s9 =	ssub.s32 s9, s10;
	s5 =	sadd.s32 s11, s5;
	[dreg:$0x6] =	wrdreg s25  }
0x10: {  	s25 =	simm.s32 $0x9C00;
	s10 =	simm.s32 $0x0;
	s6 =	sshll.u32 s6, $0x4  }
0x11: {  	s7 =	sadd.s32 s7, s1;
	s5 =	sshll.u32 s5, $0x4;
	s26 =	smax.u32 s9, $0x1  }
0x12: {  	s9 =	simm.s32 $0x8;
	s0 =	sadd.s32 s6, s0;
	s6 =	sadd.s32 s4, s6  }
0x13: {  	s5 =	sadd.s32 s2, s5;
	s2 =	sadd.s32 s8, s24;
	[dreg:$0xa] =	wrdreg s26  }
0x14: {  	s13 =	sshrl.u32 s7, $0x3;
	s24 =	simm.s32 $0xC0;
	[dreg:$0x4] =	wrdreg s6  }
.Ltmp0:
0x15: {  	[dreg:$0x5] =	wrdreg s5;
	s5 =	sadd.s32 $0x280, s5;
	(pc) =	sbr.rel .LBB2_1-.Ltmp0, $4  }
0x16: {  	s26 =	simm.s32 $0x3;
	s2 =	sadd.s32 $0x500, s2;
	[dreg:$0x7] =	wrdreg s5  }
0x17: {  	s8 =	simm.s32 $0x7;
	s0 =	sadd.s32 $0x6A800, s0;
	[dreg:$0x8] =	wrdreg s2  }
0x18: {  	s6 =	sor.u32 $0x1C09, s22;
	s22 =	simm.s32 $0x2;
	[dreg:$0x9] =	wrdreg s0  }
0x19: {  	s0 =	simm.s32 $0x1580;
	s2 =	simm.s32 $0x6;
	s5 =	simm.s32 $0x140  }
.LBB2_7:
0x1a: {  	_ =	swait.ge [sflag:s31], $0x2000  }
0x1b: {  	[sflag:s31] =	ssyncset.done $0x0  }
0x1c: {  	[sflag:s31] =	ssyncadd.s32 $0xFFFFE000  }
0x1d: {  	[spmem:s1] =	stream.indirect.scatter.add.f32 [tilespmem:s25], [sflag:$0x8], $0x80, s7, s16, $0xb8;
	[tilespmem:$0x1FC00] =	vst v63  }
0x1e: {  	_ =	swait.ge [sflag:s2], $0x2000  }
0x1f: {  	[sflag:s2] =	ssyncset.done $0x0  }
0x20: {  	[sflag:s2] =	ssyncadd.s32 $0xFFFFE000  }
0x21: {  	_ =	swait.ge [sflag:s8], $0x2000  }
0x22: {  	[sflag:s8] =	ssyncset.done $0x0  }
0x23: {  	[sflag:s8] =	ssyncadd.s32 $0xFFFFE000  }
0x24: {  	_ =	swait.ge [sflag:s9], $0x2000  }
0x25: {  	[sflag:s9] =	ssyncset.done $0x0  }
0x26: {  	[sflag:s9] =	ssyncadd.s32 $0xFFFFE000  }
0x27: {  	[bflag:$0x0] =	sbarrier.arrive $0xFFFF  }
0x28: {  	s12 =	rddreg [dreg:$0x9]  }
0x29: {  	[hbm:s12], [sflag:s6] =	dma.local [spmem:s13], $0x2800  }
0x2a: {  	_ =	swait.ge [sflag:s14], $0x2800  }
0x2b: {  	s10 =	sadd.s32 $0x1, s10;
	s20 =	rddreg [dreg:$0xa]  }
0x2c: {  	p0 =	sne.s32 s10, s20  }
.Ltmp1:
0x2d: {  	_ = 	snop;
	(pc) =	sbr.rel @!p0 .LBB2_8-.Ltmp1, $3  }
0x2e: {  	_ =	sdelay $0x1  }
0x2f: {  	[sflag:s14] =	ssyncset.done $0x0  }
0x30: {  	[sflag:s14] =	ssyncadd.s32 $0xFFFFD800  }
.LBB2_1:
0x31: {  	s7 =	rddreg [dreg:$0x4]  }
0x32: {  	[spmem:s13], [sflag:s6] =	dma.local [hbm:s7], $0x2800  }
0x33: {  	_ =	swait.ge [sflag:s14], $0x2800  }
0x34: {  	[sflag:s14] =	ssyncset.done $0x0  }
0x35: {  	[sflag:s14] =	ssyncadd.s32 $0xFFFFD800  }
0x36: {  	[bflag:$0x0] =	sbarrier.arrive $0xFFFF  }
0x37: {  	s11 =	rddreg [dreg:$0x5]  }
0x38: {  	[tilespmem:s3], [sflag:$0x9] =	stream.linear.gather [hbm4b:s11+s3], $0x1400, $0x38;
	[tilespmem:$0x1FC00] =	vst v63  }
0x39: {  	_ =	swait.ge [sflag:s14], $0x1400  }
0x3a: {  	[sflag:s14] =	ssyncset.done $0x0  }
0x3b: {  	s12 =	rddreg [dreg:$0x6];
	[sflag:s14] =	ssyncadd.s32 $0xFFFFEC00  }
0x3c: {  	[tilespmem:s15], [sflag:$0x9] =	stream.linear.gather [hbm4b:s12+s3], $0x2800, $0x38;
	[tilespmem:$0x1FC00] =	vst v63  }
0x3d: {  	_ =	swait.ge [sflag:s14], $0x2800  }
0x3e: {  	[sflag:s14] =	ssyncset.done $0x0  }
0x3f: {  	[sflag:s14] =	ssyncadd.s32 $0xFFFFD800  }
0x40: {  	[tilespmem:s17], [sflag:$0x1] =	stream.indirect.gather [hbm4b:s4+s16], $0x80, s3, s16, $0xb8;
	[tilespmem:$0x1FC00] =	vst v63  }
0x41: {  	_ = 	snop  }
0x42: {  	[tilespmem:s18], [sflag:$0x2] =	stream.indirect.gather [hbm4b:s4+s16], $0x80, s16, s16, $0xb8;
	[tilespmem:$0x1FC00] =	vst v63  }
0x43: {  	_ =	swait.ge [sflag:s19], $0x2000  }
0x44: {  	[sflag:s19] =	ssyncset.done $0x0  }
0x45: {  	[sflag:s19] =	ssyncadd.s32 $0xFFFFE000  }
0x46: {  	[spmem:s1] =	stream.indirect.scatter.add.f32 [tilespmem:s17], [sflag:$0x5], $0x80, s15, s16, $0xb8;
	[tilespmem:$0x1FC00] =	vst v63  }
0x47: {  	s20 =	simm.s32 $0x80  }
0x48: {  	[tilespmem:s21], [sflag:$0x3] =	stream.indirect.gather [hbm4b:s4+s16], $0x80, s20, s16, $0xb8;
	[tilespmem:$0x1FC00] =	vst v63  }
0x49: {  	_ =	swait.ge [sflag:s22], $0x2000  }
0x4a: {  	[sflag:s22] =	ssyncset.done $0x0  }
0x4b: {  	[sflag:s22] =	ssyncadd.s32 $0xFFFFE000  }
0x4c: {  	[spmem:s1] =	stream.indirect.scatter.add.f32 [tilespmem:s18], [sflag:$0x6], $0x80, s23, s16, $0xb8;
	[tilespmem:$0x1FC00] =	vst v63  }
0x4d: {  	_ = 	snop  }
0x4e: {  	[tilespmem:s25], [sflag:$0x4] =	stream.indirect.gather [hbm4b:s4+s16], $0x80, s24, s16, $0xb8;
	[tilespmem:$0x1FC00] =	vst v63  }
0x4f: {  	_ =	swait.ge [sflag:s26], $0x2000  }
0x50: {  	[sflag:s26] =	ssyncset.done $0x0  }
0x51: {  	[sflag:s26] =	ssyncadd.s32 $0xFFFFE000  }
0x52: {  	[spmem:s1] =	stream.indirect.scatter.add.f32 [tilespmem:s21], [sflag:$0x7], $0x80, s28, s16, $0xb8;
	[tilespmem:$0x1FC00] =	vst v63  }
0x53: {  	_ =	swait.ge [sflag:s29], $0x2000  }
0x54: {  	[sflag:s29] =	ssyncset.done $0x0  }
0x55: {  	[sflag:s29] =	ssyncadd.s32 $0xFFFFE000  }
0x56: {  	[tilespmem:s17], [sflag:$0x1] =	stream.indirect.gather [hbm4b:s4+s16], $0x80, s30, s16, $0xb8;
	[tilespmem:$0x1FC00] =	vst v63  }
0x57: {  	_ =	swait.ge [sflag:s31], $0x2000  }
0x58: {  	[sflag:s31] =	ssyncset.done $0x0  }
0x59: {  	[sflag:s31] =	ssyncadd.s32 $0xFFFFE000  }
0x5a: {  	[spmem:s1] =	stream.indirect.scatter.add.f32 [tilespmem:s25], [sflag:$0x8], $0x80, s0, s16, $0xb8;
	[tilespmem:$0x1FC00] =	vst v63  }
0x5b: {  	_ =	swait.ge [sflag:s2], $0x2000  }
0x5c: {  	[sflag:s2] =	ssyncset.done $0x0  }
0x5d: {  	s11 =	simm.s32 $0x240;
	s12 =	simm.s32 $0x0;
	[sflag:s2] =	ssyncadd.s32 $0xFFFFE000  }
0x5e: {  	[tilespmem:s18], [sflag:$0x2] =	stream.indirect.gather [hbm4b:s4+s16], $0x80, s5, s16, $0xb8;
	[tilespmem:$0x1FC00] =	vst v63  }
.LBB2_2:
0x5f: {  	_ =	swait.ge [sflag:s19], $0x2000  }
0x60: {  	s7 =	sshra.s32 s12, $0x2;
	[sflag:s19] =	ssyncset.done $0x0  }
0x61: {  	s20 =	sadd.s32 $0x1600, s7;
	[sflag:s19] =	ssyncadd.s32 $0xFFFFE000  }
0x62: {  	[spmem:s1] =	stream.indirect.scatter.add.f32 [tilespmem:s17], [sflag:$0x5], $0x80, s20, s16, $0xb8;
	[tilespmem:$0x1FC00] =	vst v63  }
0x63: {  	_ =	swait.ge [sflag:s8], $0x2000  }
0x64: {  	[sflag:s8] =	ssyncset.done $0x0  }
0x65: {  	s20 =	sadd.s32 $0xFFFFFF40, s11;
	[sflag:s8] =	ssyncadd.s32 $0xFFFFE000  }
0x66: {  	[tilespmem:s21], [sflag:$0x3] =	stream.indirect.gather [hbm4b:s4+s16], $0x80, s20, s16, $0xb8;
	[tilespmem:$0x1FC00] =	vst v63  }
0x67: {  	_ =	swait.ge [sflag:s22], $0x2000  }
0x68: {  	[sflag:s22] =	ssyncset.done $0x0  }
0x69: {  	s20 =	sadd.s32 $0x1680, s7;
	[sflag:s22] =	ssyncadd.s32 $0xFFFFE000  }
0x6a: {  	[spmem:s1] =	stream.indirect.scatter.add.f32 [tilespmem:s18], [sflag:$0x6], $0x80, s20, s16, $0xb8;
	[tilespmem:$0x1FC00] =	vst v63  }
0x6b: {  	_ =	swait.ge [sflag:s9], $0x2000  }
0x6c: {  	[sflag:s9] =	ssyncset.done $0x0  }
0x6d: {  	s20 =	sadd.s32 $0xFFFFFF80, s11;
	[sflag:s9] =	ssyncadd.s32 $0xFFFFE000  }
0x6e: {  	[tilespmem:s25], [sflag:$0x4] =	stream.indirect.gather [hbm4b:s4+s16], $0x80, s20, s16, $0xb8;
	[tilespmem:$0x1FC00] =	vst v63  }
0x6f: {  	_ =	swait.ge [sflag:s26], $0x2000  }
0x70: {  	p0 =	seq.s32 s12, $0x9000;
	[sflag:s26] =	ssyncset.done $0x0  }
.Ltmp2:
0x71: {  	s20 =	sadd.s32 $0x1700, s7;
	[sflag:s26] =	ssyncadd.s32 $0xFFFFE000;
	(pc) =	sbr.rel @p0 .LBB2_4-.Ltmp2, $4  }
0x72: {  	[spmem:s1] =	stream.indirect.scatter.add.f32 [tilespmem:s21], [sflag:$0x7], $0x80, s20, s16, $0xb8;
	[tilespmem:$0x1FC00] =	vst v63  }
0x73: {  	_ =	swait.ge [sflag:s29], $0x2000  }
0x74: {  	[sflag:s29] =	ssyncset.done $0x0  }
0x75: {  	s7 =	sadd.s32 $0x1780, s7;
	[sflag:s29] =	ssyncadd.s32 $0xFFFFE000  }
0x76: {  	s20 =	sadd.s32 $0xFFFFFFC0, s11  }
0x77: {  	[tilespmem:s17], [sflag:$0x1] =	stream.indirect.gather [hbm4b:s4+s16], $0x80, s20, s16, $0xb8;
	[tilespmem:$0x1FC00] =	vst v63  }
0x78: {  	_ =	swait.ge [sflag:s31], $0x2000  }
0x79: {  	[sflag:s31] =	ssyncset.done $0x0  }
0x7a: {  	[sflag:s31] =	ssyncadd.s32 $0xFFFFE000  }
0x7b: {  	[spmem:s1] =	stream.indirect.scatter.add.f32 [tilespmem:s25], [sflag:$0x8], $0x80, s7, s16, $0xb8;
	[tilespmem:$0x1FC00] =	vst v63  }
.Ltmp3:
0x7c: {  	_ =	swait.ge [sflag:s2], $0x2000;
	(pc) =	sbr.rel .LBB2_2-.Ltmp3, $4  }
0x7d: {  	[sflag:s2] =	ssyncset.done $0x0  }
0x7e: {  	[sflag:s2] =	ssyncadd.s32 $0xFFFFE000  }
0x7f: {  	[tilespmem:s18], [sflag:$0x2] =	stream.indirect.gather [hbm4b:s4+s16], $0x80, s11, s16, $0xb8;
	[tilespmem:$0x1FC00] =	vst v63  }
0x80: {  	s12 =	sadd.s32 $0x800, s12;
	s11 =	sadd.s32 $0x100, s11  }
.LBB2_4:
0x81: {  	_ =	swait.ge [sflag:s31], $0x2000  }
0x82: {  	[sflag:s31] =	ssyncset.done $0x0  }
0x83: {  	[sflag:s31] =	ssyncadd.s32 $0xFFFFE000  }
0x84: {  	[spmem:s1] =	stream.indirect.scatter.add.f32 [tilespmem:s25], [sflag:$0x8], $0x80, s7, s16, $0xb8;
	[tilespmem:$0x1FC00] =	vst v63  }
0x85: {  	_ =	swait.ge [sflag:s2], $0x2000  }
0x86: {  	[sflag:s2] =	ssyncset.done $0x0  }
0x87: {  	[sflag:s2] =	ssyncadd.s32 $0xFFFFE000  }
0x88: {  	_ =	swait.ge [sflag:s8], $0x2000  }
0x89: {  	[sflag:s8] =	ssyncset.done $0x0  }
0x8a: {  	[sflag:s8] =	ssyncadd.s32 $0xFFFFE000  }
0x8b: {  	_ =	swait.ge [sflag:s9], $0x2000  }
0x8c: {  	[sflag:s9] =	ssyncset.done $0x0  }
0x8d: {  	s11 =	simm.s32 $0x0;
	s20 =	rddreg [dreg:$0x7];
	[sflag:s9] =	ssyncadd.s32 $0xFFFFE000  }
0x8e: {  	[tilespmem:s11], [sflag:$0x9] =	stream.linear.gather [hbm4b:s20+s11], $0x1400, $0x38;
	[tilespmem:$0x1FC00] =	vst v63  }
0x8f: {  	_ =	swait.ge [sflag:s14], $0x1400  }
0x90: {  	[sflag:s14] =	ssyncset.done $0x0  }
0x91: {  	s12 =	rddreg [dreg:$0x8];
	[sflag:s14] =	ssyncadd.s32 $0xFFFFEC00  }
0x92: {  	[tilespmem:s15], [sflag:$0x9] =	stream.linear.gather [hbm4b:s12+s11], $0x2800, $0x38;
	[tilespmem:$0x1FC00] =	vst v63  }
0x93: {  	_ =	swait.ge [sflag:s14], $0x2800  }
0x94: {  	[sflag:s14] =	ssyncset.done $0x0  }
0x95: {  	[sflag:s14] =	ssyncadd.s32 $0xFFFFD800  }
0x96: {  	[tilespmem:s17], [sflag:$0x1] =	stream.indirect.gather [hbm4b:s4+s16], $0x80, s11, s16, $0xb8;
	[tilespmem:$0x1FC00] =	vst v63  }
0x97: {  	_ = 	snop  }
0x98: {  	[tilespmem:s18], [sflag:$0x2] =	stream.indirect.gather [hbm4b:s4+s16], $0x80, s16, s16, $0xb8;
	[tilespmem:$0x1FC00] =	vst v63  }
0x99: {  	_ =	swait.ge [sflag:s19], $0x2000  }
0x9a: {  	[sflag:s19] =	ssyncset.done $0x0  }
0x9b: {  	[sflag:s19] =	ssyncadd.s32 $0xFFFFE000  }
0x9c: {  	[spmem:s1] =	stream.indirect.scatter.add.f32 [tilespmem:s17], [sflag:$0x5], $0x80, s15, s16, $0xb8;
	[tilespmem:$0x1FC00] =	vst v63  }
0x9d: {  	s20 =	simm.s32 $0x80  }
0x9e: {  	[tilespmem:s21], [sflag:$0x3] =	stream.indirect.gather [hbm4b:s4+s16], $0x80, s20, s16, $0xb8;
	[tilespmem:$0x1FC00] =	vst v63  }
0x9f: {  	_ =	swait.ge [sflag:s22], $0x2000  }
0xa0: {  	[sflag:s22] =	ssyncset.done $0x0  }
0xa1: {  	[sflag:s22] =	ssyncadd.s32 $0xFFFFE000  }
0xa2: {  	[spmem:s1] =	stream.indirect.scatter.add.f32 [tilespmem:s18], [sflag:$0x6], $0x80, s23, s16, $0xb8;
	[tilespmem:$0x1FC00] =	vst v63  }
0xa3: {  	_ = 	snop  }
0xa4: {  	[tilespmem:s25], [sflag:$0x4] =	stream.indirect.gather [hbm4b:s4+s16], $0x80, s24, s16, $0xb8;
	[tilespmem:$0x1FC00] =	vst v63  }
0xa5: {  	_ =	swait.ge [sflag:s26], $0x2000  }
0xa6: {  	[sflag:s26] =	ssyncset.done $0x0  }
0xa7: {  	[sflag:s26] =	ssyncadd.s32 $0xFFFFE000  }
0xa8: {  	[spmem:s1] =	stream.indirect.scatter.add.f32 [tilespmem:s21], [sflag:$0x7], $0x80, s28, s16, $0xb8;
	[tilespmem:$0x1FC00] =	vst v63  }
0xa9: {  	_ =	swait.ge [sflag:s29], $0x2000  }
0xaa: {  	[sflag:s29] =	ssyncset.done $0x0  }
0xab: {  	[sflag:s29] =	ssyncadd.s32 $0xFFFFE000  }
0xac: {  	[tilespmem:s17], [sflag:$0x1] =	stream.indirect.gather [hbm4b:s4+s16], $0x80, s30, s16, $0xb8;
	[tilespmem:$0x1FC00] =	vst v63  }
0xad: {  	_ =	swait.ge [sflag:s31], $0x2000  }
0xae: {  	[sflag:s31] =	ssyncset.done $0x0  }
0xaf: {  	[sflag:s31] =	ssyncadd.s32 $0xFFFFE000  }
0xb0: {  	[spmem:s1] =	stream.indirect.scatter.add.f32 [tilespmem:s25], [sflag:$0x8], $0x80, s0, s16, $0xb8;
	[tilespmem:$0x1FC00] =	vst v63  }
0xb1: {  	_ =	swait.ge [sflag:s2], $0x2000  }
0xb2: {  	[sflag:s2] =	ssyncset.done $0x0  }
0xb3: {  	s12 =	simm.s32 $0x240;
	[sflag:s2] =	ssyncadd.s32 $0xFFFFE000  }
0xb4: {  	[tilespmem:s18], [sflag:$0x2] =	stream.indirect.gather [hbm4b:s4+s16], $0x80, s5, s16, $0xb8;
	[tilespmem:$0x1FC00] =	vst v63  }
.LBB2_5:
0xb5: {  	_ =	swait.ge [sflag:s19], $0x2000  }
0xb6: {  	s7 =	sshra.s32 s11, $0x2;
	[sflag:s19] =	ssyncset.done $0x0  }
0xb7: {  	s20 =	sadd.s32 $0x1600, s7;
	[sflag:s19] =	ssyncadd.s32 $0xFFFFE000  }
0xb8: {  	[spmem:s1] =	stream.indirect.scatter.add.f32 [tilespmem:s17], [sflag:$0x5], $0x80, s20, s16, $0xb8;
	[tilespmem:$0x1FC00] =	vst v63  }
0xb9: {  	_ =	swait.ge [sflag:s8], $0x2000  }
0xba: {  	[sflag:s8] =	ssyncset.done $0x0  }
0xbb: {  	s20 =	sadd.s32 $0xFFFFFF40, s12;
	[sflag:s8] =	ssyncadd.s32 $0xFFFFE000  }
0xbc: {  	[tilespmem:s21], [sflag:$0x3] =	stream.indirect.gather [hbm4b:s4+s16], $0x80, s20, s16, $0xb8;
	[tilespmem:$0x1FC00] =	vst v63  }
0xbd: {  	_ =	swait.ge [sflag:s22], $0x2000  }
0xbe: {  	[sflag:s22] =	ssyncset.done $0x0  }
0xbf: {  	s20 =	sadd.s32 $0x1680, s7;
	[sflag:s22] =	ssyncadd.s32 $0xFFFFE000  }
0xc0: {  	[spmem:s1] =	stream.indirect.scatter.add.f32 [tilespmem:s18], [sflag:$0x6], $0x80, s20, s16, $0xb8;
	[tilespmem:$0x1FC00] =	vst v63  }
0xc1: {  	_ =	swait.ge [sflag:s9], $0x2000  }
0xc2: {  	[sflag:s9] =	ssyncset.done $0x0  }
0xc3: {  	s20 =	sadd.s32 $0xFFFFFF80, s12;
	[sflag:s9] =	ssyncadd.s32 $0xFFFFE000  }
0xc4: {  	[tilespmem:s25], [sflag:$0x4] =	stream.indirect.gather [hbm4b:s4+s16], $0x80, s20, s16, $0xb8;
	[tilespmem:$0x1FC00] =	vst v63  }
0xc5: {  	_ =	swait.ge [sflag:s26], $0x2000  }
0xc6: {  	p0 =	seq.s32 s11, $0x9000;
	[sflag:s26] =	ssyncset.done $0x0  }
.Ltmp4:
0xc7: {  	s20 =	sadd.s32 $0x1700, s7;
	[sflag:s26] =	ssyncadd.s32 $0xFFFFE000;
	(pc) =	sbr.rel @p0 .LBB2_7-.Ltmp4, $4  }
0xc8: {  	[spmem:s1] =	stream.indirect.scatter.add.f32 [tilespmem:s21], [sflag:$0x7], $0x80, s20, s16, $0xb8;
	[tilespmem:$0x1FC00] =	vst v63  }
0xc9: {  	_ =	swait.ge [sflag:s29], $0x2000  }
0xca: {  	[sflag:s29] =	ssyncset.done $0x0  }
0xcb: {  	s7 =	sadd.s32 $0x1780, s7;
	[sflag:s29] =	ssyncadd.s32 $0xFFFFE000  }
0xcc: {  	s20 =	sadd.s32 $0xFFFFFFC0, s12  }
0xcd: {  	[tilespmem:s17], [sflag:$0x1] =	stream.indirect.gather [hbm4b:s4+s16], $0x80, s20, s16, $0xb8;
	[tilespmem:$0x1FC00] =	vst v63  }
0xce: {  	_ =	swait.ge [sflag:s31], $0x2000  }
0xcf: {  	[sflag:s31] =	ssyncset.done $0x0  }
0xd0: {  	[sflag:s31] =	ssyncadd.s32 $0xFFFFE000  }
0xd1: {  	[spmem:s1] =	stream.indirect.scatter.add.f32 [tilespmem:s25], [sflag:$0x8], $0x80, s7, s16, $0xb8;
	[tilespmem:$0x1FC00] =	vst v63  }
.Ltmp5:
0xd2: {  	_ =	swait.ge [sflag:s2], $0x2000;
	(pc) =	sbr.rel .LBB2_5-.Ltmp5, $4  }
0xd3: {  	[sflag:s2] =	ssyncset.done $0x0  }
0xd4: {  	[sflag:s2] =	ssyncadd.s32 $0xFFFFE000  }
0xd5: {  	[tilespmem:s18], [sflag:$0x2] =	stream.indirect.gather [hbm4b:s4+s16], $0x80, s12, s16, $0xb8;
	[tilespmem:$0x1FC00] =	vst v63  }
0xd6: {  	s11 =	sadd.s32 $0x800, s11;
	s12 =	sadd.s32 $0x100, s12  }
.LBB2_8:
0xd7: {  	_ =	sfence.sel $0x180000  }
0xd8: {  	[bflag:$0x0] =	sbarrier.arrive $0xFFFF  }
0xd9: {  	_ =	strace $0x9000004A  }
0xda: {  	s0 =	stileid.u32;
	[bflag:$0x2] =	sbarrier.arrive $0xFFFF  }
0xdb: {  	p0 =	sne.s32 s0, $0x0;
	s0 =	rddreg [dreg:$0x3]  }
0xdc: {  	s0 =	sadd.s32 @!p0 $0x100000, s0  }
0xdd: {  	[sflag:s0] =	ssyncadd.tile.s32 @!p0 $0x1;
	_ =	shalt  }
.Lfunc_end2:
_tile_overlayer_lowered:
.L_overlay_start_2:
0xde: {  	(tag) =	ssettag $0x2  }
0xdf: {  	s0 =	rddreg [dreg:$0x0];
	s2 =	stileid.u32  }
0xe0: {  	s1 =	rddreg [dreg:$0x1];
	p0 =	sne.s32 s2, $0x0  }
0xe1: {  	s3 =	rddreg [dreg:$0x2];
	[bflag:$0x3] =	sbarrier.arrive $0xFFFF;
	s2 =	simm.s32 @!p0 $0x1C09  }
0xe2: {  	[timem:s3], [sflag:s2] =	dma.local @!p0 [hbm:s0], s1  }
0xe3: {  	s0 =	simm.s32 @!p0 $0x9  }
0xe4: {  	_ =	swait.ge @!p0 [sflag:s0], s1  }
0xe5: {  	s1 =	ssub.s32 @!p0 $0x0, s1;
	[sflag:s0] =	ssyncset.done @!p0 $0x0  }
0xe6: {  	[sflag:s0] =	ssyncadd.s32 @!p0 s1  }
0xe7: {  	[bflag:$0x3] =	sbarrier.arrive $0xFFFF  }
0xe8: {  	_ =	shalt  }

// kernel: kernel.14.cloned.1.call-start
scs
__scs_entry_jumppad:
0x0: {  	(pc) =	sbr.rel $0x88, $3  }
0x1: {  	(tag) =	ssettag $0x0;
	lr =	simm.s32 $0x1  }
0x2: {  	[smem:$0x3F9B] =	sst lr;
	_ =	strace $0xD0000000  }
0x3: {  	_ = 	snop  }
0x4: {  	_ = 	snop  }
0x5: {  	_ = 	snop  }
0x6: {  	_ = 	snop  }
0x7: {  	_ = 	snop  }
__scs_overlays_trampoline_lowered:
0x8: {  	[smem:$0x3FAA] =	sst s0  }
0x9: {  	[smem:$0x3FAB] =	sst s1  }
0xa: {  	[smem:$0x3FAC] =	sst s2  }
0xb: {  	[smem:$0x3FAD] =	sst s3  }
0xc: {  	[smem:$0x3FAE] =	sst s4  }
0xd: {  	[smem:$0x3FAF] =	sst s5  }
0xe: {  	[smem:$0x3FB0] =	sst s6  }
0xf: {  	[smem:$0x3FB1] =	sst s7  }
0x10: {  	[smem:$0x3FB2] =	sst s8  }
0x11: {  	[smem:$0x3FB3] =	sst s9;
	s0 =	simm.s32 @!p0 $0x0  }
0x12: {  	s1 =	sld [smem:$0x3F99];
	s0 =	simm.s32 @p0 $0x1  }
0x13: {  	[smem:$0x3FB4] =	sst s0;
	s0 =	simm.s32 @!p1 $0x0  }
0x14: {  	s2 =	sld [smem:$0x3F98];
	s0 =	simm.s32 @p1 $0x1  }
0x15: {  	[smem:$0x3FB5] =	sst s0;
	s0 =	simm.s32 @!p2 $0x0  }
0x16: {  	s3 =	sld [smem:$0x3FDB];
	s0 =	simm.s32 @p2 $0x1  }
0x17: {  	s4 =	simm.s32 $0x1BF5;
	[smem:$0x3FB7] =	sst s0  }
0x18: {  	s0 =	sld [smem:$0x3F9A];
	_ =	swait.ge [sflag:s4], $0x0  }
0x19: {  	s7 =	sld [smem:$0x3F9B]  }
0x1a: {  	s8 =	sadd.s32 $0xFFFFE003, lr  }
0x1b: {  	s9 =	sadd.s32 $0xFFFFFEF7, lr;
	s5 =	simm.s32 $0xFFFFFFFF;
	p2 =	slt.u32 s8, $0xFFFFF086  }
0x1c: {  	p1 =	slt.u32 s9, $0xF7A;
	s5 =	simm.s32 @!p2 $0x0  }
0x1d: {  	s5 =	simm.s32 @p1 $0x1;
	p0 =	seq.s32 s7, s2  }
0x1e: {  	s7 =	smul.u32 @!p0 $0xF7A, s2;
	p2 =	seq.s32 @!p0 s5, $0x0  }
0x1f: {  	s9 =	smul.u32 $0xF7A, s1;
	s8 =	simm.s32 @!p0 $0x1BF5;
	p2 =	por !p2, p0  }
0x20: {  	[sflag:s8] =	ssyncset.s32 @!p0 $0xFFFFF086;
	s6 =	sadd.s32 @!p0 s3, s7;
	s7 =	simm.s32 @!p0 $0x108  }
0x21: {  	s3 =	sadd.s32 s3, s9;
	s6 =	sadd.s32 @!p0 $0x88, s6;
	s7 =	simm.s32 @p2 $0x1082  }
0x22: {  	[simem:s7], [sflag:s8] =	dma.local @!p0 [hbm:s6], $0xF7A  }
0x23: {  	s9 =	sor.u32 $0xD0000000, s2;
	s6 =	simm.s32 $0x108;
	_ =	swait.ge @!p0 [sflag:s8], $0x0  }
0x24: {  	s3 =	sadd.s32 $0x88, s3;
	s6 =	simm.s32 @!p1 $0x1082;
	[sflag:s4] =	ssyncset.s32 $0xFFFFF086  }
0x25: {  	[simem:s6], [sflag:s4] =	dma.local [hbm:s3], $0xF7A  }
0x26: {  	[smem:$0x3F9B] =	sst s1;
	(tag) =	ssettag s2;
	_ =	strace s9  }
0x27: {  	s1 =	sld [smem:$0x3FAB]  }
0x28: {  	s2 =	sld [smem:$0x3FAC]  }
0x29: {  	s4 =	sld [smem:$0x3FAE]  }
0x2a: {  	p0 =	seq.s32 s5, $0x0;
	s5 =	sld [smem:$0x3FAF]  }
0x2b: {  	s6 =	sld [smem:$0x3FB0]  }
0x2c: {  	s7 =	sld [smem:$0x3FB1]  }
0x2d: {  	s3 =	simm.s32 $0x108;
	s8 =	sld [smem:$0x3FB2]  }
0x2e: {  	s3 =	simm.s32 @!p0 $0x1082;
	s9 =	sld [smem:$0x3FB3]  }
0x2f: {  	lr =	sadd.s32 s0, s3;
	s0 =	sld [smem:$0x3FAA]  }
0x30: {  	s3 =	sld [smem:$0x3FAD]  }
0x31: {  	[smem:$0x3FB6] =	sst s10  }
0x32: {  	s10 =	sld [smem:$0x3FB4];
	_ =	sdelay $0x3  }
0x33: {  	p0 =	seq.s32 s10, $0x1;
	s10 =	sld [smem:$0x3FB6];
	_ =	sdelay $0x3  }
0x34: {  	[smem:$0x3FB6] =	sst s10  }
0x35: {  	s10 =	sld [smem:$0x3FB5];
	_ =	sdelay $0x3  }
0x36: {  	p1 =	seq.s32 s10, $0x1;
	s10 =	sld [smem:$0x3FB6];
	_ =	sdelay $0x3  }
0x37: {  	[smem:$0x3FB6] =	sst s10  }
0x38: {  	s10 =	sld [smem:$0x3FB7]  }
0x39: {  	_ = 	snop;
	(pc) =	sbr.ind lr, $3  }
0x3a: {  	_ = 	snop  }
0x3b: {  	_ = 	snop  }
0x3c: {  	p2 =	seq.s32 s10, $0x1;
	s10 =	sld [smem:$0x3FB6]  }
0x3d: {  	_ =	shalt  }
0x3e: {  	_ =	shalt  }
0x3f: {  	_ =	shalt  }
0x40: {  	_ =	shalt  }
0x41: {  	_ =	shalt  }
0x42: {  	_ =	shalt  }
0x43: {  	_ =	shalt  }
0x44: {  	_ =	shalt  }
0x45: {  	_ =	shalt  }
0x46: {  	_ =	shalt  }
0x47: {  	_ =	shalt  }
0x48: {  	_ =	shalt  }
0x49: {  	_ =	shalt  }
0x4a: {  	_ =	shalt  }
0x4b: {  	_ =	shalt  }
0x4c: {  	_ =	shalt  }
0x4d: {  	_ =	shalt  }
0x4e: {  	_ =	shalt  }
0x4f: {  	_ =	shalt  }
0x50: {  	_ =	shalt  }
0x51: {  	_ =	shalt  }
0x52: {  	_ =	shalt  }
0x53: {  	_ =	shalt  }
0x54: {  	_ =	shalt  }
0x55: {  	_ =	shalt  }
0x56: {  	_ =	shalt  }
0x57: {  	_ =	shalt  }
0x58: {  	_ =	shalt  }
0x59: {  	_ =	shalt  }
0x5a: {  	_ =	shalt  }
0x5b: {  	_ =	shalt  }
0x5c: {  	_ =	shalt  }
0x5d: {  	_ =	shalt  }
0x5e: {  	_ =	shalt  }
0x5f: {  	_ =	shalt  }
0x60: {  	_ =	shalt  }
0x61: {  	_ =	shalt  }
0x62: {  	_ =	shalt  }
0x63: {  	_ =	shalt  }
0x64: {  	_ =	shalt  }
0x65: {  	_ =	shalt  }
0x66: {  	_ =	shalt  }
0x67: {  	_ =	shalt  }
0x68: {  	_ =	shalt  }
0x69: {  	_ =	shalt  }
0x6a: {  	_ =	shalt  }
0x6b: {  	_ =	shalt  }
0x6c: {  	_ =	shalt  }
0x6d: {  	_ =	shalt  }
0x6e: {  	_ =	shalt  }
0x6f: {  	_ =	shalt  }
0x70: {  	_ =	shalt  }
0x71: {  	_ =	shalt  }
0x72: {  	_ =	shalt  }
0x73: {  	_ =	shalt  }
0x74: {  	_ =	shalt  }
0x75: {  	_ =	shalt  }
0x76: {  	_ =	shalt  }
0x77: {  	_ =	shalt  }
0x78: {  	_ =	shalt  }
0x79: {  	_ =	shalt  }
0x7a: {  	_ =	shalt  }
0x7b: {  	_ =	shalt  }
0x7c: {  	_ =	shalt  }
0x7d: {  	_ =	shalt  }
0x7e: {  	_ =	shalt  }
0x7f: {  	_ =	shalt  }
0x80: {  	_ =	shalt  }
0x81: {  	_ =	shalt  }
0x82: {  	_ =	shalt  }
0x83: {  	_ =	shalt  }
0x84: {  	_ =	shalt  }
0x85: {  	_ =	shalt  }
0x86: {  	_ =	shalt  }
0x87: {  	_ =	shalt  }
.Lfunc_end0:
.L_simem_size_0:
called_computation.2_lowered:
.L_overlay_start_0:
0x88: {  	s2 =	sld [smem:$0x3FD9]  }
0x89: {  	s3 =	sld [smem:$0x3FFE];
	_ =	sdelay $0x1  }
0x8a: {  	s1 =	srdreg.scid  }
0x8b: {  	s0 =	sand.u32 $0x1, s1  }
0x8c: {  	s17 =	sshll.u32 s0, $0xA;
	s2 =	sadd.s32 s3, s2  }
0x8d: {  	s2 =	sadd.s32 s2, s17  }
0x8e: {  	[smem:$0x3FC2] =	sst s2  }
0x8f: {  	_ = 	snop  }
0x90: {  	s2 =	sld [smem:$0x3FD0];
	(tm) =	ssettm $0x1  }
0x91: {  	s18 =	sld [smem:$0x3FFB];
	_ =	sdelay $0x3  }
0x92: {  	_ =	strace s18  }
0x93: {  	s3 =	sld [smem:$0x3FFC];
	_ =	sdelay $0x3  }
0x94: {  	_ =	strace s3  }
0x95: {  	s3 =	sld [smem:$0x3FFD];
	_ =	sdelay $0x3  }
0x96: {  	_ =	strace s3  }
0x97: {  	_ =	strace $0x8FFFFFFF  }
0x98: {  	s19 =	sld [smem:$0x3FDB];
	_ =	sdelay $0x1  }
0x99: {  	s4 =	simm.s32 $_scs_section_size  }
0x9a: {  	s5 =	simm.s32 $_size__tile_overlayer_lowered;
	s6 =	simm.s32 $_tile_overlayer_lowered  }
0x9b: {  	s22 =	simm.s32 $0x1BFF;
	s21 =	sshll.u32 s6, $0x1;
	s3 =	sadd.s32 s4, s19  }
0x9c: {  	s7 =	simm.s32 $0x0;
	s20 =	sshll.u32 s5, $0x1;
	s5 =	sadd.s32 s21, s3  }
0x9d: {  	[timem:s7], [sflag:s22] =	dma.local [hbm:s5], s20  }
0x9e: {  	_ =	swait.ge [sflag:s22], s20  }
0x9f: {  	s4 =	ssub.s32 $0x0, s20;
	[sflag:s22] =	ssyncset.done $0x0  }
0xa0: {  	[sflag:s22] =	ssyncadd.s32 s4;
	_ =	sdelay $0x1  }
0xa1: {  	s23 =	simm.s32 $0x1B8B  }
0xa2: {  	_ =	swait.ge [sflag:s23], $0x1  }
0xa3: {  	[sflag:s23] =	ssyncset.done $0x0  }
0xa4: {  	s25 =	simm.s32 $0x1B8E;
	s24 =	sld [smem:$0x3FFE];
	[sflag:s23] =	ssyncadd.s32 $0xFFFFFFFF  }
0xa5: {  	s26 =	simm.s32 $execute0_lowered;
	[smem:$0x3FD2] =	sst s25  }
0xa6: {  	s5 =	sshll.u32 s26, $0x1;
	_ =	strace $0x8000004C;
	[dreg:$0x1] =	wrdreg $0xFFFFFFFF  }
0xa7: {  	s28 =	simm.s32 $_size_execute0_lowered;
	s3 =	sadd.s32 s3, s5;
	[dreg:$0x0] =	wrdreg $0x0  }
0xa8: {  	s5 =	sshll.u32 s28, $0x1;
	[dreg:$0x2] =	wrdreg s3  }
0xa9: {  	[dreg:$0x3] =	wrdreg s5  }
0xaa: {  	[dreg:$0x4] =	wrdreg $0xC0  }
0xab: {  	_ =	task [dreg:s7], $0x5FFFF  }
0xac: {  	[dreg:$0x1] =	wrdreg $0xFFFFFFFF  }
0xad: {  	[dreg:$0x0] =	wrdreg $0x60  }
0xae: {  	[dreg:$0x2] =	wrdreg s24  }
0xaf: {  	[dreg:$0x3] =	wrdreg s2  }
0xb0: {  	[dreg:$0x4] =	wrdreg $0xBC000  }
0xb1: {  	[dreg:$0x5] =	wrdreg $0x9  }
0xb2: {  	_ =	task.clear_ibuf [dreg:s7], $0x6FFFF;
	_ =	strace $0x9000004C  }
0xb3: {  	s29 =	simm.s32 $0x9;
	_ =	strace $0x8000004E  }
0xb4: {  	_ =	swait.ge [sflag:s29], $0x1  }
0xb5: {  	[sflag:s29] =	ssyncadd.s32 $0xFFFFFFFF  }
0xb6: {  	_ =	strace $0x9000004E  }
0xb7: {  	_ =	sfence  }
0xb8: {  	s30 =	sld [smem:$0x0];
	_ =	sdelay $0x2  }
0xb9: {  	s31 =	sshll.u32 s1, $0xD;
	s1 =	sshrl.u32 s1, $0x2  }
0xba: {  	s3 =	sand.u32 $0x4000, s31;
	s1 =	sadd.s32 s1, s30  }
0xbb: {  	s0 =	sor.u32 s3, s0;
	s1 =	sshll.u32 s1, $0x11  }
0xbc: {  	s0 =	sor.u32 s1, s0  }
0xbd: {  	s0 =	sadd.s32 $0x8F2B, s0  }
0xbe: {  	[sflag:s0] =	ssyncadd.remote.s32 $0x1  }
0xbf: {  	_ =	sfence.sel $0xFFFF  }
0xc0: {  	[dreg:$0x0] =	wrdreg $0xFFFFFFFF;
	(pc) =	sbr.abs _section_cstart, $3  }
0xc1: {  	[dreg:$0x1] =	wrdreg $0xFFFFFFFF  }
0xc2: {  	_ =	task.clear_ibuf [dreg:s7], $0x2FFFF;
	_ =	strace $0x9FFFFFFF  }
0xc3: {  	(tm) =	ssettm $0x7FFFFFFF  }
tec
execute0_lowered:
.L_overlay_start_1:
0x0: {  	(tag) =	ssettag $0x1  }
0x1: {  	s0 =	rddreg [dreg:$0x0]  }
0x2: {  	s2 =	rddreg [dreg:$0x1]  }
0x3: {  	s1 =	rddreg [dreg:$0x2];
	s3 =	srdreg.scid  }
0x4: {  	s12 =	stileid.u32;
	s14 =	simm.s32 $0x9;
	s15 =	simm.s32 $0x1400  }
0x5: {  	s16 =	simm.s32 $0x40;
	s17 =	simm.s32 $0x3C00;
	s18 =	simm.s32 $0x5C00  }
0x6: {  	s19 =	simm.s32 $0x1;
	s28 =	simm.s32 $0x1500;
	s7 =	smul.u32 $0x280, s12  }
0x7: {  	s29 =	simm.s32 $0x5;
	s30 =	simm.s32 $0x100;
	s20 =	smul.u32 $0x50000, s12  }
0x8: {  	s31 =	simm.s32 $0x4;
	s5 =	sand.u32 $0x1, s3;
	s11 =	smul.u32 $0x50, s12  }
0x9: {  	s3 =	simm.s32 $0x0;
	s4 =	sadd.s32 $0x1A800, s0;
	s21 =	smul.u32 $0x5000, s12  }
0xa: {  	s8 =	sadd.s32 $0x10800, s0;
	s22 =	sshll.u32 s12, $0x6;
	s23 =	smul.u32 $0xA00, s12  }
0xb: {  	s6 =	smul.u32 $0x2800, s5;
	[smem:$0x7FF] =	sst s3;
	s9 =	ssub.s32 $0x2, s5  }
0xc: {  	s5 =	smul.u32 $0x500, s5;
	_ =	strace $0x8000004D;
	s10 =	sshrl.u32 s9, $0x1  }
0xd: {  	s24 =	sshrl.u32 s21, $0x3;
	s25 =	sadd.s32 s8, s23;
	s21 =	simm.s32 $0x7C00  }
0xe: {  	s23 =	simm.s32 $0x1480;
	s6 =	sadd.s32 s7, s6;
	s7 =	sshrl.u32 s20, $0x2  }
0xf: {  	s9 =	ssub.s32 s9, s10;
	s5 =	sadd.s32 s11, s5;
	[dreg:$0x6] =	wrdreg s25  }
0x10: {  	s25 =	simm.s32 $0x9C00;
	s10 =	simm.s32 $0x0;
	s6 =	sshll.u32 s6, $0x4  }
0x11: {  	s7 =	sadd.s32 s7, s1;
	s5 =	sshll.u32 s5, $0x4;
	s26 =	smax.u32 s9, $0x1  }
0x12: {  	s9 =	simm.s32 $0x8;
	s0 =	sadd.s32 s6, s0;
	s6 =	sadd.s32 s4, s6  }
0x13: {  	s5 =	sadd.s32 s2, s5;
	s2 =	sadd.s32 s8, s24;
	[dreg:$0xa] =	wrdreg s26  }
0x14: {  	s13 =	sshrl.u32 s7, $0x3;
	s24 =	simm.s32 $0xC0;
	[dreg:$0x4] =	wrdreg s6  }
.Ltmp0:
0x15: {  	[dreg:$0x5] =	wrdreg s5;
	s5 =	sadd.s32 $0x280, s5;
	(pc) =	sbr.rel .LBB2_1-.Ltmp0, $4  }
0x16: {  	s26 =	simm.s32 $0x3;
	s2 =	sadd.s32 $0x500, s2;
	[dreg:$0x7] =	wrdreg s5  }
0x17: {  	s8 =	simm.s32 $0x7;
	s0 =	sadd.s32 $0x6A800, s0;
	[dreg:$0x8] =	wrdreg s2  }
0x18: {  	s6 =	sor.u32 $0x1C09, s22;
	s22 =	simm.s32 $0x2;
	[dreg:$0x9] =	wrdreg s0  }
0x19: {  	s0 =	simm.s32 $0x1580;
	s2 =	simm.s32 $0x6;
	s5 =	simm.s32 $0x140  }
.LBB2_7:
0x1a: {  	_ =	swait.ge [sflag:s31], $0x2000  }
0x1b: {  	[sflag:s31] =	ssyncset.done $0x0  }
0x1c: {  	[sflag:s31] =	ssyncadd.s32 $0xFFFFE000  }
0x1d: {  	[spmem:s1] =	stream.indirect.scatter.add.f32 [tilespmem:s25], [sflag:$0x8], $0x80, s7, s16, $0xb8;
	[tilespmem:$0x1FC00] =	vst v63  }
0x1e: {  	_ =	swait.ge [sflag:s2], $0x2000  }
0x1f: {  	[sflag:s2] =	ssyncset.done $0x0  }
0x20: {  	[sflag:s2] =	ssyncadd.s32 $0xFFFFE000  }
0x21: {  	_ =	swait.ge [sflag:s8], $0x2000  }
0x22: {  	[sflag:s8] =	ssyncset.done $0x0  }
0x23: {  	[sflag:s8] =	ssyncadd.s32 $0xFFFFE000  }
0x24: {  	_ =	swait.ge [sflag:s9], $0x2000  }
0x25: {  	[sflag:s9] =	ssyncset.done $0x0  }
0x26: {  	[sflag:s9] =	ssyncadd.s32 $0xFFFFE000  }
0x27: {  	[bflag:$0x0] =	sbarrier.arrive $0xFFFF  }
0x28: {  	s12 =	rddreg [dreg:$0x9]  }
0x29: {  	[hbm:s12], [sflag:s6] =	dma.local [spmem:s13], $0x2800  }
0x2a: {  	_ =	swait.ge [sflag:s14], $0x2800  }
0x2b: {  	s10 =	sadd.s32 $0x1, s10;
	s20 =	rddreg [dreg:$0xa]  }
0x2c: {  	p0 =	sne.s32 s10, s20  }
.Ltmp1:
0x2d: {  	_ = 	snop;
	(pc) =	sbr.rel @!p0 .LBB2_8-.Ltmp1, $3  }
0x2e: {  	_ =	sdelay $0x1  }
0x2f: {  	[sflag:s14] =	ssyncset.done $0x0  }
0x30: {  	[sflag:s14] =	ssyncadd.s32 $0xFFFFD800  }
.LBB2_1:
0x31: {  	s7 =	rddreg [dreg:$0x4]  }
0x32: {  	[spmem:s13], [sflag:s6] =	dma.local [hbm:s7], $0x2800  }
0x33: {  	_ =	swait.ge [sflag:s14], $0x2800  }
0x34: {  	[sflag:s14] =	ssyncset.done $0x0  }
0x35: {  	[sflag:s14] =	ssyncadd.s32 $0xFFFFD800  }
0x36: {  	[bflag:$0x0] =	sbarrier.arrive $0xFFFF  }
0x37: {  	s11 =	rddreg [dreg:$0x5]  }
0x38: {  	[tilespmem:s3], [sflag:$0x9] =	stream.linear.gather [hbm4b:s11+s3], $0x1400, $0x38;
	[tilespmem:$0x1FC00] =	vst v63  }
0x39: {  	_ =	swait.ge [sflag:s14], $0x1400  }
0x3a: {  	[sflag:s14] =	ssyncset.done $0x0  }
0x3b: {  	s12 =	rddreg [dreg:$0x6];
	[sflag:s14] =	ssyncadd.s32 $0xFFFFEC00  }
0x3c: {  	[tilespmem:s15], [sflag:$0x9] =	stream.linear.gather [hbm4b:s12+s3], $0x2800, $0x38;
	[tilespmem:$0x1FC00] =	vst v63  }
0x3d: {  	_ =	swait.ge [sflag:s14], $0x2800  }
0x3e: {  	[sflag:s14] =	ssyncset.done $0x0  }
0x3f: {  	[sflag:s14] =	ssyncadd.s32 $0xFFFFD800  }
0x40: {  	[tilespmem:s17], [sflag:$0x1] =	stream.indirect.gather [hbm4b:s4+s16], $0x80, s3, s16, $0xb8;
	[tilespmem:$0x1FC00] =	vst v63  }
0x41: {  	_ = 	snop  }
0x42: {  	[tilespmem:s18], [sflag:$0x2] =	stream.indirect.gather [hbm4b:s4+s16], $0x80, s16, s16, $0xb8;
	[tilespmem:$0x1FC00] =	vst v63  }
0x43: {  	_ =	swait.ge [sflag:s19], $0x2000  }
0x44: {  	[sflag:s19] =	ssyncset.done $0x0  }
0x45: {  	[sflag:s19] =	ssyncadd.s32 $0xFFFFE000  }
0x46: {  	[spmem:s1] =	stream.indirect.scatter.add.f32 [tilespmem:s17], [sflag:$0x5], $0x80, s15, s16, $0xb8;
	[tilespmem:$0x1FC00] =	vst v63  }
0x47: {  	s20 =	simm.s32 $0x80  }
0x48: {  	[tilespmem:s21], [sflag:$0x3] =	stream.indirect.gather [hbm4b:s4+s16], $0x80, s20, s16, $0xb8;
	[tilespmem:$0x1FC00] =	vst v63  }
0x49: {  	_ =	swait.ge [sflag:s22], $0x2000  }
0x4a: {  	[sflag:s22] =	ssyncset.done $0x0  }
0x4b: {  	[sflag:s22] =	ssyncadd.s32 $0xFFFFE000  }
0x4c: {  	[spmem:s1] =	stream.indirect.scatter.add.f32 [tilespmem:s18], [sflag:$0x6], $0x80, s23, s16, $0xb8;
	[tilespmem:$0x1FC00] =	vst v63  }
0x4d: {  	_ = 	snop  }
0x4e: {  	[tilespmem:s25], [sflag:$0x4] =	stream.indirect.gather [hbm4b:s4+s16], $0x80, s24, s16, $0xb8;
	[tilespmem:$0x1FC00] =	vst v63  }
0x4f: {  	_ =	swait.ge [sflag:s26], $0x2000  }
0x50: {  	[sflag:s26] =	ssyncset.done $0x0  }
0x51: {  	[sflag:s26] =	ssyncadd.s32 $0xFFFFE000  }
0x52: {  	[spmem:s1] =	stream.indirect.scatter.add.f32 [tilespmem:s21], [sflag:$0x7], $0x80, s28, s16, $0xb8;
	[tilespmem:$0x1FC00] =	vst v63  }
0x53: {  	_ =	swait.ge [sflag:s29], $0x2000  }
0x54: {  	[sflag:s29] =	ssyncset.done $0x0  }
0x55: {  	[sflag:s29] =	ssyncadd.s32 $0xFFFFE000  }
0x56: {  	[tilespmem:s17], [sflag:$0x1] =	stream.indirect.gather [hbm4b:s4+s16], $0x80, s30, s16, $0xb8;
	[tilespmem:$0x1FC00] =	vst v63  }
0x57: {  	_ =	swait.ge [sflag:s31], $0x2000  }
0x58: {  	[sflag:s31] =	ssyncset.done $0x0  }
0x59: {  	[sflag:s31] =	ssyncadd.s32 $0xFFFFE000  }
0x5a: {  	[spmem:s1] =	stream.indirect.scatter.add.f32 [tilespmem:s25], [sflag:$0x8], $0x80, s0, s16, $0xb8;
	[tilespmem:$0x1FC00] =	vst v63  }
0x5b: {  	_ =	swait.ge [sflag:s2], $0x2000  }
0x5c: {  	[sflag:s2] =	ssyncset.done $0x0  }
0x5d: {  	s11 =	simm.s32 $0x240;
	s12 =	simm.s32 $0x0;
	[sflag:s2] =	ssyncadd.s32 $0xFFFFE000  }
0x5e: {  	[tilespmem:s18], [sflag:$0x2] =	stream.indirect.gather [hbm4b:s4+s16], $0x80, s5, s16, $0xb8;
	[tilespmem:$0x1FC00] =	vst v63  }
.LBB2_2:
0x5f: {  	_ =	swait.ge [sflag:s19], $0x2000  }
0x60: {  	s7 =	sshra.s32 s12, $0x2;
	[sflag:s19] =	ssyncset.done $0x0  }
0x61: {  	s20 =	sadd.s32 $0x1600, s7;
	[sflag:s19] =	ssyncadd.s32 $0xFFFFE000  }
0x62: {  	[spmem:s1] =	stream.indirect.scatter.add.f32 [tilespmem:s17], [sflag:$0x5], $0x80, s20, s16, $0xb8;
	[tilespmem:$0x1FC00] =	vst v63  }
0x63: {  	_ =	swait.ge [sflag:s8], $0x2000  }
0x64: {  	[sflag:s8] =	ssyncset.done $0x0  }
0x65: {  	s20 =	sadd.s32 $0xFFFFFF40, s11;
	[sflag:s8] =	ssyncadd.s32 $0xFFFFE000  }
0x66: {  	[tilespmem:s21], [sflag:$0x3] =	stream.indirect.gather [hbm4b:s4+s16], $0x80, s20, s16, $0xb8;
	[tilespmem:$0x1FC00] =	vst v63  }
0x67: {  	_ =	swait.ge [sflag:s22], $0x2000  }
0x68: {  	[sflag:s22] =	ssyncset.done $0x0  }
0x69: {  	s20 =	sadd.s32 $0x1680, s7;
	[sflag:s22] =	ssyncadd.s32 $0xFFFFE000  }
0x6a: {  	[spmem:s1] =	stream.indirect.scatter.add.f32 [tilespmem:s18], [sflag:$0x6], $0x80, s20, s16, $0xb8;
	[tilespmem:$0x1FC00] =	vst v63  }
0x6b: {  	_ =	swait.ge [sflag:s9], $0x2000  }
0x6c: {  	[sflag:s9] =	ssyncset.done $0x0  }
0x6d: {  	s20 =	sadd.s32 $0xFFFFFF80, s11;
	[sflag:s9] =	ssyncadd.s32 $0xFFFFE000  }
0x6e: {  	[tilespmem:s25], [sflag:$0x4] =	stream.indirect.gather [hbm4b:s4+s16], $0x80, s20, s16, $0xb8;
	[tilespmem:$0x1FC00] =	vst v63  }
0x6f: {  	_ =	swait.ge [sflag:s26], $0x2000  }
0x70: {  	p0 =	seq.s32 s12, $0x9000;
	[sflag:s26] =	ssyncset.done $0x0  }
.Ltmp2:
0x71: {  	s20 =	sadd.s32 $0x1700, s7;
	[sflag:s26] =	ssyncadd.s32 $0xFFFFE000;
	(pc) =	sbr.rel @p0 .LBB2_4-.Ltmp2, $4  }
0x72: {  	[spmem:s1] =	stream.indirect.scatter.add.f32 [tilespmem:s21], [sflag:$0x7], $0x80, s20, s16, $0xb8;
	[tilespmem:$0x1FC00] =	vst v63  }
0x73: {  	_ =	swait.ge [sflag:s29], $0x2000  }
0x74: {  	[sflag:s29] =	ssyncset.done $0x0  }
0x75: {  	s7 =	sadd.s32 $0x1780, s7;
	[sflag:s29] =	ssyncadd.s32 $0xFFFFE000  }
0x76: {  	s20 =	sadd.s32 $0xFFFFFFC0, s11  }
0x77: {  	[tilespmem:s17], [sflag:$0x1] =	stream.indirect.gather [hbm4b:s4+s16], $0x80, s20, s16, $0xb8;
	[tilespmem:$0x1FC00] =	vst v63  }
0x78: {  	_ =	swait.ge [sflag:s31], $0x2000  }
0x79: {  	[sflag:s31] =	ssyncset.done $0x0  }
0x7a: {  	[sflag:s31] =	ssyncadd.s32 $0xFFFFE000  }
0x7b: {  	[spmem:s1] =	stream.indirect.scatter.add.f32 [tilespmem:s25], [sflag:$0x8], $0x80, s7, s16, $0xb8;
	[tilespmem:$0x1FC00] =	vst v63  }
.Ltmp3:
0x7c: {  	_ =	swait.ge [sflag:s2], $0x2000;
	(pc) =	sbr.rel .LBB2_2-.Ltmp3, $4  }
0x7d: {  	[sflag:s2] =	ssyncset.done $0x0  }
0x7e: {  	[sflag:s2] =	ssyncadd.s32 $0xFFFFE000  }
0x7f: {  	[tilespmem:s18], [sflag:$0x2] =	stream.indirect.gather [hbm4b:s4+s16], $0x80, s11, s16, $0xb8;
	[tilespmem:$0x1FC00] =	vst v63  }
0x80: {  	s12 =	sadd.s32 $0x800, s12;
	s11 =	sadd.s32 $0x100, s11  }
.LBB2_4:
0x81: {  	_ =	swait.ge [sflag:s31], $0x2000  }
0x82: {  	[sflag:s31] =	ssyncset.done $0x0  }
0x83: {  	[sflag:s31] =	ssyncadd.s32 $0xFFFFE000  }
0x84: {  	[spmem:s1] =	stream.indirect.scatter.add.f32 [tilespmem:s25], [sflag:$0x8], $0x80, s7, s16, $0xb8;
	[tilespmem:$0x1FC00] =	vst v63  }
0x85: {  	_ =	swait.ge [sflag:s2], $0x2000  }
0x86: {  	[sflag:s2] =	ssyncset.done $0x0  }
0x87: {  	[sflag:s2] =	ssyncadd.s32 $0xFFFFE000  }
0x88: {  	_ =	swait.ge [sflag:s8], $0x2000  }
0x89: {  	[sflag:s8] =	ssyncset.done $0x0  }
0x8a: {  	[sflag:s8] =	ssyncadd.s32 $0xFFFFE000  }
0x8b: {  	_ =	swait.ge [sflag:s9], $0x2000  }
0x8c: {  	[sflag:s9] =	ssyncset.done $0x0  }
0x8d: {  	s11 =	simm.s32 $0x0;
	s20 =	rddreg [dreg:$0x7];
	[sflag:s9] =	ssyncadd.s32 $0xFFFFE000  }
0x8e: {  	[tilespmem:s11], [sflag:$0x9] =	stream.linear.gather [hbm4b:s20+s11], $0x1400, $0x38;
	[tilespmem:$0x1FC00] =	vst v63  }
0x8f: {  	_ =	swait.ge [sflag:s14], $0x1400  }
0x90: {  	[sflag:s14] =	ssyncset.done $0x0  }
0x91: {  	s12 =	rddreg [dreg:$0x8];
	[sflag:s14] =	ssyncadd.s32 $0xFFFFEC00  }
0x92: {  	[tilespmem:s15], [sflag:$0x9] =	stream.linear.gather [hbm4b:s12+s11], $0x2800, $0x38;
	[tilespmem:$0x1FC00] =	vst v63  }
0x93: {  	_ =	swait.ge [sflag:s14], $0x2800  }
0x94: {  	[sflag:s14] =	ssyncset.done $0x0  }
0x95: {  	[sflag:s14] =	ssyncadd.s32 $0xFFFFD800  }
0x96: {  	[tilespmem:s17], [sflag:$0x1] =	stream.indirect.gather [hbm4b:s4+s16], $0x80, s11, s16, $0xb8;
	[tilespmem:$0x1FC00] =	vst v63  }
0x97: {  	_ = 	snop  }
0x98: {  	[tilespmem:s18], [sflag:$0x2] =	stream.indirect.gather [hbm4b:s4+s16], $0x80, s16, s16, $0xb8;
	[tilespmem:$0x1FC00] =	vst v63  }
0x99: {  	_ =	swait.ge [sflag:s19], $0x2000  }
0x9a: {  	[sflag:s19] =	ssyncset.done $0x0  }
0x9b: {  	[sflag:s19] =	ssyncadd.s32 $0xFFFFE000  }
0x9c: {  	[spmem:s1] =	stream.indirect.scatter.add.f32 [tilespmem:s17], [sflag:$0x5], $0x80, s15, s16, $0xb8;
	[tilespmem:$0x1FC00] =	vst v63  }
0x9d: {  	s20 =	simm.s32 $0x80  }
0x9e: {  	[tilespmem:s21], [sflag:$0x3] =	stream.indirect.gather [hbm4b:s4+s16], $0x80, s20, s16, $0xb8;
	[tilespmem:$0x1FC00] =	vst v63  }
0x9f: {  	_ =	swait.ge [sflag:s22], $0x2000  }
0xa0: {  	[sflag:s22] =	ssyncset.done $0x0  }
0xa1: {  	[sflag:s22] =	ssyncadd.s32 $0xFFFFE000  }
0xa2: {  	[spmem:s1] =	stream.indirect.scatter.add.f32 [tilespmem:s18], [sflag:$0x6], $0x80, s23, s16, $0xb8;
	[tilespmem:$0x1FC00] =	vst v63  }
0xa3: {  	_ = 	snop  }
0xa4: {  	[tilespmem:s25], [sflag:$0x4] =	stream.indirect.gather [hbm4b:s4+s16], $0x80, s24, s16, $0xb8;
	[tilespmem:$0x1FC00] =	vst v63  }
0xa5: {  	_ =	swait.ge [sflag:s26], $0x2000  }
0xa6: {  	[sflag:s26] =	ssyncset.done $0x0  }
0xa7: {  	[sflag:s26] =	ssyncadd.s32 $0xFFFFE000  }
0xa8: {  	[spmem:s1] =	stream.indirect.scatter.add.f32 [tilespmem:s21], [sflag:$0x7], $0x80, s28, s16, $0xb8;
	[tilespmem:$0x1FC00] =	vst v63  }
0xa9: {  	_ =	swait.ge [sflag:s29], $0x2000  }
0xaa: {  	[sflag:s29] =	ssyncset.done $0x0  }
0xab: {  	[sflag:s29] =	ssyncadd.s32 $0xFFFFE000  }
0xac: {  	[tilespmem:s17], [sflag:$0x1] =	stream.indirect.gather [hbm4b:s4+s16], $0x80, s30, s16, $0xb8;
	[tilespmem:$0x1FC00] =	vst v63  }
0xad: {  	_ =	swait.ge [sflag:s31], $0x2000  }
0xae: {  	[sflag:s31] =	ssyncset.done $0x0  }
0xaf: {  	[sflag:s31] =	ssyncadd.s32 $0xFFFFE000  }
0xb0: {  	[spmem:s1] =	stream.indirect.scatter.add.f32 [tilespmem:s25], [sflag:$0x8], $0x80, s0, s16, $0xb8;
	[tilespmem:$0x1FC00] =	vst v63  }
0xb1: {  	_ =	swait.ge [sflag:s2], $0x2000  }
0xb2: {  	[sflag:s2] =	ssyncset.done $0x0  }
0xb3: {  	s12 =	simm.s32 $0x240;
	[sflag:s2] =	ssyncadd.s32 $0xFFFFE000  }
0xb4: {  	[tilespmem:s18], [sflag:$0x2] =	stream.indirect.gather [hbm4b:s4+s16], $0x80, s5, s16, $0xb8;
	[tilespmem:$0x1FC00] =	vst v63  }
.LBB2_5:
0xb5: {  	_ =	swait.ge [sflag:s19], $0x2000  }
0xb6: {  	s7 =	sshra.s32 s11, $0x2;
	[sflag:s19] =	ssyncset.done $0x0  }
0xb7: {  	s20 =	sadd.s32 $0x1600, s7;
	[sflag:s19] =	ssyncadd.s32 $0xFFFFE000  }
0xb8: {  	[spmem:s1] =	stream.indirect.scatter.add.f32 [tilespmem:s17], [sflag:$0x5], $0x80, s20, s16, $0xb8;
	[tilespmem:$0x1FC00] =	vst v63  }
0xb9: {  	_ =	swait.ge [sflag:s8], $0x2000  }
0xba: {  	[sflag:s8] =	ssyncset.done $0x0  }
0xbb: {  	s20 =	sadd.s32 $0xFFFFFF40, s12;
	[sflag:s8] =	ssyncadd.s32 $0xFFFFE000  }
0xbc: {  	[tilespmem:s21], [sflag:$0x3] =	stream.indirect.gather [hbm4b:s4+s16], $0x80, s20, s16, $0xb8;
	[tilespmem:$0x1FC00] =	vst v63  }
0xbd: {  	_ =	swait.ge [sflag:s22], $0x2000  }
0xbe: {  	[sflag:s22] =	ssyncset.done $0x0  }
0xbf: {  	s20 =	sadd.s32 $0x1680, s7;
	[sflag:s22] =	ssyncadd.s32 $0xFFFFE000  }
0xc0: {  	[spmem:s1] =	stream.indirect.scatter.add.f32 [tilespmem:s18], [sflag:$0x6], $0x80, s20, s16, $0xb8;
	[tilespmem:$0x1FC00] =	vst v63  }
0xc1: {  	_ =	swait.ge [sflag:s9], $0x2000  }
0xc2: {  	[sflag:s9] =	ssyncset.done $0x0  }
0xc3: {  	s20 =	sadd.s32 $0xFFFFFF80, s12;
	[sflag:s9] =	ssyncadd.s32 $0xFFFFE000  }
0xc4: {  	[tilespmem:s25], [sflag:$0x4] =	stream.indirect.gather [hbm4b:s4+s16], $0x80, s20, s16, $0xb8;
	[tilespmem:$0x1FC00] =	vst v63  }
0xc5: {  	_ =	swait.ge [sflag:s26], $0x2000  }
0xc6: {  	p0 =	seq.s32 s11, $0x9000;
	[sflag:s26] =	ssyncset.done $0x0  }
.Ltmp4:
0xc7: {  	s20 =	sadd.s32 $0x1700, s7;
	[sflag:s26] =	ssyncadd.s32 $0xFFFFE000;
	(pc) =	sbr.rel @p0 .LBB2_7-.Ltmp4, $4  }
0xc8: {  	[spmem:s1] =	stream.indirect.scatter.add.f32 [tilespmem:s21], [sflag:$0x7], $0x80, s20, s16, $0xb8;
	[tilespmem:$0x1FC00] =	vst v63  }
0xc9: {  	_ =	swait.ge [sflag:s29], $0x2000  }
0xca: {  	[sflag:s29] =	ssyncset.done $0x0  }
0xcb: {  	s7 =	sadd.s32 $0x1780, s7;
	[sflag:s29] =	ssyncadd.s32 $0xFFFFE000  }
0xcc: {  	s20 =	sadd.s32 $0xFFFFFFC0, s12  }
0xcd: {  	[tilespmem:s17], [sflag:$0x1] =	stream.indirect.gather [hbm4b:s4+s16], $0x80, s20, s16, $0xb8;
	[tilespmem:$0x1FC00] =	vst v63  }
0xce: {  	_ =	swait.ge [sflag:s31], $0x2000  }
0xcf: {  	[sflag:s31] =	ssyncset.done $0x0  }
0xd0: {  	[sflag:s31] =	ssyncadd.s32 $0xFFFFE000  }
0xd1: {  	[spmem:s1] =	stream.indirect.scatter.add.f32 [tilespmem:s25], [sflag:$0x8], $0x80, s7, s16, $0xb8;
	[tilespmem:$0x1FC00] =	vst v63  }
.Ltmp5:
0xd2: {  	_ =	swait.ge [sflag:s2], $0x2000;
	(pc) =	sbr.rel .LBB2_5-.Ltmp5, $4  }
0xd3: {  	[sflag:s2] =	ssyncset.done $0x0  }
0xd4: {  	[sflag:s2] =	ssyncadd.s32 $0xFFFFE000  }
0xd5: {  	[tilespmem:s18], [sflag:$0x2] =	stream.indirect.gather [hbm4b:s4+s16], $0x80, s12, s16, $0xb8;
	[tilespmem:$0x1FC00] =	vst v63  }
0xd6: {  	s11 =	sadd.s32 $0x800, s11;
	s12 =	sadd.s32 $0x100, s12  }
.LBB2_8:
0xd7: {  	_ =	sfence.sel $0x180000  }
0xd8: {  	[bflag:$0x0] =	sbarrier.arrive $0xFFFF  }
0xd9: {  	_ =	strace $0x9000004D  }
0xda: {  	s0 =	stileid.u32;
	[bflag:$0x2] =	sbarrier.arrive $0xFFFF  }
0xdb: {  	p0 =	sne.s32 s0, $0x0;
	s0 =	rddreg [dreg:$0x3]  }
0xdc: {  	s0 =	sadd.s32 @!p0 $0x100000, s0  }
0xdd: {  	[sflag:s0] =	ssyncadd.tile.s32 @!p0 $0x1;
	_ =	shalt  }
.Lfunc_end2:
_tile_overlayer_lowered:
.L_overlay_start_2:
0xde: {  	(tag) =	ssettag $0x2  }
0xdf: {  	s0 =	rddreg [dreg:$0x0];
	s2 =	stileid.u32  }
0xe0: {  	s1 =	rddreg [dreg:$0x1];
	p0 =	sne.s32 s2, $0x0  }
0xe1: {  	s3 =	rddreg [dreg:$0x2];
	[bflag:$0x3] =	sbarrier.arrive $0xFFFF;
	s2 =	simm.s32 @!p0 $0x1C09  }
0xe2: {  	[timem:s3], [sflag:s2] =	dma.local @!p0 [hbm:s0], s1  }
0xe3: {  	s0 =	simm.s32 @!p0 $0x9  }
0xe4: {  	_ =	swait.ge @!p0 [sflag:s0], s1  }
0xe5: {  	s1 =	ssub.s32 @!p0 $0x0, s1;
	[sflag:s0] =	ssyncset.done @!p0 $0x0  }
0xe6: {  	[sflag:s0] =	ssyncadd.s32 @!p0 s1  }
0xe7: {  	[bflag:$0x3] =	sbarrier.arrive $0xFFFF  }
0xe8: {  	_ =	shalt  }

// kernel: kernel.8.cloned.1.call-start
scs
__scs_entry_jumppad:
0x0: {  	(pc) =	sbr.rel $0x88, $3  }
0x1: {  	(tag) =	ssettag $0x0;
	lr =	simm.s32 $0x1  }
0x2: {  	[smem:$0x3F9B] =	sst lr;
	_ =	strace $0xD0000000  }
0x3: {  	_ = 	snop  }
0x4: {  	_ = 	snop  }
0x5: {  	_ = 	snop  }
0x6: {  	_ = 	snop  }
0x7: {  	_ = 	snop  }
__scs_overlays_trampoline_lowered:
0x8: {  	[smem:$0x3FAA] =	sst s0  }
0x9: {  	[smem:$0x3FAB] =	sst s1  }
0xa: {  	[smem:$0x3FAC] =	sst s2  }
0xb: {  	[smem:$0x3FAD] =	sst s3  }
0xc: {  	[smem:$0x3FAE] =	sst s4  }
0xd: {  	[smem:$0x3FAF] =	sst s5  }
0xe: {  	[smem:$0x3FB0] =	sst s6  }
0xf: {  	[smem:$0x3FB1] =	sst s7  }
0x10: {  	[smem:$0x3FB2] =	sst s8  }
0x11: {  	[smem:$0x3FB3] =	sst s9;
	s0 =	simm.s32 @!p0 $0x0  }
0x12: {  	s1 =	sld [smem:$0x3F99];
	s0 =	simm.s32 @p0 $0x1  }
0x13: {  	[smem:$0x3FB4] =	sst s0;
	s0 =	simm.s32 @!p1 $0x0  }
0x14: {  	s2 =	sld [smem:$0x3F98];
	s0 =	simm.s32 @p1 $0x1  }
0x15: {  	[smem:$0x3FB5] =	sst s0;
	s0 =	simm.s32 @!p2 $0x0  }
0x16: {  	s3 =	sld [smem:$0x3FDB];
	s0 =	simm.s32 @p2 $0x1  }
0x17: {  	s4 =	simm.s32 $0x1BF5;
	[smem:$0x3FB7] =	sst s0  }
0x18: {  	s0 =	sld [smem:$0x3F9A];
	_ =	swait.ge [sflag:s4], $0x0  }
0x19: {  	s7 =	sld [smem:$0x3F9B]  }
0x1a: {  	s8 =	sadd.s32 $0xFFFFE003, lr  }
0x1b: {  	s9 =	sadd.s32 $0xFFFFFEF7, lr;
	s5 =	simm.s32 $0xFFFFFFFF;
	p2 =	slt.u32 s8, $0xFFFFF086  }
0x1c: {  	p1 =	slt.u32 s9, $0xF7A;
	s5 =	simm.s32 @!p2 $0x0  }
0x1d: {  	s5 =	simm.s32 @p1 $0x1;
	p0 =	seq.s32 s7, s2  }
0x1e: {  	s7 =	smul.u32 @!p0 $0xF7A, s2;
	p2 =	seq.s32 @!p0 s5, $0x0  }
0x1f: {  	s9 =	smul.u32 $0xF7A, s1;
	s8 =	simm.s32 @!p0 $0x1BF5;
	p2 =	por !p2, p0  }
0x20: {  	[sflag:s8] =	ssyncset.s32 @!p0 $0xFFFFF086;
	s6 =	sadd.s32 @!p0 s3, s7;
	s7 =	simm.s32 @!p0 $0x108  }
0x21: {  	s3 =	sadd.s32 s3, s9;
	s6 =	sadd.s32 @!p0 $0x88, s6;
	s7 =	simm.s32 @p2 $0x1082  }
0x22: {  	[simem:s7], [sflag:s8] =	dma.local @!p0 [hbm:s6], $0xF7A  }
0x23: {  	s9 =	sor.u32 $0xD0000000, s2;
	s6 =	simm.s32 $0x108;
	_ =	swait.ge @!p0 [sflag:s8], $0x0  }
0x24: {  	s3 =	sadd.s32 $0x88, s3;
	s6 =	simm.s32 @!p1 $0x1082;
	[sflag:s4] =	ssyncset.s32 $0xFFFFF086  }
0x25: {  	[simem:s6], [sflag:s4] =	dma.local [hbm:s3], $0xF7A  }
0x26: {  	[smem:$0x3F9B] =	sst s1;
	(tag) =	ssettag s2;
	_ =	strace s9  }
0x27: {  	s1 =	sld [smem:$0x3FAB]  }
0x28: {  	s2 =	sld [smem:$0x3FAC]  }
0x29: {  	s4 =	sld [smem:$0x3FAE]  }
0x2a: {  	p0 =	seq.s32 s5, $0x0;
	s5 =	sld [smem:$0x3FAF]  }
0x2b: {  	s6 =	sld [smem:$0x3FB0]  }
0x2c: {  	s7 =	sld [smem:$0x3FB1]  }
0x2d: {  	s3 =	simm.s32 $0x108;
	s8 =	sld [smem:$0x3FB2]  }
0x2e: {  	s3 =	simm.s32 @!p0 $0x1082;
	s9 =	sld [smem:$0x3FB3]  }
0x2f: {  	lr =	sadd.s32 s0, s3;
	s0 =	sld [smem:$0x3FAA]  }
0x30: {  	s3 =	sld [smem:$0x3FAD]  }
0x31: {  	[smem:$0x3FB6] =	sst s10  }
0x32: {  	s10 =	sld [smem:$0x3FB4];
	_ =	sdelay $0x3  }
0x33: {  	p0 =	seq.s32 s10, $0x1;
	s10 =	sld [smem:$0x3FB6];
	_ =	sdelay $0x3  }
0x34: {  	[smem:$0x3FB6] =	sst s10  }
0x35: {  	s10 =	sld [smem:$0x3FB5];
	_ =	sdelay $0x3  }
0x36: {  	p1 =	seq.s32 s10, $0x1;
	s10 =	sld [smem:$0x3FB6];
	_ =	sdelay $0x3  }
0x37: {  	[smem:$0x3FB6] =	sst s10  }
0x38: {  	s10 =	sld [smem:$0x3FB7]  }
0x39: {  	_ = 	snop;
	(pc) =	sbr.ind lr, $3  }
0x3a: {  	_ = 	snop  }
0x3b: {  	_ = 	snop  }
0x3c: {  	p2 =	seq.s32 s10, $0x1;
	s10 =	sld [smem:$0x3FB6]  }
0x3d: {  	_ =	shalt  }
0x3e: {  	_ =	shalt  }
0x3f: {  	_ =	shalt  }
0x40: {  	_ =	shalt  }
0x41: {  	_ =	shalt  }
0x42: {  	_ =	shalt  }
0x43: {  	_ =	shalt  }
0x44: {  	_ =	shalt  }
0x45: {  	_ =	shalt  }
0x46: {  	_ =	shalt  }
0x47: {  	_ =	shalt  }
0x48: {  	_ =	shalt  }
0x49: {  	_ =	shalt  }
0x4a: {  	_ =	shalt  }
0x4b: {  	_ =	shalt  }
0x4c: {  	_ =	shalt  }
0x4d: {  	_ =	shalt  }
0x4e: {  	_ =	shalt  }
0x4f: {  	_ =	shalt  }
0x50: {  	_ =	shalt  }
0x51: {  	_ =	shalt  }
0x52: {  	_ =	shalt  }
0x53: {  	_ =	shalt  }
0x54: {  	_ =	shalt  }
0x55: {  	_ =	shalt  }
0x56: {  	_ =	shalt  }
0x57: {  	_ =	shalt  }
0x58: {  	_ =	shalt  }
0x59: {  	_ =	shalt  }
0x5a: {  	_ =	shalt  }
0x5b: {  	_ =	shalt  }
0x5c: {  	_ =	shalt  }
0x5d: {  	_ =	shalt  }
0x5e: {  	_ =	shalt  }
0x5f: {  	_ =	shalt  }
0x60: {  	_ =	shalt  }
0x61: {  	_ =	shalt  }
0x62: {  	_ =	shalt  }
0x63: {  	_ =	shalt  }
0x64: {  	_ =	shalt  }
0x65: {  	_ =	shalt  }
0x66: {  	_ =	shalt  }
0x67: {  	_ =	shalt  }
0x68: {  	_ =	shalt  }
0x69: {  	_ =	shalt  }
0x6a: {  	_ =	shalt  }
0x6b: {  	_ =	shalt  }
0x6c: {  	_ =	shalt  }
0x6d: {  	_ =	shalt  }
0x6e: {  	_ =	shalt  }
0x6f: {  	_ =	shalt  }
0x70: {  	_ =	shalt  }
0x71: {  	_ =	shalt  }
0x72: {  	_ =	shalt  }
0x73: {  	_ =	shalt  }
0x74: {  	_ =	shalt  }
0x75: {  	_ =	shalt  }
0x76: {  	_ =	shalt  }
0x77: {  	_ =	shalt  }
0x78: {  	_ =	shalt  }
0x79: {  	_ =	shalt  }
0x7a: {  	_ =	shalt  }
0x7b: {  	_ =	shalt  }
0x7c: {  	_ =	shalt  }
0x7d: {  	_ =	shalt  }
0x7e: {  	_ =	shalt  }
0x7f: {  	_ =	shalt  }
0x80: {  	_ =	shalt  }
0x81: {  	_ =	shalt  }
0x82: {  	_ =	shalt  }
0x83: {  	_ =	shalt  }
0x84: {  	_ =	shalt  }
0x85: {  	_ =	shalt  }
0x86: {  	_ =	shalt  }
0x87: {  	_ =	shalt  }
.Lfunc_end0:
.L_simem_size_0:
called_computation_lowered:
.L_overlay_start_0:
0x88: {  	s2 =	sld [smem:$0x3FD9]  }
0x89: {  	s3 =	sld [smem:$0x3FFE];
	_ =	sdelay $0x1  }
0x8a: {  	s1 =	srdreg.scid  }
0x8b: {  	s0 =	sand.u32 $0x1, s1  }
0x8c: {  	s16 =	sshll.u32 s0, $0xA;
	s2 =	sadd.s32 s3, s2  }
0x8d: {  	s2 =	sadd.s32 s2, s16  }
0x8e: {  	[smem:$0x3FC2] =	sst s2  }
0x8f: {  	_ = 	snop  }
0x90: {  	(tm) =	ssettm $0x1  }
0x91: {  	s17 =	sld [smem:$0x3FFB];
	_ =	sdelay $0x3  }
0x92: {  	_ =	strace s17  }
0x93: {  	s2 =	sld [smem:$0x3FFC];
	_ =	sdelay $0x3  }
0x94: {  	_ =	strace s2  }
0x95: {  	s2 =	sld [smem:$0x3FFD];
	_ =	sdelay $0x3  }
0x96: {  	_ =	strace s2  }
0x97: {  	_ =	strace $0x8FFFFFFF  }
0x98: {  	s18 =	sld [smem:$0x3FDB];
	_ =	sdelay $0x1  }
0x99: {  	s19 =	simm.s32 $_scs_section_size  }
0x9a: {  	s4 =	simm.s32 $_size__tile_overlayer_lowered;
	s5 =	simm.s32 $_tile_overlayer_lowered  }
0x9b: {  	s22 =	simm.s32 $0x1BFF;
	s21 =	sshll.u32 s5, $0x1;
	s2 =	sadd.s32 s19, s18  }
0x9c: {  	s6 =	simm.s32 $0x0;
	s20 =	sshll.u32 s4, $0x1;
	s4 =	sadd.s32 s21, s2  }
0x9d: {  	[timem:s6], [sflag:s22] =	dma.local [hbm:s4], s20  }
0x9e: {  	_ =	swait.ge [sflag:s22], s20  }
0x9f: {  	s3 =	ssub.s32 $0x0, s20;
	[sflag:s22] =	ssyncset.done $0x0  }
0xa0: {  	[sflag:s22] =	ssyncadd.s32 s3;
	_ =	sdelay $0x1  }
0xa1: {  	s23 =	simm.s32 $0x1B8B  }
0xa2: {  	_ =	swait.ge [sflag:s23], $0x1  }
0xa3: {  	[sflag:s23] =	ssyncset.done $0x0  }
0xa4: {  	s25 =	simm.s32 $0x1B8E;
	s24 =	sld [smem:$0x3FFE];
	[sflag:s23] =	ssyncadd.s32 $0xFFFFFFFF  }
0xa5: {  	s26 =	simm.s32 $execute0_lowered;
	[smem:$0x3FD2] =	sst s25  }
0xa6: {  	s4 =	sshll.u32 s26, $0x1;
	_ =	strace $0x80000046;
	[dreg:$0x1] =	wrdreg $0xFFFFFFFF  }
0xa7: {  	s28 =	simm.s32 $_size_execute0_lowered;
	s2 =	sadd.s32 s2, s4;
	[dreg:$0x0] =	wrdreg $0x0  }
0xa8: {  	s4 =	sshll.u32 s28, $0x1;
	[dreg:$0x2] =	wrdreg s2  }
0xa9: {  	[dreg:$0x3] =	wrdreg s4  }
0xaa: {  	[dreg:$0x4] =	wrdreg $0xC0  }
0xab: {  	_ =	task [dreg:s6], $0x5FFFF  }
0xac: {  	[dreg:$0x1] =	wrdreg $0xFFFFFFFF  }
0xad: {  	[dreg:$0x0] =	wrdreg $0x60  }
0xae: {  	[dreg:$0x2] =	wrdreg s24  }
0xaf: {  	[dreg:$0x3] =	wrdreg $0x9  }
0xb0: {  	_ =	task.clear_ibuf [dreg:s6], $0x4FFFF;
	_ =	strace $0x90000046  }
0xb1: {  	s29 =	simm.s32 $0x9;
	_ =	strace $0x80000048  }
0xb2: {  	_ =	swait.ge [sflag:s29], $0x1  }
0xb3: {  	[sflag:s29] =	ssyncadd.s32 $0xFFFFFFFF  }
0xb4: {  	_ =	strace $0x90000048  }
0xb5: {  	_ =	sfence  }
0xb6: {  	s30 =	sld [smem:$0x0];
	_ =	sdelay $0x2  }
0xb7: {  	s31 =	sshll.u32 s1, $0xD;
	s1 =	sshrl.u32 s1, $0x2  }
0xb8: {  	s3 =	sand.u32 $0x4000, s31;
	s1 =	sadd.s32 s1, s30  }
0xb9: {  	s0 =	sor.u32 s3, s0;
	s1 =	sshll.u32 s1, $0x11  }
0xba: {  	s0 =	sor.u32 s1, s0  }
0xbb: {  	s0 =	sadd.s32 $0x8F2B, s0  }
0xbc: {  	[sflag:s0] =	ssyncadd.remote.s32 $0x1  }
0xbd: {  	_ =	sfence.sel $0xFFFF  }
0xbe: {  	[dreg:$0x0] =	wrdreg $0xFFFFFFFF;
	(pc) =	sbr.abs _section_cstart, $3  }
0xbf: {  	[dreg:$0x1] =	wrdreg $0xFFFFFFFF  }
0xc0: {  	_ =	task.clear_ibuf [dreg:s6], $0x2FFFF;
	_ =	strace $0x9FFFFFFF  }
0xc1: {  	(tm) =	ssettm $0x7FFFFFFF  }
tec
execute0_lowered:
.L_overlay_start_1:
0x0: {  	(tag) =	ssettag $0x1  }
0x1: {  	s0 =	srdreg.scid  }
0x2: {  	s3 =	sand.u32 $0x1, s0  }
0x3: {  	s4 =	rddreg [dreg:$0x0];
	s0 =	stileid.u32;
	s1 =	sshll.u32 s3, $0x4  }
0x4: {  	s2 =	simm.s32 $0x0;
	s8 =	simm.s32 $0x0;
	s5 =	sor.u32 s0, s1  }
0x5: {  	[smem:$0x7FF] =	sst s2;
	s3 =	ssub.s32 $0x2, s3;
	s6 =	smul.u32 $0x280, s5  }
0x6: {  	s1 =	rddreg [dreg:$0x1];
	s7 =	sshrl.u32 s3, $0x1;
	s5 =	smul.u32 $0x500, s5  }
0x7: {  	_ =	strace $0x80000047;
	s31 =	ssub.s32 s3, s7;
	s7 =	simm.s32 $0x1400  }
0x8: {  	s6 =	sadd.s32 s6, s4;
	s4 =	sadd.s32 s5, s4;
	s5 =	smax.u32 s31, $0x1  }
0x9: {  	v0 =	vimm.f32 $0.0e+00;
	v1 =	vimm.f32 $1.000000000e+00;
	s3 =	sadd.s32 $0x1800, s6;
	s4 =	sadd.s32 $0x6800, s4;
	s6 =	simm.s32 $0x1  }
.LBB2_1:
0xa: {  	[tilespmem:s2], [sflag:$0x1] =	stream.linear.gather [hbm4b:s3+s2], $0x1400, $0x38;
	[tilespmem:$0x3C00] =	vst v63  }
0xb: {  	_ =	swait.ge [sflag:s6], $0x1400  }
0xc: {  	[sflag:s6] =	ssyncset.done $0x0  }
0xd: {  	s9 =	simm.s32 $0x0;
	[sflag:s6] =	ssyncadd.s32 $0xFFFFEC00  }
.LBB2_2:
0xe: {  	p0 =	sne.s32 s9, $0x9FC0  }
.Ltmp0:
0xf: {  	_ = 	snop;
	(pc) =	sbr.rel @p0 .LBB2_2-.Ltmp0, $3  }
0x10: {  	_ =	sdelay $0x1  }
0x11: {  	s10 =	sshra.s32 s9, $0x2  }
0x12: {  	s9 =	sadd.s32 $0x40, s9;
	[tilespmem:s10+$0x1400] =	vst v0  }
0x13: {  	s10 =	simm.s32 $0x0;
	s9 =	simm.s32 $0x40  }
.LBB2_4:
0x14: {  	p0 =	sne.s32 s9, $0x4FC0;
	v2 =	vld [tilespmem:s10+$0x0];
	_ =	sdelay $0x3  }
.Ltmp1:
0x15: {  	(pc) =	sbr.rel @p0 .LBB2_4-.Ltmp1, $2  }
0x16: {  	_ =	sdelay $0x2  }
0x17: {  	s10 =	sshra.s32 s9, $0x2;
	s9 =	sadd.s32 $0x40, s9;
	[tilespmem:v2+s7+$0x0] =	vst.idx.add.f32.msk $0xffff, v1  }
0x18: {  	v2 =	vld [tilespmem:s10+$0x0];
	_ =	sdelay $0x5  }
0x19: {  	s8 =	sadd.s32 $0x1, s8  }
0x1a: {  	p0 =	sne.s32 s8, s5  }
.Ltmp2:
0x1b: {  	[tilespmem:v2+s7+$0x0] =	vst.idx.add.f32.msk $0xffff, v1;
	(pc) =	sbr.rel @p0 .LBB2_1-.Ltmp2, $4  }
0x1c: {  	[hbm4b:s4+s2] =	stream.linear.scatter [tilespmem:s7], [sflag:$0x1], $0x2800, $0x38;
	[tilespmem:$0x3C00] =	vst v63  }
0x1d: {  	_ =	swait.ge [sflag:s6], $0x2800  }
0x1e: {  	[sflag:s6] =	ssyncset.done $0x0  }
0x1f: {  	[sflag:s6] =	ssyncadd.s32 $0xFFFFD800  }
0x20: {  	_ =	sfence.sel $0x180000  }
0x21: {  	[bflag:$0x0] =	sbarrier.arrive $0xFFFF  }
0x22: {  	p0 =	sne.s32 s0, $0x0;
	_ =	strace $0x90000047  }
0x23: {  	s0 =	sadd.s32 @!p0 $0x100000, s1;
	[bflag:$0x2] =	sbarrier.arrive $0xFFFF  }
0x24: {  	[sflag:s0] =	ssyncadd.tile.s32 @!p0 $0x1;
	_ =	shalt  }
.Lfunc_end2:
_tile_overlayer_lowered:
.L_overlay_start_2:
0x25: {  	(tag) =	ssettag $0x2  }
0x26: {  	s0 =	rddreg [dreg:$0x0];
	s2 =	stileid.u32  }
0x27: {  	s1 =	rddreg [dreg:$0x1];
	p0 =	sne.s32 s2, $0x0  }
0x28: {  	s3 =	rddreg [dreg:$0x2];
	[bflag:$0x3] =	sbarrier.arrive $0xFFFF;
	s2 =	simm.s32 @!p0 $0x1C01  }
0x29: {  	[timem:s3], [sflag:s2] =	dma.local @!p0 [hbm:s0], s1  }
0x2a: {  	s0 =	simm.s32 @!p0 $0x1  }
0x2b: {  	_ =	swait.ge @!p0 [sflag:s0], s1  }
0x2c: {  	s1 =	ssub.s32 @!p0 $0x0, s1;
	[sflag:s0] =	ssyncset.done @!p0 $0x0  }
0x2d: {  	[sflag:s0] =	ssyncadd.s32 @!p0 s1  }
0x2e: {  	[bflag:$0x3] =	sbarrier.arrive $0xFFFF  }
0x2f: {  	_ =	shalt  }

</sc_bundles>
